<compile_context>
chip_gen: v7x
topology: tpu7x:2x2x1
jax: 0.10.2.dev20260603
libtpu: 0.0.44.dev20260713+nightly
codegen_flags: <defaults>
</compile_context>

<pallas_src>
import functools

import jax
import jax.numpy as jnp
from jax import lax
from jax.experimental import pallas as pl
from jax.experimental.pallas import tpu as pltpu
from jax.experimental.pallas import tpu_sc as plsc

N = 10000
E = 320000
D = 128
G = 256

NC = 2
NS = 16
NW = NC * NS

NPAD = 10240
RPT = NPAD // NS
EPW = E // NW
K = 80
NCHUNK = EPW // K

BN = 2048
NB = NPAD // BN


_sc_mesh = plsc.VectorSubcoreMesh(
    core_axis_name="c", subcore_axis_name="s", num_cores=NC, num_subcores=NS
)


@functools.partial(
    pl.kernel,
    out_type=jax.ShapeDtypeStruct((NC * NPAD, D), jnp.float32),
    mesh=_sc_mesh,
    scratch_types=[
        pltpu.VMEM_SHARED((NPAD, D), jnp.float32),
        pltpu.VMEM((EPW,), jnp.int32),
        pltpu.VMEM((NCHUNK, K), jnp.int32),
        pltpu.VMEM((K, D), jnp.float32),
        pltpu.VMEM((K, D), jnp.float32),
        pltpu.SemaphoreType.DMA,
        pltpu.SemaphoreType.DMA,
        pltpu.SemaphoreType.DMA,
        pltpu.SemaphoreType.DMA,
    ],
)
def _sc_agg(h_hbm, src_hbm, dst_hbm, zero_hbm, out_hbm,
            acc, srcs_v, dsts_v, rows0, rows1, gsem0, gsem1, wsem0, wsem1):
    c = lax.axis_index("c")
    s = lax.axis_index("s")
    wid = s * NC + c
    row0 = s * RPT
    rows = (rows0, rows1)
    gsems = (gsem0, gsem1)
    wsems = (wsem0, wsem1)
    nwrit = RPT // K

    pltpu.sync_copy(src_hbm.at[wid], srcs_v)
    pltpu.sync_copy(dst_hbm.at[wid], dsts_v)
    pltpu.sync_copy(zero_hbm, rows1)

    def _sidx(cc):
        return srcs_v.at[pl.ds(cc * K, K)]

    pltpu.async_copy(h_hbm.at[_sidx(0)], rows0, gsem0)
    for j in range(nwrit):
        pltpu.async_copy(rows1, acc.at[pl.ds(row0 + j * K, K)], wsem0)
    for j in range(nwrit):
        pltpu.make_async_copy(
            rows1, acc.at[pl.ds(row0 + j * K, K)], wsem0
        ).wait()
    plsc.subcore_barrier()

    def _half(cc, cur, nxt, cur_sem, nxt_sem):
        pltpu.async_copy(h_hbm.at[_sidx(cc + 1)], nxt, nxt_sem)
        pltpu.make_async_copy(h_hbm.at[_sidx(cc)], cur, cur_sem).wait()
        pltpu.sync_copy(cur, acc.at[dsts_v.at[cc]], add=True)

    def _pair(j, carry):
        c0 = 2 * j
        _half(c0, rows0, rows1, gsem0, gsem1)
        _half(c0 + 1, rows1, rows0, gsem1, gsem0)
        return carry

    lax.fori_loop(0, (NCHUNK - 1) // 2, _pair, 0)
    last = NCHUNK - 1
    pltpu.make_async_copy(h_hbm.at[_sidx(last)], rows0, gsem0).wait()
    pltpu.sync_copy(rows0, acc.at[dsts_v.at[last]], add=True)

    plsc.subcore_barrier()

    out0 = c * NPAD + row0

    def _acc_rows(j):
        return acc.at[pl.ds(row0 + j * K, K)]

    def _out_rows(j):
        return out_hbm.at[pl.ds(out0 + j * K, K)]

    pltpu.async_copy(_acc_rows(0), rows0, gsem0)
    for j in range(nwrit):
        b = j % 2
        pltpu.make_async_copy(_acc_rows(j), rows[b], gsems[b]).wait()
        pltpu.async_copy(rows[b], _out_rows(j), wsems[b])
        if j + 1 < nwrit:
            if j >= 1:
                pltpu.make_async_copy(
                    rows[1 - b], _out_rows(j - 1), wsems[1 - b]
                ).wait()
            pltpu.async_copy(_acc_rows(j + 1), rows[1 - b], gsems[1 - b])
    pltpu.make_async_copy(
        rows[(nwrit - 1) % 2], _out_rows(nwrit - 1), wsems[(nwrit - 1) % 2]
    ).wait()


def _embed_body(x_ref, w_ref, b_ref, o_ref):
    o_ref[...] = (
        jnp.dot(x_ref[...], w_ref[...], preferred_element_type=jnp.float32)
        + b_ref[...]
    )


_embed = pl.pallas_call(
    _embed_body,
    grid=(NB,),
    in_specs=[
        pl.BlockSpec((BN, D), lambda i: (i, 0)),
        pl.BlockSpec((D, D), lambda i: (0, 0)),
        pl.BlockSpec((1, D), lambda i: (0, 0)),
    ],
    out_specs=pl.BlockSpec((BN, D), lambda i: (i, 0)),
    out_shape=jax.ShapeDtypeStruct((NPAD, D), jnp.float32),
)


def _mlp_body(h_ref, a0_ref, a1_ref, w1_ref, b1_ref, w2_ref, b2_ref, o_ref,
              *, relu_out):
    m = h_ref[...] + a0_ref[...] + a1_ref[...]
    t = jnp.maximum(
        jnp.dot(m, w1_ref[...], preferred_element_type=jnp.float32)
        + b1_ref[...],
        0.0,
    )
    r = (
        jnp.dot(t, w2_ref[...], preferred_element_type=jnp.float32)
        + b2_ref[...]
    )
    if relu_out:
        r = jnp.maximum(r, 0.0)
    o_ref[...] = r


def _make_mlp(relu_out):
    return pl.pallas_call(
        functools.partial(_mlp_body, relu_out=relu_out),
        grid=(NB,),
        in_specs=[
            pl.BlockSpec((BN, D), lambda i: (i, 0)),
            pl.BlockSpec((BN, D), lambda i: (i, 0)),
            pl.BlockSpec((BN, D), lambda i: (i + NB, 0)),
            pl.BlockSpec((D, D), lambda i: (0, 0)),
            pl.BlockSpec((1, D), lambda i: (0, 0)),
            pl.BlockSpec((D, D), lambda i: (0, 0)),
            pl.BlockSpec((1, D), lambda i: (0, 0)),
        ],
        out_specs=pl.BlockSpec((BN, D), lambda i: (i, 0)),
        out_shape=jax.ShapeDtypeStruct((NPAD, D), jnp.float32),
    )


_mlp_relu = _make_mlp(True)


def _mlp_pool_body(h_ref, a0_ref, a1_ref, w1_ref, b1_ref, w2_ref, b2_ref,
                   b_ref, wt1_ref, bt1_ref, wt2_ref, bt2_ref, o_ref,
                   sums_ref, cnts_ref):
    i = pl.program_id(0)

    @pl.when(i == 0)
    def _init():
        sums_ref[...] = jnp.zeros_like(sums_ref)
        cnts_ref[...] = jnp.zeros_like(cnts_ref)

    m = h_ref[...] + a0_ref[...] + a1_ref[...]
    t = jnp.maximum(
        jnp.dot(m, w1_ref[...], preferred_element_type=jnp.float32)
        + b1_ref[...],
        0.0,
    )
    r = (
        jnp.dot(t, w2_ref[...], preferred_element_type=jnp.float32)
        + b2_ref[...]
    )
    b = b_ref[0, :, :]
    oh = (b == lax.broadcasted_iota(jnp.int32, (G, BN), 0)).astype(jnp.float32)
    sums_ref[...] += jnp.dot(oh, r, preferred_element_type=jnp.float32)
    cnts_ref[...] += jnp.sum(oh, axis=1, keepdims=True)

    @pl.when(i == NB - 1)
    def _fin():
        pooled = sums_ref[...] / jnp.maximum(cnts_ref[...], 1.0)
        tt = jnp.maximum(
            jnp.dot(pooled, wt1_ref[...], preferred_element_type=jnp.float32)
            + bt1_ref[...],
            0.0,
        )
        o_ref[...] = (
            jnp.dot(tt, wt2_ref[...], preferred_element_type=jnp.float32)
            + bt2_ref[...]
        )


_mlp_pool = pl.pallas_call(
    _mlp_pool_body,
    grid=(NB,),
    in_specs=[
        pl.BlockSpec((BN, D), lambda i: (i, 0)),
        pl.BlockSpec((BN, D), lambda i: (i, 0)),
        pl.BlockSpec((BN, D), lambda i: (i + NB, 0)),
        pl.BlockSpec((D, D), lambda i: (0, 0)),
        pl.BlockSpec((1, D), lambda i: (0, 0)),
        pl.BlockSpec((D, D), lambda i: (0, 0)),
        pl.BlockSpec((1, D), lambda i: (0, 0)),
        pl.BlockSpec((1, 1, BN), lambda i: (i, 0, 0)),
        pl.BlockSpec((D, D), lambda i: (0, 0)),
        pl.BlockSpec((1, D), lambda i: (0, 0)),
        pl.BlockSpec((D, 1), lambda i: (0, 0)),
        pl.BlockSpec((1, 1), lambda i: (0, 0)),
    ],
    out_specs=pl.BlockSpec((G, 1), lambda i: (0, 0)),
    out_shape=jax.ShapeDtypeStruct((G, 1), jnp.float32),
    scratch_shapes=[
        pltpu.VMEM((G, D), jnp.float32),
        pltpu.VMEM((G, D), jnp.float32),
    ],
)


def kernel(x, edge_index, batch, We, be,
           W1_0, b1_0, W2_0, b2_0,
           W1_1, b1_1, W2_1, b2_1,
           W1_2, b1_2, W2_2, b2_2,
           Wt1, bt1, Wt2, bt2):
    src = edge_index[0].reshape(NW, EPW)
    dst = edge_index[1].reshape(NW, NCHUNK, K)
    xp = jnp.zeros((NPAD, D), jnp.float32).at[:N].set(x)
    batchp = (
        jnp.full((NPAD,), G, jnp.int32).at[:N].set(batch).reshape(NB, 1, BN)
    )
    zrows = jnp.zeros((K, D), jnp.float32)

    h = _embed(xp, We, be.reshape(1, D))
    for W1, b1, W2, b2 in ((W1_0, b1_0, W2_0, b2_0), (W1_1, b1_1, W2_1, b2_1)):
        agg = _sc_agg(h, src, dst, zrows)
        h = _mlp_relu(h, agg, agg, W1, b1.reshape(1, D), W2, b2.reshape(1, D))

    agg = _sc_agg(h, src, dst, zrows)
    return _mlp_pool(
        h, agg, agg, W1_2, b1_2.reshape(1, D), W2_2, b2_2.reshape(1, D),
        batchp, Wt1, bt1.reshape(1, D), Wt2, bt2.reshape(1, 1),
    )

# --- scband reference (transcript-rebuilt; emitter-appended) ---
"""Pipeline reference for scband-py-ggin-42322607735316 (READ-ONLY COPY).

The authoritative reference and input builder live on the scoring server;
editing this copy changes nothing except your own understanding.
"""

import jax, jax.numpy as jnp
import numpy as np

N = 10000
E = 320000
D = 128
G = 256
EPS = 0.0


def setup_inputs(seed: int = 0) -> dict:
    key = jax.random.key(seed)
    ks = jax.random.split(key, 24)
    scale = 0.05
    inp = {}
    inp["x"] = jax.random.normal(ks[0], (N, D), dtype=jnp.float32)
    inp["edge_index"] = jax.random.randint(ks[1], (2, E), 0, N, dtype=jnp.int32)
    inp["batch"] = jnp.sort(jax.random.randint(ks[2], (N,), 0, G, dtype=jnp.int32))
    # NodeFeatEmbed: PyG MLP([128,128]) -> single Linear (plain_last)
    inp["We"] = jax.random.normal(ks[3], (D, D), dtype=jnp.float32) * scale
    inp["be"] = jnp.zeros((D,), dtype=jnp.float32)
    # 3 GINConv layers, each with MLP([in, hid, hid]) = Linear-ReLU-Linear
    for i in range(3):
        inp[f"W1_{i}"] = jax.random.normal(ks[4 + 4 * i], (D, D), dtype=jnp.float32) * scale
        inp[f"b1_{i}"] = jnp.zeros((D,), dtype=jnp.float32)
        inp[f"W2_{i}"] = jax.random.normal(ks[5 + 4 * i], (D, D), dtype=jnp.float32) * scale
        inp[f"b2_{i}"] = jnp.zeros((D,), dtype=jnp.float32)
    # TaskLayer: MLP([128, 128, 1]) = Linear-ReLU-Linear (plain last)
    inp["Wt1"] = jax.random.normal(ks[20], (D, D), dtype=jnp.float32) * scale
    inp["bt1"] = jnp.zeros((D,), dtype=jnp.float32)
    inp["Wt2"] = jax.random.normal(ks[21], (D, 1), dtype=jnp.float32) * scale
    inp["bt2"] = jnp.zeros((1,), dtype=jnp.float32)
    return inp


def _gin_conv(h, src, dst, W1, b1, W2, b2):
    # GINConv: MLP((1 + eps) * x + sum_{j in N(i)} x_j)
    agg = jax.ops.segment_sum(h[src], dst, num_segments=N)
    m = (1.0 + EPS) * h + agg
    return jnp.maximum(m @ W1 + b1, 0.0) @ W2 + b2


def reference(x, edge_index, batch, We, be,
              W1_0, b1_0, W2_0, b2_0,
              W1_1, b1_1, W2_1, b2_1,
              W1_2, b1_2, W2_2, b2_2,
              Wt1, bt1, Wt2, bt2):
    src = edge_index[0]
    dst = edge_index[1]
    # NodeFeatEmbed
    h = x @ We + be
    # GIN stack: ReLU between convs, none after last (jk=None)
    h = _gin_conv(h, src, dst, W1_0, b1_0, W2_0, b2_0)
    h = jnp.maximum(h, 0.0)
    h = _gin_conv(h, src, dst, W1_1, b1_1, W2_1, b2_1)
    h = jnp.maximum(h, 0.0)
    h = _gin_conv(h, src, dst, W1_2, b1_2, W2_2, b2_2)
    # global_mean_pool over batch vector
    sums = jax.ops.segment_sum(h, batch, num_segments=G)
    counts = jax.ops.segment_sum(jnp.ones((N, 1), dtype=h.dtype), batch, num_segments=G)
    pooled = sums / jnp.maximum(counts, 1.0)
    # TaskLayer
    out = jnp.maximum(pooled @ Wt1 + bt1, 0.0) @ Wt2 + bt2
    return out

if __name__ == "__main__":
    import jax
    _d = setup_inputs()
    print(jax.jit(kernel)(*tuple(_d.values())))

</pallas_src>

<mosaic_0001>
#map = affine_map<(d0, d1) -> (0, 0)>
#map1 = affine_map<(d0, d1) -> (0, 0, 0)>
module attributes {stable_mosaic.version = 14 : i64} {
  func.func @_sc_agg(%arg0: i32, %arg1: i32, %arg2: memref<10240x128xf32, #tpu.memory_space<hbm>>, %arg3: memref<32x10000xi32, #tpu.memory_space<hbm>>, %arg4: memref<32x125x80xi32, #tpu.memory_space<hbm>>, %arg5: memref<80x128xf32, #tpu.memory_space<hbm>>, %arg6: memref<20480x128xf32, #tpu.memory_space<hbm>>, %arg7: memref<10240x128xf32, #tpu.memory_space<vmem_shared>>, %arg8: memref<10000xi32, #tpu.memory_space<vmem>>, %arg9: memref<125x80xi32, #tpu.memory_space<vmem>>, %arg10: memref<80x128xf32, #tpu.memory_space<vmem>>, %arg11: memref<80x128xf32, #tpu.memory_space<vmem>>, %arg12: memref<!tpu.dma_semaphore, #tpu.memory_space<semaphore_mem>>, %arg13: memref<!tpu.dma_semaphore, #tpu.memory_space<semaphore_mem>>, %arg14: memref<!tpu.dma_semaphore, #tpu.memory_space<semaphore_mem>>, %arg15: memref<!tpu.dma_semaphore, #tpu.memory_space<semaphore_mem>>) attributes {dimension_semantics = [#tpu.dimension_semantics<core_parallel>, #tpu.dimension_semantics<subcore_parallel>], iteration_bounds = array<i64: 2, 16>, scalar_prefetch = 0 : i64, scratch_operands = 9 : i64, tpu.core_type = #tpu.core_type<sc_vector_subcore>, window_params = [{transform_indices = #map}, {transform_indices = #map}, {transform_indices = #map1}, {transform_indices = #map}, {transform_indices = #map}]} {
    %mul3A = arith.constant 2 : i32
    %mul3A_0 = arith.muli %arg1, %mul3A : i32
    %add3A = arith.addi %mul3A_0, %arg0 : i32
    %mul3A_1 = arith.constant 640 : i32
    %mul3A_2 = arith.muli %arg1, %mul3A_1 : i32
    "tpu.region"() ({
      %run_scoped3A_302 = tpu.sem_alloc : memref<!tpu.dma_semaphore, #tpu.memory_space<semaphore_mem>>
      %dma_start3A_303 = arith.constant 0 : i32
      %dma_start3A_304 = tpu.memref_slice %arg3[%add3A, %dma_start3A_303] : memref<32x10000xi32, #tpu.memory_space<hbm>> -> memref<1x10000xi32, #tpu.memory_space<hbm>>
      %dma_start3A_305 = tpu.memref_squeeze %dma_start3A_304 : memref<1x10000xi32, #tpu.memory_space<hbm>> -> memref<10000xi32, #tpu.memory_space<hbm>>
      %dma_start3A_306 = arith.constant 0 : i32
      %dma_start3A_307 = tpu.memref_slice %arg3[%add3A, %dma_start3A_306] : memref<32x10000xi32, #tpu.memory_space<hbm>> -> memref<1x10000xi32, #tpu.memory_space<hbm>>
      %dma_start3A_308 = tpu.memref_squeeze %dma_start3A_307 : memref<1x10000xi32, #tpu.memory_space<hbm>> -> memref<10000xi32, #tpu.memory_space<hbm>>
      tpu.enqueue_dma source(%dma_start3A_308 : memref<10000xi32, #tpu.memory_space<hbm>>) target(%arg8 : memref<10000xi32, #tpu.memory_space<vmem>>) target_semaphore(%run_scoped3A_302 : memref<!tpu.dma_semaphore, #tpu.memory_space<semaphore_mem>>)
      %dma_wait3A_309 = arith.constant 0 : i32
      %dma_wait3A_310 = tpu.memref_slice %arg3[%add3A, %dma_wait3A_309] : memref<32x10000xi32, #tpu.memory_space<hbm>> -> memref<1x10000xi32, #tpu.memory_space<hbm>>
      %dma_wait3A_311 = tpu.memref_squeeze %dma_wait3A_310 : memref<1x10000xi32, #tpu.memory_space<hbm>> -> memref<10000xi32, #tpu.memory_space<hbm>>
      %dma_wait3A_312 = arith.constant 0 : i32
      %dma_wait3A_313 = tpu.memref_slice %arg3[%add3A, %dma_wait3A_312] : memref<32x10000xi32, #tpu.memory_space<hbm>> -> memref<1x10000xi32, #tpu.memory_space<hbm>>
      %dma_wait3A_314 = tpu.memref_squeeze %dma_wait3A_313 : memref<1x10000xi32, #tpu.memory_space<hbm>> -> memref<10000xi32, #tpu.memory_space<hbm>>
      tpu.wait_dma2 semaphore(%run_scoped3A_302 : memref<!tpu.dma_semaphore, #tpu.memory_space<semaphore_mem>>) src(%dma_wait3A_314 : memref<10000xi32, #tpu.memory_space<hbm>>) dst(%arg8 : memref<10000xi32, #tpu.memory_space<vmem>>)
      tpu.yield
    }) : () -> ()
    "tpu.region"() ({
      %run_scoped3A_302 = tpu.sem_alloc : memref<!tpu.dma_semaphore, #tpu.memory_space<semaphore_mem>>
      %dma_start3A_303 = arith.constant 0 : i32
      %dma_start3A_304 = arith.constant 0 : i32
      %dma_start3A_305 = tpu.memref_slice %arg4[%add3A, %dma_start3A_303, %dma_start3A_304] : memref<32x125x80xi32, #tpu.memory_space<hbm>> -> memref<1x125x80xi32, #tpu.memory_space<hbm>>
      %dma_start3A_306 = tpu.memref_squeeze %dma_start3A_305 : memref<1x125x80xi32, #tpu.memory_space<hbm>> -> memref<125x80xi32, #tpu.memory_space<hbm>>
      %dma_start3A_307 = arith.constant 0 : i32
      %dma_start3A_308 = arith.constant 0 : i32
      %dma_start3A_309 = tpu.memref_slice %arg4[%add3A, %dma_start3A_307, %dma_start3A_308] : memref<32x125x80xi32, #tpu.memory_space<hbm>> -> memref<1x125x80xi32, #tpu.memory_space<hbm>>
      %dma_start3A_310 = tpu.memref_squeeze %dma_start3A_309 : memref<1x125x80xi32, #tpu.memory_space<hbm>> -> memref<125x80xi32, #tpu.memory_space<hbm>>
      tpu.enqueue_dma source(%dma_start3A_310 : memref<125x80xi32, #tpu.memory_space<hbm>>) target(%arg9 : memref<125x80xi32, #tpu.memory_space<vmem>>) target_semaphore(%run_scoped3A_302 : memref<!tpu.dma_semaphore, #tpu.memory_space<semaphore_mem>>)
      %dma_wait3A_311 = arith.constant 0 : i32
      %dma_wait3A_312 = arith.constant 0 : i32
      %dma_wait3A_313 = tpu.memref_slice %arg4[%add3A, %dma_wait3A_311, %dma_wait3A_312] : memref<32x125x80xi32, #tpu.memory_space<hbm>> -> memref<1x125x80xi32, #tpu.memory_space<hbm>>
      %dma_wait3A_314 = tpu.memref_squeeze %dma_wait3A_313 : memref<1x125x80xi32, #tpu.memory_space<hbm>> -> memref<125x80xi32, #tpu.memory_space<hbm>>
      %dma_wait3A_315 = arith.constant 0 : i32
      %dma_wait3A_316 = arith.constant 0 : i32
      %dma_wait3A_317 = tpu.memref_slice %arg4[%add3A, %dma_wait3A_315, %dma_wait3A_316] : memref<32x125x80xi32, #tpu.memory_space<hbm>> -> memref<1x125x80xi32, #tpu.memory_space<hbm>>
      %dma_wait3A_318 = tpu.memref_squeeze %dma_wait3A_317 : memref<1x125x80xi32, #tpu.memory_space<hbm>> -> memref<125x80xi32, #tpu.memory_space<hbm>>
      tpu.wait_dma2 semaphore(%run_scoped3A_302 : memref<!tpu.dma_semaphore, #tpu.memory_space<semaphore_mem>>) src(%dma_wait3A_318 : memref<125x80xi32, #tpu.memory_space<hbm>>) dst(%arg9 : memref<125x80xi32, #tpu.memory_space<vmem>>)
      tpu.yield
    }) : () -> ()
    "tpu.region"() ({
      %run_scoped3A_302 = tpu.sem_alloc : memref<!tpu.dma_semaphore, #tpu.memory_space<semaphore_mem>>
      tpu.enqueue_dma source(%arg5 : memref<80x128xf32, #tpu.memory_space<hbm>>) target(%arg11 : memref<80x128xf32, #tpu.memory_space<vmem>>) target_semaphore(%run_scoped3A_302 : memref<!tpu.dma_semaphore, #tpu.memory_space<semaphore_mem>>)
      tpu.wait_dma2 semaphore(%run_scoped3A_302 : memref<!tpu.dma_semaphore, #tpu.memory_space<semaphore_mem>>) src(%arg5 : memref<80x128xf32, #tpu.memory_space<hbm>>) dst(%arg11 : memref<80x128xf32, #tpu.memory_space<vmem>>)
      tpu.yield
    }) : () -> ()
    %dma_start3A = arith.constant 0 : i32
    %dma_start3A_3 = tpu.memref_slice %arg8[%dma_start3A] : memref<10000xi32, #tpu.memory_space<vmem>> -> memref<80xi32, #tpu.memory_space<vmem>>
    %dma_start3A_4 = arith.constant 0 : i32
    %dma_start3A_5 = arith.constant 0 : i32
    %dma_start3A_6 = tpu.memref_slice %arg2[%dma_start3A_4, %dma_start3A_5] : memref<10240x128xf32, #tpu.memory_space<hbm>> -> memref<10240x128xf32, #tpu.memory_space<hbm>>
    tpu.enqueue_indirect_dma source(%dma_start3A_6 : memref<10240x128xf32, #tpu.memory_space<hbm>>) target(%arg10 : memref<80x128xf32, #tpu.memory_space<vmem>>) offsets(%dma_start3A_3 : memref<80xi32, #tpu.memory_space<vmem>>) semaphore(%arg12 : memref<!tpu.dma_semaphore, #tpu.memory_space<semaphore_mem>>)
    %add3A_7 = arith.constant 0 : i32
    %add3A_8 = arith.addi %mul3A_2, %add3A_7 : i32
    %dma_start3A_9 = arith.constant 0 : i32
    %dma_start3A_10 = tpu.memref_slice %arg7[%add3A_8, %dma_start3A_9] : memref<10240x128xf32, #tpu.memory_space<vmem_shared>> -> memref<80x128xf32, #tpu.memory_space<vmem_shared>>
    %dma_start3A_11 = arith.constant 0 : i32
    %dma_start3A_12 = tpu.memref_slice %arg7[%add3A_8, %dma_start3A_11] : memref<10240x128xf32, #tpu.memory_space<vmem_shared>> -> memref<80x128xf32, #tpu.memory_space<vmem_shared>>
    tpu.enqueue_dma source(%arg11 : memref<80x128xf32, #tpu.memory_space<vmem>>) target(%dma_start3A_12 : memref<80x128xf32, #tpu.memory_space<vmem_shared>>) target_semaphore(%arg14 : memref<!tpu.dma_semaphore, #tpu.memory_space<semaphore_mem>>)
    %add3A_13 = arith.constant 80 : i32
    %add3A_14 = arith.addi %mul3A_2, %add3A_13 : i32
    %dma_start3A_15 = arith.constant 0 : i32
    %dma_start3A_16 = tpu.memref_slice %arg7[%add3A_14, %dma_start3A_15] : memref<10240x128xf32, #tpu.memory_space<vmem_shared>> -> memref<80x128xf32, #tpu.memory_space<vmem_shared>>
    %dma_start3A_17 = arith.constant 0 : i32
    %dma_start3A_18 = tpu.memref_slice %arg7[%add3A_14, %dma_start3A_17] : memref<10240x128xf32, #tpu.memory_space<vmem_shared>> -> memref<80x128xf32, #tpu.memory_space<vmem_shared>>
    tpu.enqueue_dma source(%arg11 : memref<80x128xf32, #tpu.memory_space<vmem>>) target(%dma_start3A_18 : memref<80x128xf32, #tpu.memory_space<vmem_shared>>) target_semaphore(%arg14 : memref<!tpu.dma_semaphore, #tpu.memory_space<semaphore_mem>>)
    %add3A_19 = arith.constant 160 : i32
    %add3A_20 = arith.addi %mul3A_2, %add3A_19 : i32
    %dma_start3A_21 = arith.constant 0 : i32
    %dma_start3A_22 = tpu.memref_slice %arg7[%add3A_20, %dma_start3A_21] : memref<10240x128xf32, #tpu.memory_space<vmem_shared>> -> memref<80x128xf32, #tpu.memory_space<vmem_shared>>
    %dma_start3A_23 = arith.constant 0 : i32
    %dma_start3A_24 = tpu.memref_slice %arg7[%add3A_20, %dma_start3A_23] : memref<10240x128xf32, #tpu.memory_space<vmem_shared>> -> memref<80x128xf32, #tpu.memory_space<vmem_shared>>
    tpu.enqueue_dma source(%arg11 : memref<80x128xf32, #tpu.memory_space<vmem>>) target(%dma_start3A_24 : memref<80x128xf32, #tpu.memory_space<vmem_shared>>) target_semaphore(%arg14 : memref<!tpu.dma_semaphore, #tpu.memory_space<semaphore_mem>>)
    %add3A_25 = arith.constant 240 : i32
    %add3A_26 = arith.addi %mul3A_2, %add3A_25 : i32
    %dma_start3A_27 = arith.constant 0 : i32
    %dma_start3A_28 = tpu.memref_slice %arg7[%add3A_26, %dma_start3A_27] : memref<10240x128xf32, #tpu.memory_space<vmem_shared>> -> memref<80x128xf32, #tpu.memory_space<vmem_shared>>
    %dma_start3A_29 = arith.constant 0 : i32
    %dma_start3A_30 = tpu.memref_slice %arg7[%add3A_26, %dma_start3A_29] : memref<10240x128xf32, #tpu.memory_space<vmem_shared>> -> memref<80x128xf32, #tpu.memory_space<vmem_shared>>
    tpu.enqueue_dma source(%arg11 : memref<80x128xf32, #tpu.memory_space<vmem>>) target(%dma_start3A_30 : memref<80x128xf32, #tpu.memory_space<vmem_shared>>) target_semaphore(%arg14 : memref<!tpu.dma_semaphore, #tpu.memory_space<semaphore_mem>>)
    %add3A_31 = arith.constant 320 : i32
    %add3A_32 = arith.addi %mul3A_2, %add3A_31 : i32
    %dma_start3A_33 = arith.constant 0 : i32
    %dma_start3A_34 = tpu.memref_slice %arg7[%add3A_32, %dma_start3A_33] : memref<10240x128xf32, #tpu.memory_space<vmem_shared>> -> memref<80x128xf32, #tpu.memory_space<vmem_shared>>
    %dma_start3A_35 = arith.constant 0 : i32
    %dma_start3A_36 = tpu.memref_slice %arg7[%add3A_32, %dma_start3A_35] : memref<10240x128xf32, #tpu.memory_space<vmem_shared>> -> memref<80x128xf32, #tpu.memory_space<vmem_shared>>
    tpu.enqueue_dma source(%arg11 : memref<80x128xf32, #tpu.memory_space<vmem>>) target(%dma_start3A_36 : memref<80x128xf32, #tpu.memory_space<vmem_shared>>) target_semaphore(%arg14 : memref<!tpu.dma_semaphore, #tpu.memory_space<semaphore_mem>>)
    %add3A_37 = arith.constant 400 : i32
    %add3A_38 = arith.addi %mul3A_2, %add3A_37 : i32
    %dma_start3A_39 = arith.constant 0 : i32
    %dma_start3A_40 = tpu.memref_slice %arg7[%add3A_38, %dma_start3A_39] : memref<10240x128xf32, #tpu.memory_space<vmem_shared>> -> memref<80x128xf32, #tpu.memory_space<vmem_shared>>
    %dma_start3A_41 = arith.constant 0 : i32
    %dma_start3A_42 = tpu.memref_slice %arg7[%add3A_38, %dma_start3A_41] : memref<10240x128xf32, #tpu.memory_space<vmem_shared>> -> memref<80x128xf32, #tpu.memory_space<vmem_shared>>
    tpu.enqueue_dma source(%arg11 : memref<80x128xf32, #tpu.memory_space<vmem>>) target(%dma_start3A_42 : memref<80x128xf32, #tpu.memory_space<vmem_shared>>) target_semaphore(%arg14 : memref<!tpu.dma_semaphore, #tpu.memory_space<semaphore_mem>>)
    %add3A_43 = arith.constant 480 : i32
    %add3A_44 = arith.addi %mul3A_2, %add3A_43 : i32
    %dma_start3A_45 = arith.constant 0 : i32
    %dma_start3A_46 = tpu.memref_slice %arg7[%add3A_44, %dma_start3A_45] : memref<10240x128xf32, #tpu.memory_space<vmem_shared>> -> memref<80x128xf32, #tpu.memory_space<vmem_shared>>
    %dma_start3A_47 = arith.constant 0 : i32
    %dma_start3A_48 = tpu.memref_slice %arg7[%add3A_44, %dma_start3A_47] : memref<10240x128xf32, #tpu.memory_space<vmem_shared>> -> memref<80x128xf32, #tpu.memory_space<vmem_shared>>
    tpu.enqueue_dma source(%arg11 : memref<80x128xf32, #tpu.memory_space<vmem>>) target(%dma_start3A_48 : memref<80x128xf32, #tpu.memory_space<vmem_shared>>) target_semaphore(%arg14 : memref<!tpu.dma_semaphore, #tpu.memory_space<semaphore_mem>>)
    %add3A_49 = arith.constant 560 : i32
    %add3A_50 = arith.addi %mul3A_2, %add3A_49 : i32
    %dma_start3A_51 = arith.constant 0 : i32
    %dma_start3A_52 = tpu.memref_slice %arg7[%add3A_50, %dma_start3A_51] : memref<10240x128xf32, #tpu.memory_space<vmem_shared>> -> memref<80x128xf32, #tpu.memory_space<vmem_shared>>
    %dma_start3A_53 = arith.constant 0 : i32
    %dma_start3A_54 = tpu.memref_slice %arg7[%add3A_50, %dma_start3A_53] : memref<10240x128xf32, #tpu.memory_space<vmem_shared>> -> memref<80x128xf32, #tpu.memory_space<vmem_shared>>
    tpu.enqueue_dma source(%arg11 : memref<80x128xf32, #tpu.memory_space<vmem>>) target(%dma_start3A_54 : memref<80x128xf32, #tpu.memory_space<vmem_shared>>) target_semaphore(%arg14 : memref<!tpu.dma_semaphore, #tpu.memory_space<semaphore_mem>>)
    %add3A_55 = arith.constant 0 : i32
    %add3A_56 = arith.addi %mul3A_2, %add3A_55 : i32
    %dma_wait3A = arith.constant 0 : i32
    %dma_wait3A_57 = tpu.memref_slice %arg7[%add3A_56, %dma_wait3A] : memref<10240x128xf32, #tpu.memory_space<vmem_shared>> -> memref<80x128xf32, #tpu.memory_space<vmem_shared>>
    %dma_wait3A_58 = arith.constant 0 : i32
    %dma_wait3A_59 = tpu.memref_slice %arg7[%add3A_56, %dma_wait3A_58] : memref<10240x128xf32, #tpu.memory_space<vmem_shared>> -> memref<80x128xf32, #tpu.memory_space<vmem_shared>>
    tpu.wait_dma2 semaphore(%arg14 : memref<!tpu.dma_semaphore, #tpu.memory_space<semaphore_mem>>) src(%arg11 : memref<80x128xf32, #tpu.memory_space<vmem>>) dst(%dma_wait3A_59 : memref<80x128xf32, #tpu.memory_space<vmem_shared>>)
    %add3A_60 = arith.constant 80 : i32
    %add3A_61 = arith.addi %mul3A_2, %add3A_60 : i32
    %dma_wait3A_62 = arith.constant 0 : i32
    %dma_wait3A_63 = tpu.memref_slice %arg7[%add3A_61, %dma_wait3A_62] : memref<10240x128xf32, #tpu.memory_space<vmem_shared>> -> memref<80x128xf32, #tpu.memory_space<vmem_shared>>
    %dma_wait3A_64 = arith.constant 0 : i32
    %dma_wait3A_65 = tpu.memref_slice %arg7[%add3A_61, %dma_wait3A_64] : memref<10240x128xf32, #tpu.memory_space<vmem_shared>> -> memref<80x128xf32, #tpu.memory_space<vmem_shared>>
    tpu.wait_dma2 semaphore(%arg14 : memref<!tpu.dma_semaphore, #tpu.memory_space<semaphore_mem>>) src(%arg11 : memref<80x128xf32, #tpu.memory_space<vmem>>) dst(%dma_wait3A_65 : memref<80x128xf32, #tpu.memory_space<vmem_shared>>)
    %add3A_66 = arith.constant 160 : i32
    %add3A_67 = arith.addi %mul3A_2, %add3A_66 : i32
    %dma_wait3A_68 = arith.constant 0 : i32
    %dma_wait3A_69 = tpu.memref_slice %arg7[%add3A_67, %dma_wait3A_68] : memref<10240x128xf32, #tpu.memory_space<vmem_shared>> -> memref<80x128xf32, #tpu.memory_space<vmem_shared>>
    %dma_wait3A_70 = arith.constant 0 : i32
    %dma_wait3A_71 = tpu.memref_slice %arg7[%add3A_67, %dma_wait3A_70] : memref<10240x128xf32, #tpu.memory_space<vmem_shared>> -> memref<80x128xf32, #tpu.memory_space<vmem_shared>>
    tpu.wait_dma2 semaphore(%arg14 : memref<!tpu.dma_semaphore, #tpu.memory_space<semaphore_mem>>) src(%arg11 : memref<80x128xf32, #tpu.memory_space<vmem>>) dst(%dma_wait3A_71 : memref<80x128xf32, #tpu.memory_space<vmem_shared>>)
    %add3A_72 = arith.constant 240 : i32
    %add3A_73 = arith.addi %mul3A_2, %add3A_72 : i32
    %dma_wait3A_74 = arith.constant 0 : i32
    %dma_wait3A_75 = tpu.memref_slice %arg7[%add3A_73, %dma_wait3A_74] : memref<10240x128xf32, #tpu.memory_space<vmem_shared>> -> memref<80x128xf32, #tpu.memory_space<vmem_shared>>
    %dma_wait3A_76 = arith.constant 0 : i32
    %dma_wait3A_77 = tpu.memref_slice %arg7[%add3A_73, %dma_wait3A_76] : memref<10240x128xf32, #tpu.memory_space<vmem_shared>> -> memref<80x128xf32, #tpu.memory_space<vmem_shared>>
    tpu.wait_dma2 semaphore(%arg14 : memref<!tpu.dma_semaphore, #tpu.memory_space<semaphore_mem>>) src(%arg11 : memref<80x128xf32, #tpu.memory_space<vmem>>) dst(%dma_wait3A_77 : memref<80x128xf32, #tpu.memory_space<vmem_shared>>)
    %add3A_78 = arith.constant 320 : i32
    %add3A_79 = arith.addi %mul3A_2, %add3A_78 : i32
    %dma_wait3A_80 = arith.constant 0 : i32
    %dma_wait3A_81 = tpu.memref_slice %arg7[%add3A_79, %dma_wait3A_80] : memref<10240x128xf32, #tpu.memory_space<vmem_shared>> -> memref<80x128xf32, #tpu.memory_space<vmem_shared>>
    %dma_wait3A_82 = arith.constant 0 : i32
    %dma_wait3A_83 = tpu.memref_slice %arg7[%add3A_79, %dma_wait3A_82] : memref<10240x128xf32, #tpu.memory_space<vmem_shared>> -> memref<80x128xf32, #tpu.memory_space<vmem_shared>>
    tpu.wait_dma2 semaphore(%arg14 : memref<!tpu.dma_semaphore, #tpu.memory_space<semaphore_mem>>) src(%arg11 : memref<80x128xf32, #tpu.memory_space<vmem>>) dst(%dma_wait3A_83 : memref<80x128xf32, #tpu.memory_space<vmem_shared>>)
    %add3A_84 = arith.constant 400 : i32
    %add3A_85 = arith.addi %mul3A_2, %add3A_84 : i32
    %dma_wait3A_86 = arith.constant 0 : i32
    %dma_wait3A_87 = tpu.memref_slice %arg7[%add3A_85, %dma_wait3A_86] : memref<10240x128xf32, #tpu.memory_space<vmem_shared>> -> memref<80x128xf32, #tpu.memory_space<vmem_shared>>
    %dma_wait3A_88 = arith.constant 0 : i32
    %dma_wait3A_89 = tpu.memref_slice %arg7[%add3A_85, %dma_wait3A_88] : memref<10240x128xf32, #tpu.memory_space<vmem_shared>> -> memref<80x128xf32, #tpu.memory_space<vmem_shared>>
    tpu.wait_dma2 semaphore(%arg14 : memref<!tpu.dma_semaphore, #tpu.memory_space<semaphore_mem>>) src(%arg11 : memref<80x128xf32, #tpu.memory_space<vmem>>) dst(%dma_wait3A_89 : memref<80x128xf32, #tpu.memory_space<vmem_shared>>)
    %add3A_90 = arith.constant 480 : i32
    %add3A_91 = arith.addi %mul3A_2, %add3A_90 : i32
    %dma_wait3A_92 = arith.constant 0 : i32
    %dma_wait3A_93 = tpu.memref_slice %arg7[%add3A_91, %dma_wait3A_92] : memref<10240x128xf32, #tpu.memory_space<vmem_shared>> -> memref<80x128xf32, #tpu.memory_space<vmem_shared>>
    %dma_wait3A_94 = arith.constant 0 : i32
    %dma_wait3A_95 = tpu.memref_slice %arg7[%add3A_91, %dma_wait3A_94] : memref<10240x128xf32, #tpu.memory_space<vmem_shared>> -> memref<80x128xf32, #tpu.memory_space<vmem_shared>>
    tpu.wait_dma2 semaphore(%arg14 : memref<!tpu.dma_semaphore, #tpu.memory_space<semaphore_mem>>) src(%arg11 : memref<80x128xf32, #tpu.memory_space<vmem>>) dst(%dma_wait3A_95 : memref<80x128xf32, #tpu.memory_space<vmem_shared>>)
    %add3A_96 = arith.constant 560 : i32
    %add3A_97 = arith.addi %mul3A_2, %add3A_96 : i32
    %dma_wait3A_98 = arith.constant 0 : i32
    %dma_wait3A_99 = tpu.memref_slice %arg7[%add3A_97, %dma_wait3A_98] : memref<10240x128xf32, #tpu.memory_space<vmem_shared>> -> memref<80x128xf32, #tpu.memory_space<vmem_shared>>
    %dma_wait3A_100 = arith.constant 0 : i32
    %dma_wait3A_101 = tpu.memref_slice %arg7[%add3A_97, %dma_wait3A_100] : memref<10240x128xf32, #tpu.memory_space<vmem_shared>> -> memref<80x128xf32, #tpu.memory_space<vmem_shared>>
    tpu.wait_dma2 semaphore(%arg14 : memref<!tpu.dma_semaphore, #tpu.memory_space<semaphore_mem>>) src(%arg11 : memref<80x128xf32, #tpu.memory_space<vmem>>) dst(%dma_wait3A_101 : memref<80x128xf32, #tpu.memory_space<vmem_shared>>)
    %barrier3A = arith.constant 0 : index
    tpu.barrier barrier_id(%barrier3A)
    %scan3A = arith.constant 0 : i32
    %scan3A_102 = arith.constant 0 : i32
    %scan3A_103 = arith.constant 62 : i32
    %scan3A_104 = arith.addi %scan3A_102, %scan3A_103 : i32
    %scan3A_105 = arith.constant 1 : i32
    scf.for %scan3A_302 = %scan3A_102 to %scan3A_104 step %scan3A_105  : i32 {
      %mul3A_303 = arith.constant 2 : i32
      %mul3A_304 = arith.muli %mul3A_303, %scan3A_302 : i32
      %add3A_305 = arith.constant 1 : i32
      %add3A_306 = arith.addi %mul3A_304, %add3A_305 : i32
      %mul3A_307 = arith.constant 80 : i32
      %mul3A_308 = arith.muli %add3A_306, %mul3A_307 : i32
      %dma_start3A_309 = tpu.memref_slice %arg8[%mul3A_308] : memref<10000xi32, #tpu.memory_space<vmem>> -> memref<80xi32, #tpu.memory_space<vmem>>
      %dma_start3A_310 = arith.constant 0 : i32
      %dma_start3A_311 = arith.constant 0 : i32
      %dma_start3A_312 = tpu.memref_slice %arg2[%dma_start3A_310, %dma_start3A_311] : memref<10240x128xf32, #tpu.memory_space<hbm>> -> memref<10240x128xf32, #tpu.memory_space<hbm>>
      tpu.enqueue_indirect_dma source(%dma_start3A_312 : memref<10240x128xf32, #tpu.memory_space<hbm>>) target(%arg11 : memref<80x128xf32, #tpu.memory_space<vmem>>) offsets(%dma_start3A_309 : memref<80xi32, #tpu.memory_space<vmem>>) semaphore(%arg13 : memref<!tpu.dma_semaphore, #tpu.memory_space<semaphore_mem>>)
      %mul3A_313 = arith.constant 80 : i32
      %mul3A_314 = arith.muli %mul3A_304, %mul3A_313 : i32
      %dma_wait3A_315 = tpu.memref_slice %arg8[%mul3A_314] : memref<10000xi32, #tpu.memory_space<vmem>> -> memref<80xi32, #tpu.memory_space<vmem>>
      %dma_wait3A_316 = arith.constant 0 : i32
      %dma_wait3A_317 = arith.constant 0 : i32
      %dma_wait3A_318 = tpu.memref_slice %arg2[%dma_wait3A_316, %dma_wait3A_317] : memref<10240x128xf32, #tpu.memory_space<hbm>> -> memref<10240x128xf32, #tpu.memory_space<hbm>>
      tpu.wait_indirect_dma semaphore(%arg12 : memref<!tpu.dma_semaphore, #tpu.memory_space<semaphore_mem>>) src(%dma_wait3A_318 : memref<10240x128xf32, #tpu.memory_space<hbm>>) dst(%arg10 : memref<80x128xf32, #tpu.memory_space<vmem>>)
      "tpu.region"() ({
        %run_scoped3A_335 = tpu.sem_alloc : memref<!tpu.dma_semaphore, #tpu.memory_space<semaphore_mem>>
        %dma_start3A_336 = arith.constant 0 : i32
        %dma_start3A_337 = tpu.memref_slice %arg9[%mul3A_304, %dma_start3A_336] : memref<125x80xi32, #tpu.memory_space<vmem>> -> memref<1x80xi32, #tpu.memory_space<vmem>>
        %dma_start3A_338 = tpu.memref_squeeze %dma_start3A_337 : memref<1x80xi32, #tpu.memory_space<vmem>> -> memref<80xi32, #tpu.memory_space<vmem>>
        %dma_start3A_339 = arith.constant 0 : i32
        %dma_start3A_340 = arith.constant 0 : i32
        %dma_start3A_341 = tpu.memref_slice %arg7[%dma_start3A_339, %dma_start3A_340] : memref<10240x128xf32, #tpu.memory_space<vmem_shared>> -> memref<10240x128xf32, #tpu.memory_space<vmem_shared>>
        tpu.enqueue_indirect_dma source(%arg10 : memref<80x128xf32, #tpu.memory_space<vmem>>) target(%dma_start3A_341 : memref<10240x128xf32, #tpu.memory_space<vmem_shared>>) offsets(%dma_start3A_338 : memref<80xi32, #tpu.memory_space<vmem>>) semaphore(%run_scoped3A_335 : memref<!tpu.dma_semaphore, #tpu.memory_space<semaphore_mem>>) {add = true}
        %dma_wait3A_342 = arith.constant 0 : i32
        %dma_wait3A_343 = tpu.memref_slice %arg9[%mul3A_304, %dma_wait3A_342] : memref<125x80xi32, #tpu.memory_space<vmem>> -> memref<1x80xi32, #tpu.memory_space<vmem>>
        %dma_wait3A_344 = tpu.memref_squeeze %dma_wait3A_343 : memref<1x80xi32, #tpu.memory_space<vmem>> -> memref<80xi32, #tpu.memory_space<vmem>>
        %dma_wait3A_345 = arith.constant 0 : i32
        %dma_wait3A_346 = arith.constant 0 : i32
        %dma_wait3A_347 = tpu.memref_slice %arg7[%dma_wait3A_345, %dma_wait3A_346] : memref<10240x128xf32, #tpu.memory_space<vmem_shared>> -> memref<10240x128xf32, #tpu.memory_space<vmem_shared>>
        tpu.wait_indirect_dma semaphore(%run_scoped3A_335 : memref<!tpu.dma_semaphore, #tpu.memory_space<semaphore_mem>>) src(%arg10 : memref<80x128xf32, #tpu.memory_space<vmem>>) dst(%dma_wait3A_347 : memref<10240x128xf32, #tpu.memory_space<vmem_shared>>)
        tpu.yield
      }) : () -> ()
      %add3A_319 = arith.constant 1 : i32
      %add3A_320 = arith.addi %mul3A_304, %add3A_319 : i32
      %add3A_321 = arith.constant 1 : i32
      %add3A_322 = arith.addi %add3A_320, %add3A_321 : i32
      %mul3A_323 = arith.constant 80 : i32
      %mul3A_324 = arith.muli %add3A_322, %mul3A_323 : i32
      %dma_start3A_325 = tpu.memref_slice %arg8[%mul3A_324] : memref<10000xi32, #tpu.memory_space<vmem>> -> memref<80xi32, #tpu.memory_space<vmem>>
      %dma_start3A_326 = arith.constant 0 : i32
      %dma_start3A_327 = arith.constant 0 : i32
      %dma_start3A_328 = tpu.memref_slice %arg2[%dma_start3A_326, %dma_start3A_327] : memref<10240x128xf32, #tpu.memory_space<hbm>> -> memref<10240x128xf32, #tpu.memory_space<hbm>>
      tpu.enqueue_indirect_dma source(%dma_start3A_328 : memref<10240x128xf32, #tpu.memory_space<hbm>>) target(%arg10 : memref<80x128xf32, #tpu.memory_space<vmem>>) offsets(%dma_start3A_325 : memref<80xi32, #tpu.memory_space<vmem>>) semaphore(%arg12 : memref<!tpu.dma_semaphore, #tpu.memory_space<semaphore_mem>>)
      %mul3A_329 = arith.constant 80 : i32
      %mul3A_330 = arith.muli %add3A_320, %mul3A_329 : i32
      %dma_wait3A_331 = tpu.memref_slice %arg8[%mul3A_330] : memref<10000xi32, #tpu.memory_space<vmem>> -> memref<80xi32, #tpu.memory_space<vmem>>
      %dma_wait3A_332 = arith.constant 0 : i32
      %dma_wait3A_333 = arith.constant 0 : i32
      %dma_wait3A_334 = tpu.memref_slice %arg2[%dma_wait3A_332, %dma_wait3A_333] : memref<10240x128xf32, #tpu.memory_space<hbm>> -> memref<10240x128xf32, #tpu.memory_space<hbm>>
      tpu.wait_indirect_dma semaphore(%arg13 : memref<!tpu.dma_semaphore, #tpu.memory_space<semaphore_mem>>) src(%dma_wait3A_334 : memref<10240x128xf32, #tpu.memory_space<hbm>>) dst(%arg11 : memref<80x128xf32, #tpu.memory_space<vmem>>)
      "tpu.region"() ({
        %run_scoped3A_335 = tpu.sem_alloc : memref<!tpu.dma_semaphore, #tpu.memory_space<semaphore_mem>>
        %dma_start3A_336 = arith.constant 0 : i32
        %dma_start3A_337 = tpu.memref_slice %arg9[%add3A_320, %dma_start3A_336] : memref<125x80xi32, #tpu.memory_space<vmem>> -> memref<1x80xi32, #tpu.memory_space<vmem>>
        %dma_start3A_338 = tpu.memref_squeeze %dma_start3A_337 : memref<1x80xi32, #tpu.memory_space<vmem>> -> memref<80xi32, #tpu.memory_space<vmem>>
        %dma_start3A_339 = arith.constant 0 : i32
        %dma_start3A_340 = arith.constant 0 : i32
        %dma_start3A_341 = tpu.memref_slice %arg7[%dma_start3A_339, %dma_start3A_340] : memref<10240x128xf32, #tpu.memory_space<vmem_shared>> -> memref<10240x128xf32, #tpu.memory_space<vmem_shared>>
        tpu.enqueue_indirect_dma source(%arg11 : memref<80x128xf32, #tpu.memory_space<vmem>>) target(%dma_start3A_341 : memref<10240x128xf32, #tpu.memory_space<vmem_shared>>) offsets(%dma_start3A_338 : memref<80xi32, #tpu.memory_space<vmem>>) semaphore(%run_scoped3A_335 : memref<!tpu.dma_semaphore, #tpu.memory_space<semaphore_mem>>) {add = true}
        %dma_wait3A_342 = arith.constant 0 : i32
        %dma_wait3A_343 = tpu.memref_slice %arg9[%add3A_320, %dma_wait3A_342] : memref<125x80xi32, #tpu.memory_space<vmem>> -> memref<1x80xi32, #tpu.memory_space<vmem>>
        %dma_wait3A_344 = tpu.memref_squeeze %dma_wait3A_343 : memref<1x80xi32, #tpu.memory_space<vmem>> -> memref<80xi32, #tpu.memory_space<vmem>>
        %dma_wait3A_345 = arith.constant 0 : i32
        %dma_wait3A_346 = arith.constant 0 : i32
        %dma_wait3A_347 = tpu.memref_slice %arg7[%dma_wait3A_345, %dma_wait3A_346] : memref<10240x128xf32, #tpu.memory_space<vmem_shared>> -> memref<10240x128xf32, #tpu.memory_space<vmem_shared>>
        tpu.wait_indirect_dma semaphore(%run_scoped3A_335 : memref<!tpu.dma_semaphore, #tpu.memory_space<semaphore_mem>>) src(%arg11 : memref<80x128xf32, #tpu.memory_space<vmem>>) dst(%dma_wait3A_347 : memref<10240x128xf32, #tpu.memory_space<vmem_shared>>)
        tpu.yield
      }) : () -> ()
    }
    %scan3A_106 = arith.constant 62 : i32
    %dma_wait3A_107 = arith.constant 9920 : i32
    %dma_wait3A_108 = tpu.memref_slice %arg8[%dma_wait3A_107] : memref<10000xi32, #tpu.memory_space<vmem>> -> memref<80xi32, #tpu.memory_space<vmem>>
    %dma_wait3A_109 = arith.constant 0 : i32
    %dma_wait3A_110 = arith.constant 0 : i32
    %dma_wait3A_111 = tpu.memref_slice %arg2[%dma_wait3A_109, %dma_wait3A_110] : memref<10240x128xf32, #tpu.memory_space<hbm>> -> memref<10240x128xf32, #tpu.memory_space<hbm>>
    tpu.wait_indirect_dma semaphore(%arg12 : memref<!tpu.dma_semaphore, #tpu.memory_space<semaphore_mem>>) src(%dma_wait3A_111 : memref<10240x128xf32, #tpu.memory_space<hbm>>) dst(%arg10 : memref<80x128xf32, #tpu.memory_space<vmem>>)
    %run_scoped3A = arith.constant 124 : i32
    "tpu.region"() ({
      %run_scoped3A_302 = tpu.sem_alloc : memref<!tpu.dma_semaphore, #tpu.memory_space<semaphore_mem>>
      %dma_start3A_303 = arith.constant 0 : i32
      %dma_start3A_304 = tpu.memref_slice %arg9[%run_scoped3A, %dma_start3A_303] : memref<125x80xi32, #tpu.memory_space<vmem>> -> memref<1x80xi32, #tpu.memory_space<vmem>>
      %dma_start3A_305 = tpu.memref_squeeze %dma_start3A_304 : memref<1x80xi32, #tpu.memory_space<vmem>> -> memref<80xi32, #tpu.memory_space<vmem>>
      %dma_start3A_306 = arith.constant 0 : i32
      %dma_start3A_307 = arith.constant 0 : i32
      %dma_start3A_308 = tpu.memref_slice %arg7[%dma_start3A_306, %dma_start3A_307] : memref<10240x128xf32, #tpu.memory_space<vmem_shared>> -> memref<10240x128xf32, #tpu.memory_space<vmem_shared>>
      tpu.enqueue_indirect_dma source(%arg10 : memref<80x128xf32, #tpu.memory_space<vmem>>) target(%dma_start3A_308 : memref<10240x128xf32, #tpu.memory_space<vmem_shared>>) offsets(%dma_start3A_305 : memref<80xi32, #tpu.memory_space<vmem>>) semaphore(%run_scoped3A_302 : memref<!tpu.dma_semaphore, #tpu.memory_space<semaphore_mem>>) {add = true}
      %dma_wait3A_309 = arith.constant 0 : i32
      %dma_wait3A_310 = tpu.memref_slice %arg9[%run_scoped3A, %dma_wait3A_309] : memref<125x80xi32, #tpu.memory_space<vmem>> -> memref<1x80xi32, #tpu.memory_space<vmem>>
      %dma_wait3A_311 = tpu.memref_squeeze %dma_wait3A_310 : memref<1x80xi32, #tpu.memory_space<vmem>> -> memref<80xi32, #tpu.memory_space<vmem>>
      %dma_wait3A_312 = arith.constant 0 : i32
      %dma_wait3A_313 = arith.constant 0 : i32
      %dma_wait3A_314 = tpu.memref_slice %arg7[%dma_wait3A_312, %dma_wait3A_313] : memref<10240x128xf32, #tpu.memory_space<vmem_shared>> -> memref<10240x128xf32, #tpu.memory_space<vmem_shared>>
      tpu.wait_indirect_dma semaphore(%run_scoped3A_302 : memref<!tpu.dma_semaphore, #tpu.memory_space<semaphore_mem>>) src(%arg10 : memref<80x128xf32, #tpu.memory_space<vmem>>) dst(%dma_wait3A_314 : memref<10240x128xf32, #tpu.memory_space<vmem_shared>>)
      tpu.yield
    }) : () -> ()
    %barrier3A_112 = arith.constant 0 : index
    tpu.barrier barrier_id(%barrier3A_112)
    %mul3A_113 = arith.constant 10240 : i32
    %mul3A_114 = arith.muli %arg0, %mul3A_113 : i32
    %add3A_115 = arith.addi %mul3A_114, %mul3A_2 : i32
    %add3A_116 = arith.constant 0 : i32
    %add3A_117 = arith.addi %mul3A_2, %add3A_116 : i32
    %dma_start3A_118 = arith.constant 0 : i32
    %dma_start3A_119 = tpu.memref_slice %arg7[%add3A_117, %dma_start3A_118] : memref<10240x128xf32, #tpu.memory_space<vmem_shared>> -> memref<80x128xf32, #tpu.memory_space<vmem_shared>>
    %dma_start3A_120 = arith.constant 0 : i32
    %dma_start3A_121 = tpu.memref_slice %arg7[%add3A_117, %dma_start3A_120] : memref<10240x128xf32, #tpu.memory_space<vmem_shared>> -> memref<80x128xf32, #tpu.memory_space<vmem_shared>>
    tpu.enqueue_dma source(%dma_start3A_121 : memref<80x128xf32, #tpu.memory_space<vmem_shared>>) target(%arg10 : memref<80x128xf32, #tpu.memory_space<vmem>>) target_semaphore(%arg12 : memref<!tpu.dma_semaphore, #tpu.memory_space<semaphore_mem>>)
    %add3A_122 = arith.constant 0 : i32
    %add3A_123 = arith.addi %mul3A_2, %add3A_122 : i32
    %dma_wait3A_124 = arith.constant 0 : i32
    %dma_wait3A_125 = tpu.memref_slice %arg7[%add3A_123, %dma_wait3A_124] : memref<10240x128xf32, #tpu.memory_space<vmem_shared>> -> memref<80x128xf32, #tpu.memory_space<vmem_shared>>
    %dma_wait3A_126 = arith.constant 0 : i32
    %dma_wait3A_127 = tpu.memref_slice %arg7[%add3A_123, %dma_wait3A_126] : memref<10240x128xf32, #tpu.memory_space<vmem_shared>> -> memref<80x128xf32, #tpu.memory_space<vmem_shared>>
    tpu.wait_dma2 semaphore(%arg12 : memref<!tpu.dma_semaphore, #tpu.memory_space<semaphore_mem>>) src(%dma_wait3A_127 : memref<80x128xf32, #tpu.memory_space<vmem_shared>>) dst(%arg10 : memref<80x128xf32, #tpu.memory_space<vmem>>)
    %add3A_128 = arith.constant 0 : i32
    %add3A_129 = arith.addi %add3A_115, %add3A_128 : i32
    %dma_start3A_130 = arith.constant 0 : i32
    %dma_start3A_131 = tpu.memref_slice %arg6[%add3A_129, %dma_start3A_130] : memref<20480x128xf32, #tpu.memory_space<hbm>> -> memref<80x128xf32, #tpu.memory_space<hbm>>
    %dma_start3A_132 = arith.constant 0 : i32
    %dma_start3A_133 = tpu.memref_slice %arg6[%add3A_129, %dma_start3A_132] : memref<20480x128xf32, #tpu.memory_space<hbm>> -> memref<80x128xf32, #tpu.memory_space<hbm>>
    tpu.enqueue_dma source(%arg10 : memref<80x128xf32, #tpu.memory_space<vmem>>) target(%dma_start3A_133 : memref<80x128xf32, #tpu.memory_space<hbm>>) target_semaphore(%arg14 : memref<!tpu.dma_semaphore, #tpu.memory_space<semaphore_mem>>)
    %add3A_134 = arith.constant 80 : i32
    %add3A_135 = arith.addi %mul3A_2, %add3A_134 : i32
    %dma_start3A_136 = arith.constant 0 : i32
    %dma_start3A_137 = tpu.memref_slice %arg7[%add3A_135, %dma_start3A_136] : memref<10240x128xf32, #tpu.memory_space<vmem_shared>> -> memref<80x128xf32, #tpu.memory_space<vmem_shared>>
    %dma_start3A_138 = arith.constant 0 : i32
    %dma_start3A_139 = tpu.memref_slice %arg7[%add3A_135, %dma_start3A_138] : memref<10240x128xf32, #tpu.memory_space<vmem_shared>> -> memref<80x128xf32, #tpu.memory_space<vmem_shared>>
    tpu.enqueue_dma source(%dma_start3A_139 : memref<80x128xf32, #tpu.memory_space<vmem_shared>>) target(%arg11 : memref<80x128xf32, #tpu.memory_space<vmem>>) target_semaphore(%arg13 : memref<!tpu.dma_semaphore, #tpu.memory_space<semaphore_mem>>)
    %add3A_140 = arith.constant 80 : i32
    %add3A_141 = arith.addi %mul3A_2, %add3A_140 : i32
    %dma_wait3A_142 = arith.constant 0 : i32
    %dma_wait3A_143 = tpu.memref_slice %arg7[%add3A_141, %dma_wait3A_142] : memref<10240x128xf32, #tpu.memory_space<vmem_shared>> -> memref<80x128xf32, #tpu.memory_space<vmem_shared>>
    %dma_wait3A_144 = arith.constant 0 : i32
    %dma_wait3A_145 = tpu.memref_slice %arg7[%add3A_141, %dma_wait3A_144] : memref<10240x128xf32, #tpu.memory_space<vmem_shared>> -> memref<80x128xf32, #tpu.memory_space<vmem_shared>>
    tpu.wait_dma2 semaphore(%arg13 : memref<!tpu.dma_semaphore, #tpu.memory_space<semaphore_mem>>) src(%dma_wait3A_145 : memref<80x128xf32, #tpu.memory_space<vmem_shared>>) dst(%arg11 : memref<80x128xf32, #tpu.memory_space<vmem>>)
    %add3A_146 = arith.constant 80 : i32
    %add3A_147 = arith.addi %add3A_115, %add3A_146 : i32
    %dma_start3A_148 = arith.constant 0 : i32
    %dma_start3A_149 = tpu.memref_slice %arg6[%add3A_147, %dma_start3A_148] : memref<20480x128xf32, #tpu.memory_space<hbm>> -> memref<80x128xf32, #tpu.memory_space<hbm>>
    %dma_start3A_150 = arith.constant 0 : i32
    %dma_start3A_151 = tpu.memref_slice %arg6[%add3A_147, %dma_start3A_150] : memref<20480x128xf32, #tpu.memory_space<hbm>> -> memref<80x128xf32, #tpu.memory_space<hbm>>
    tpu.enqueue_dma source(%arg11 : memref<80x128xf32, #tpu.memory_space<vmem>>) target(%dma_start3A_151 : memref<80x128xf32, #tpu.memory_space<hbm>>) target_semaphore(%arg15 : memref<!tpu.dma_semaphore, #tpu.memory_space<semaphore_mem>>)
    %add3A_152 = arith.constant 0 : i32
    %add3A_153 = arith.addi %add3A_115, %add3A_152 : i32
    %dma_wait3A_154 = arith.constant 0 : i32
    %dma_wait3A_155 = tpu.memref_slice %arg6[%add3A_153, %dma_wait3A_154] : memref<20480x128xf32, #tpu.memory_space<hbm>> -> memref<80x128xf32, #tpu.memory_space<hbm>>
    %dma_wait3A_156 = arith.constant 0 : i32
    %dma_wait3A_157 = tpu.memref_slice %arg6[%add3A_153, %dma_wait3A_156] : memref<20480x128xf32, #tpu.memory_space<hbm>> -> memref<80x128xf32, #tpu.memory_space<hbm>>
    tpu.wait_dma2 semaphore(%arg14 : memref<!tpu.dma_semaphore, #tpu.memory_space<semaphore_mem>>) src(%arg10 : memref<80x128xf32, #tpu.memory_space<vmem>>) dst(%dma_wait3A_157 : memref<80x128xf32, #tpu.memory_space<hbm>>)
    %add3A_158 = arith.constant 160 : i32
    %add3A_159 = arith.addi %mul3A_2, %add3A_158 : i32
    %dma_start3A_160 = arith.constant 0 : i32
    %dma_start3A_161 = tpu.memref_slice %arg7[%add3A_159, %dma_start3A_160] : memref<10240x128xf32, #tpu.memory_space<vmem_shared>> -> memref<80x128xf32, #tpu.memory_space<vmem_shared>>
    %dma_start3A_162 = arith.constant 0 : i32
    %dma_start3A_163 = tpu.memref_slice %arg7[%add3A_159, %dma_start3A_162] : memref<10240x128xf32, #tpu.memory_space<vmem_shared>> -> memref<80x128xf32, #tpu.memory_space<vmem_shared>>
    tpu.enqueue_dma source(%dma_start3A_163 : memref<80x128xf32, #tpu.memory_space<vmem_shared>>) target(%arg10 : memref<80x128xf32, #tpu.memory_space<vmem>>) target_semaphore(%arg12 : memref<!tpu.dma_semaphore, #tpu.memory_space<semaphore_mem>>)
    %add3A_164 = arith.constant 160 : i32
    %add3A_165 = arith.addi %mul3A_2, %add3A_164 : i32
    %dma_wait3A_166 = arith.constant 0 : i32
    %dma_wait3A_167 = tpu.memref_slice %arg7[%add3A_165, %dma_wait3A_166] : memref<10240x128xf32, #tpu.memory_space<vmem_shared>> -> memref<80x128xf32, #tpu.memory_space<vmem_shared>>
    %dma_wait3A_168 = arith.constant 0 : i32
    %dma_wait3A_169 = tpu.memref_slice %arg7[%add3A_165, %dma_wait3A_168] : memref<10240x128xf32, #tpu.memory_space<vmem_shared>> -> memref<80x128xf32, #tpu.memory_space<vmem_shared>>
    tpu.wait_dma2 semaphore(%arg12 : memref<!tpu.dma_semaphore, #tpu.memory_space<semaphore_mem>>) src(%dma_wait3A_169 : memref<80x128xf32, #tpu.memory_space<vmem_shared>>) dst(%arg10 : memref<80x128xf32, #tpu.memory_space<vmem>>)
    %add3A_170 = arith.constant 160 : i32
    %add3A_171 = arith.addi %add3A_115, %add3A_170 : i32
    %dma_start3A_172 = arith.constant 0 : i32
    %dma_start3A_173 = tpu.memref_slice %arg6[%add3A_171, %dma_start3A_172] : memref<20480x128xf32, #tpu.memory_space<hbm>> -> memref<80x128xf32, #tpu.memory_space<hbm>>
    %dma_start3A_174 = arith.constant 0 : i32
    %dma_start3A_175 = tpu.memref_slice %arg6[%add3A_171, %dma_start3A_174] : memref<20480x128xf32, #tpu.memory_space<hbm>> -> memref<80x128xf32, #tpu.memory_space<hbm>>
    tpu.enqueue_dma source(%arg10 : memref<80x128xf32, #tpu.memory_space<vmem>>) target(%dma_start3A_175 : memref<80x128xf32, #tpu.memory_space<hbm>>) target_semaphore(%arg14 : memref<!tpu.dma_semaphore, #tpu.memory_space<semaphore_mem>>)
    %add3A_176 = arith.constant 80 : i32
    %add3A_177 = arith.addi %add3A_115, %add3A_176 : i32
    %dma_wait3A_178 = arith.constant 0 : i32
    %dma_wait3A_179 = tpu.memref_slice %arg6[%add3A_177, %dma_wait3A_178] : memref<20480x128xf32, #tpu.memory_space<hbm>> -> memref<80x128xf32, #tpu.memory_space<hbm>>
    %dma_wait3A_180 = arith.constant 0 : i32
    %dma_wait3A_181 = tpu.memref_slice %arg6[%add3A_177, %dma_wait3A_180] : memref<20480x128xf32, #tpu.memory_space<hbm>> -> memref<80x128xf32, #tpu.memory_space<hbm>>
    tpu.wait_dma2 semaphore(%arg15 : memref<!tpu.dma_semaphore, #tpu.memory_space<semaphore_mem>>) src(%arg11 : memref<80x128xf32, #tpu.memory_space<vmem>>) dst(%dma_wait3A_181 : memref<80x128xf32, #tpu.memory_space<hbm>>)
    %add3A_182 = arith.constant 240 : i32
    %add3A_183 = arith.addi %mul3A_2, %add3A_182 : i32
    %dma_start3A_184 = arith.constant 0 : i32
    %dma_start3A_185 = tpu.memref_slice %arg7[%add3A_183, %dma_start3A_184] : memref<10240x128xf32, #tpu.memory_space<vmem_shared>> -> memref<80x128xf32, #tpu.memory_space<vmem_shared>>
    %dma_start3A_186 = arith.constant 0 : i32
    %dma_start3A_187 = tpu.memref_slice %arg7[%add3A_183, %dma_start3A_186] : memref<10240x128xf32, #tpu.memory_space<vmem_shared>> -> memref<80x128xf32, #tpu.memory_space<vmem_shared>>
    tpu.enqueue_dma source(%dma_start3A_187 : memref<80x128xf32, #tpu.memory_space<vmem_shared>>) target(%arg11 : memref<80x128xf32, #tpu.memory_space<vmem>>) target_semaphore(%arg13 : memref<!tpu.dma_semaphore, #tpu.memory_space<semaphore_mem>>)
    %add3A_188 = arith.constant 240 : i32
    %add3A_189 = arith.addi %mul3A_2, %add3A_188 : i32
    %dma_wait3A_190 = arith.constant 0 : i32
    %dma_wait3A_191 = tpu.memref_slice %arg7[%add3A_189, %dma_wait3A_190] : memref<10240x128xf32, #tpu.memory_space<vmem_shared>> -> memref<80x128xf32, #tpu.memory_space<vmem_shared>>
    %dma_wait3A_192 = arith.constant 0 : i32
    %dma_wait3A_193 = tpu.memref_slice %arg7[%add3A_189, %dma_wait3A_192] : memref<10240x128xf32, #tpu.memory_space<vmem_shared>> -> memref<80x128xf32, #tpu.memory_space<vmem_shared>>
    tpu.wait_dma2 semaphore(%arg13 : memref<!tpu.dma_semaphore, #tpu.memory_space<semaphore_mem>>) src(%dma_wait3A_193 : memref<80x128xf32, #tpu.memory_space<vmem_shared>>) dst(%arg11 : memref<80x128xf32, #tpu.memory_space<vmem>>)
    %add3A_194 = arith.constant 240 : i32
    %add3A_195 = arith.addi %add3A_115, %add3A_194 : i32
    %dma_start3A_196 = arith.constant 0 : i32
    %dma_start3A_197 = tpu.memref_slice %arg6[%add3A_195, %dma_start3A_196] : memref<20480x128xf32, #tpu.memory_space<hbm>> -> memref<80x128xf32, #tpu.memory_space<hbm>>
    %dma_start3A_198 = arith.constant 0 : i32
    %dma_start3A_199 = tpu.memref_slice %arg6[%add3A_195, %dma_start3A_198] : memref<20480x128xf32, #tpu.memory_space<hbm>> -> memref<80x128xf32, #tpu.memory_space<hbm>>
    tpu.enqueue_dma source(%arg11 : memref<80x128xf32, #tpu.memory_space<vmem>>) target(%dma_start3A_199 : memref<80x128xf32, #tpu.memory_space<hbm>>) target_semaphore(%arg15 : memref<!tpu.dma_semaphore, #tpu.memory_space<semaphore_mem>>)
    %add3A_200 = arith.constant 160 : i32
    %add3A_201 = arith.addi %add3A_115, %add3A_200 : i32
    %dma_wait3A_202 = arith.constant 0 : i32
    %dma_wait3A_203 = tpu.memref_slice %arg6[%add3A_201, %dma_wait3A_202] : memref<20480x128xf32, #tpu.memory_space<hbm>> -> memref<80x128xf32, #tpu.memory_space<hbm>>
    %dma_wait3A_204 = arith.constant 0 : i32
    %dma_wait3A_205 = tpu.memref_slice %arg6[%add3A_201, %dma_wait3A_204] : memref<20480x128xf32, #tpu.memory_space<hbm>> -> memref<80x128xf32, #tpu.memory_space<hbm>>
    tpu.wait_dma2 semaphore(%arg14 : memref<!tpu.dma_semaphore, #tpu.memory_space<semaphore_mem>>) src(%arg10 : memref<80x128xf32, #tpu.memory_space<vmem>>) dst(%dma_wait3A_205 : memref<80x128xf32, #tpu.memory_space<hbm>>)
    %add3A_206 = arith.constant 320 : i32
    %add3A_207 = arith.addi %mul3A_2, %add3A_206 : i32
    %dma_start3A_208 = arith.constant 0 : i32
    %dma_start3A_209 = tpu.memref_slice %arg7[%add3A_207, %dma_start3A_208] : memref<10240x128xf32, #tpu.memory_space<vmem_shared>> -> memref<80x128xf32, #tpu.memory_space<vmem_shared>>
    %dma_start3A_210 = arith.constant 0 : i32
    %dma_start3A_211 = tpu.memref_slice %arg7[%add3A_207, %dma_start3A_210] : memref<10240x128xf32, #tpu.memory_space<vmem_shared>> -> memref<80x128xf32, #tpu.memory_space<vmem_shared>>
    tpu.enqueue_dma source(%dma_start3A_211 : memref<80x128xf32, #tpu.memory_space<vmem_shared>>) target(%arg10 : memref<80x128xf32, #tpu.memory_space<vmem>>) target_semaphore(%arg12 : memref<!tpu.dma_semaphore, #tpu.memory_space<semaphore_mem>>)
    %add3A_212 = arith.constant 320 : i32
    %add3A_213 = arith.addi %mul3A_2, %add3A_212 : i32
    %dma_wait3A_214 = arith.constant 0 : i32
    %dma_wait3A_215 = tpu.memref_slice %arg7[%add3A_213, %dma_wait3A_214] : memref<10240x128xf32, #tpu.memory_space<vmem_shared>> -> memref<80x128xf32, #tpu.memory_space<vmem_shared>>
    %dma_wait3A_216 = arith.constant 0 : i32
    %dma_wait3A_217 = tpu.memref_slice %arg7[%add3A_213, %dma_wait3A_216] : memref<10240x128xf32, #tpu.memory_space<vmem_shared>> -> memref<80x128xf32, #tpu.memory_space<vmem_shared>>
    tpu.wait_dma2 semaphore(%arg12 : memref<!tpu.dma_semaphore, #tpu.memory_space<semaphore_mem>>) src(%dma_wait3A_217 : memref<80x128xf32, #tpu.memory_space<vmem_shared>>) dst(%arg10 : memref<80x128xf32, #tpu.memory_space<vmem>>)
    %add3A_218 = arith.constant 320 : i32
    %add3A_219 = arith.addi %add3A_115, %add3A_218 : i32
    %dma_start3A_220 = arith.constant 0 : i32
    %dma_start3A_221 = tpu.memref_slice %arg6[%add3A_219, %dma_start3A_220] : memref<20480x128xf32, #tpu.memory_space<hbm>> -> memref<80x128xf32, #tpu.memory_space<hbm>>
    %dma_start3A_222 = arith.constant 0 : i32
    %dma_start3A_223 = tpu.memref_slice %arg6[%add3A_219, %dma_start3A_222] : memref<20480x128xf32, #tpu.memory_space<hbm>> -> memref<80x128xf32, #tpu.memory_space<hbm>>
    tpu.enqueue_dma source(%arg10 : memref<80x128xf32, #tpu.memory_space<vmem>>) target(%dma_start3A_223 : memref<80x128xf32, #tpu.memory_space<hbm>>) target_semaphore(%arg14 : memref<!tpu.dma_semaphore, #tpu.memory_space<semaphore_mem>>)
    %add3A_224 = arith.constant 240 : i32
    %add3A_225 = arith.addi %add3A_115, %add3A_224 : i32
    %dma_wait3A_226 = arith.constant 0 : i32
    %dma_wait3A_227 = tpu.memref_slice %arg6[%add3A_225, %dma_wait3A_226] : memref<20480x128xf32, #tpu.memory_space<hbm>> -> memref<80x128xf32, #tpu.memory_space<hbm>>
    %dma_wait3A_228 = arith.constant 0 : i32
    %dma_wait3A_229 = tpu.memref_slice %arg6[%add3A_225, %dma_wait3A_228] : memref<20480x128xf32, #tpu.memory_space<hbm>> -> memref<80x128xf32, #tpu.memory_space<hbm>>
    tpu.wait_dma2 semaphore(%arg15 : memref<!tpu.dma_semaphore, #tpu.memory_space<semaphore_mem>>) src(%arg11 : memref<80x128xf32, #tpu.memory_space<vmem>>) dst(%dma_wait3A_229 : memref<80x128xf32, #tpu.memory_space<hbm>>)
    %add3A_230 = arith.constant 400 : i32
    %add3A_231 = arith.addi %mul3A_2, %add3A_230 : i32
    %dma_start3A_232 = arith.constant 0 : i32
    %dma_start3A_233 = tpu.memref_slice %arg7[%add3A_231, %dma_start3A_232] : memref<10240x128xf32, #tpu.memory_space<vmem_shared>> -> memref<80x128xf32, #tpu.memory_space<vmem_shared>>
    %dma_start3A_234 = arith.constant 0 : i32
    %dma_start3A_235 = tpu.memref_slice %arg7[%add3A_231, %dma_start3A_234] : memref<10240x128xf32, #tpu.memory_space<vmem_shared>> -> memref<80x128xf32, #tpu.memory_space<vmem_shared>>
    tpu.enqueue_dma source(%dma_start3A_235 : memref<80x128xf32, #tpu.memory_space<vmem_shared>>) target(%arg11 : memref<80x128xf32, #tpu.memory_space<vmem>>) target_semaphore(%arg13 : memref<!tpu.dma_semaphore, #tpu.memory_space<semaphore_mem>>)
    %add3A_236 = arith.constant 400 : i32
    %add3A_237 = arith.addi %mul3A_2, %add3A_236 : i32
    %dma_wait3A_238 = arith.constant 0 : i32
    %dma_wait3A_239 = tpu.memref_slice %arg7[%add3A_237, %dma_wait3A_238] : memref<10240x128xf32, #tpu.memory_space<vmem_shared>> -> memref<80x128xf32, #tpu.memory_space<vmem_shared>>
    %dma_wait3A_240 = arith.constant 0 : i32
    %dma_wait3A_241 = tpu.memref_slice %arg7[%add3A_237, %dma_wait3A_240] : memref<10240x128xf32, #tpu.memory_space<vmem_shared>> -> memref<80x128xf32, #tpu.memory_space<vmem_shared>>
    tpu.wait_dma2 semaphore(%arg13 : memref<!tpu.dma_semaphore, #tpu.memory_space<semaphore_mem>>) src(%dma_wait3A_241 : memref<80x128xf32, #tpu.memory_space<vmem_shared>>) dst(%arg11 : memref<80x128xf32, #tpu.memory_space<vmem>>)
    %add3A_242 = arith.constant 400 : i32
    %add3A_243 = arith.addi %add3A_115, %add3A_242 : i32
    %dma_start3A_244 = arith.constant 0 : i32
    %dma_start3A_245 = tpu.memref_slice %arg6[%add3A_243, %dma_start3A_244] : memref<20480x128xf32, #tpu.memory_space<hbm>> -> memref<80x128xf32, #tpu.memory_space<hbm>>
    %dma_start3A_246 = arith.constant 0 : i32
    %dma_start3A_247 = tpu.memref_slice %arg6[%add3A_243, %dma_start3A_246] : memref<20480x128xf32, #tpu.memory_space<hbm>> -> memref<80x128xf32, #tpu.memory_space<hbm>>
    tpu.enqueue_dma source(%arg11 : memref<80x128xf32, #tpu.memory_space<vmem>>) target(%dma_start3A_247 : memref<80x128xf32, #tpu.memory_space<hbm>>) target_semaphore(%arg15 : memref<!tpu.dma_semaphore, #tpu.memory_space<semaphore_mem>>)
    %add3A_248 = arith.constant 320 : i32
    %add3A_249 = arith.addi %add3A_115, %add3A_248 : i32
    %dma_wait3A_250 = arith.constant 0 : i32
    %dma_wait3A_251 = tpu.memref_slice %arg6[%add3A_249, %dma_wait3A_250] : memref<20480x128xf32, #tpu.memory_space<hbm>> -> memref<80x128xf32, #tpu.memory_space<hbm>>
    %dma_wait3A_252 = arith.constant 0 : i32
    %dma_wait3A_253 = tpu.memref_slice %arg6[%add3A_249, %dma_wait3A_252] : memref<20480x128xf32, #tpu.memory_space<hbm>> -> memref<80x128xf32, #tpu.memory_space<hbm>>
    tpu.wait_dma2 semaphore(%arg14 : memref<!tpu.dma_semaphore, #tpu.memory_space<semaphore_mem>>) src(%arg10 : memref<80x128xf32, #tpu.memory_space<vmem>>) dst(%dma_wait3A_253 : memref<80x128xf32, #tpu.memory_space<hbm>>)
    %add3A_254 = arith.constant 480 : i32
    %add3A_255 = arith.addi %mul3A_2, %add3A_254 : i32
    %dma_start3A_256 = arith.constant 0 : i32
    %dma_start3A_257 = tpu.memref_slice %arg7[%add3A_255, %dma_start3A_256] : memref<10240x128xf32, #tpu.memory_space<vmem_shared>> -> memref<80x128xf32, #tpu.memory_space<vmem_shared>>
    %dma_start3A_258 = arith.constant 0 : i32
    %dma_start3A_259 = tpu.memref_slice %arg7[%add3A_255, %dma_start3A_258] : memref<10240x128xf32, #tpu.memory_space<vmem_shared>> -> memref<80x128xf32, #tpu.memory_space<vmem_shared>>
    tpu.enqueue_dma source(%dma_start3A_259 : memref<80x128xf32, #tpu.memory_space<vmem_shared>>) target(%arg10 : memref<80x128xf32, #tpu.memory_space<vmem>>) target_semaphore(%arg12 : memref<!tpu.dma_semaphore, #tpu.memory_space<semaphore_mem>>)
    %add3A_260 = arith.constant 480 : i32
    %add3A_261 = arith.addi %mul3A_2, %add3A_260 : i32
    %dma_wait3A_262 = arith.constant 0 : i32
    %dma_wait3A_263 = tpu.memref_slice %arg7[%add3A_261, %dma_wait3A_262] : memref<10240x128xf32, #tpu.memory_space<vmem_shared>> -> memref<80x128xf32, #tpu.memory_space<vmem_shared>>
    %dma_wait3A_264 = arith.constant 0 : i32
    %dma_wait3A_265 = tpu.memref_slice %arg7[%add3A_261, %dma_wait3A_264] : memref<10240x128xf32, #tpu.memory_space<vmem_shared>> -> memref<80x128xf32, #tpu.memory_space<vmem_shared>>
    tpu.wait_dma2 semaphore(%arg12 : memref<!tpu.dma_semaphore, #tpu.memory_space<semaphore_mem>>) src(%dma_wait3A_265 : memref<80x128xf32, #tpu.memory_space<vmem_shared>>) dst(%arg10 : memref<80x128xf32, #tpu.memory_space<vmem>>)
    %add3A_266 = arith.constant 480 : i32
    %add3A_267 = arith.addi %add3A_115, %add3A_266 : i32
    %dma_start3A_268 = arith.constant 0 : i32
    %dma_start3A_269 = tpu.memref_slice %arg6[%add3A_267, %dma_start3A_268] : memref<20480x128xf32, #tpu.memory_space<hbm>> -> memref<80x128xf32, #tpu.memory_space<hbm>>
    %dma_start3A_270 = arith.constant 0 : i32
    %dma_start3A_271 = tpu.memref_slice %arg6[%add3A_267, %dma_start3A_270] : memref<20480x128xf32, #tpu.memory_space<hbm>> -> memref<80x128xf32, #tpu.memory_space<hbm>>
    tpu.enqueue_dma source(%arg10 : memref<80x128xf32, #tpu.memory_space<vmem>>) target(%dma_start3A_271 : memref<80x128xf32, #tpu.memory_space<hbm>>) target_semaphore(%arg14 : memref<!tpu.dma_semaphore, #tpu.memory_space<semaphore_mem>>)
    %add3A_272 = arith.constant 400 : i32
    %add3A_273 = arith.addi %add3A_115, %add3A_272 : i32
    %dma_wait3A_274 = arith.constant 0 : i32
    %dma_wait3A_275 = tpu.memref_slice %arg6[%add3A_273, %dma_wait3A_274] : memref<20480x128xf32, #tpu.memory_space<hbm>> -> memref<80x128xf32, #tpu.memory_space<hbm>>
    %dma_wait3A_276 = arith.constant 0 : i32
    %dma_wait3A_277 = tpu.memref_slice %arg6[%add3A_273, %dma_wait3A_276] : memref<20480x128xf32, #tpu.memory_space<hbm>> -> memref<80x128xf32, #tpu.memory_space<hbm>>
    tpu.wait_dma2 semaphore(%arg15 : memref<!tpu.dma_semaphore, #tpu.memory_space<semaphore_mem>>) src(%arg11 : memref<80x128xf32, #tpu.memory_space<vmem>>) dst(%dma_wait3A_277 : memref<80x128xf32, #tpu.memory_space<hbm>>)
    %add3A_278 = arith.constant 560 : i32
    %add3A_279 = arith.addi %mul3A_2, %add3A_278 : i32
    %dma_start3A_280 = arith.constant 0 : i32
    %dma_start3A_281 = tpu.memref_slice %arg7[%add3A_279, %dma_start3A_280] : memref<10240x128xf32, #tpu.memory_space<vmem_shared>> -> memref<80x128xf32, #tpu.memory_space<vmem_shared>>
    %dma_start3A_282 = arith.constant 0 : i32
    %dma_start3A_283 = tpu.memref_slice %arg7[%add3A_279, %dma_start3A_282] : memref<10240x128xf32, #tpu.memory_space<vmem_shared>> -> memref<80x128xf32, #tpu.memory_space<vmem_shared>>
    tpu.enqueue_dma source(%dma_start3A_283 : memref<80x128xf32, #tpu.memory_space<vmem_shared>>) target(%arg11 : memref<80x128xf32, #tpu.memory_space<vmem>>) target_semaphore(%arg13 : memref<!tpu.dma_semaphore, #tpu.memory_space<semaphore_mem>>)
    %add3A_284 = arith.constant 560 : i32
    %add3A_285 = arith.addi %mul3A_2, %add3A_284 : i32
    %dma_wait3A_286 = arith.constant 0 : i32
    %dma_wait3A_287 = tpu.memref_slice %arg7[%add3A_285, %dma_wait3A_286] : memref<10240x128xf32, #tpu.memory_space<vmem_shared>> -> memref<80x128xf32, #tpu.memory_space<vmem_shared>>
    %dma_wait3A_288 = arith.constant 0 : i32
    %dma_wait3A_289 = tpu.memref_slice %arg7[%add3A_285, %dma_wait3A_288] : memref<10240x128xf32, #tpu.memory_space<vmem_shared>> -> memref<80x128xf32, #tpu.memory_space<vmem_shared>>
    tpu.wait_dma2 semaphore(%arg13 : memref<!tpu.dma_semaphore, #tpu.memory_space<semaphore_mem>>) src(%dma_wait3A_289 : memref<80x128xf32, #tpu.memory_space<vmem_shared>>) dst(%arg11 : memref<80x128xf32, #tpu.memory_space<vmem>>)
    %add3A_290 = arith.constant 560 : i32
    %add3A_291 = arith.addi %add3A_115, %add3A_290 : i32
    %dma_start3A_292 = arith.constant 0 : i32
    %dma_start3A_293 = tpu.memref_slice %arg6[%add3A_291, %dma_start3A_292] : memref<20480x128xf32, #tpu.memory_space<hbm>> -> memref<80x128xf32, #tpu.memory_space<hbm>>
    %dma_start3A_294 = arith.constant 0 : i32
    %dma_start3A_295 = tpu.memref_slice %arg6[%add3A_291, %dma_start3A_294] : memref<20480x128xf32, #tpu.memory_space<hbm>> -> memref<80x128xf32, #tpu.memory_space<hbm>>
    tpu.enqueue_dma source(%arg11 : memref<80x128xf32, #tpu.memory_space<vmem>>) target(%dma_start3A_295 : memref<80x128xf32, #tpu.memory_space<hbm>>) target_semaphore(%arg15 : memref<!tpu.dma_semaphore, #tpu.memory_space<semaphore_mem>>)
    %add3A_296 = arith.constant 560 : i32
    %add3A_297 = arith.addi %add3A_115, %add3A_296 : i32
    %dma_wait3A_298 = arith.constant 0 : i32
    %dma_wait3A_299 = tpu.memref_slice %arg6[%add3A_297, %dma_wait3A_298] : memref<20480x128xf32, #tpu.memory_space<hbm>> -> memref<80x128xf32, #tpu.memory_space<hbm>>
    %dma_wait3A_300 = arith.constant 0 : i32
    %dma_wait3A_301 = tpu.memref_slice %arg6[%add3A_297, %dma_wait3A_300] : memref<20480x128xf32, #tpu.memory_space<hbm>> -> memref<80x128xf32, #tpu.memory_space<hbm>>
    tpu.wait_dma2 semaphore(%arg15 : memref<!tpu.dma_semaphore, #tpu.memory_space<semaphore_mem>>) src(%arg11 : memref<80x128xf32, #tpu.memory_space<vmem>>) dst(%dma_wait3A_301 : memref<80x128xf32, #tpu.memory_space<hbm>>)
    return
  }
}

#map = affine_map<(d0, d1) -> (0, 0)>
#map1 = affine_map<(d0, d1) -> (0, 0, 0)>
module attributes {stable_mosaic.version = 14 : i64} {
  func.func @_sc_agg(%arg0: i32, %arg1: i32, %arg2: memref<10240x128xf32, #tpu.memory_space<hbm>>, %arg3: memref<32x10000xi32, #tpu.memory_space<hbm>>, %arg4: memref<32x125x80xi32, #tpu.memory_space<hbm>>, %arg5: memref<80x128xf32, #tpu.memory_space<hbm>>, %arg6: memref<20480x128xf32, #tpu.memory_space<hbm>>, %arg7: memref<10240x128xf32, #tpu.memory_space<vmem_shared>>, %arg8: memref<10000xi32, #tpu.memory_space<vmem>>, %arg9: memref<125x80xi32, #tpu.memory_space<vmem>>, %arg10: memref<80x128xf32, #tpu.memory_space<vmem>>, %arg11: memref<80x128xf32, #tpu.memory_space<vmem>>, %arg12: memref<!tpu.dma_semaphore, #tpu.memory_space<semaphore_mem>>, %arg13: memref<!tpu.dma_semaphore, #tpu.memory_space<semaphore_mem>>, %arg14: memref<!tpu.dma_semaphore, #tpu.memory_space<semaphore_mem>>, %arg15: memref<!tpu.dma_semaphore, #tpu.memory_space<semaphore_mem>>) attributes {dimension_semantics = [#tpu.dimension_semantics<core_parallel>, #tpu.dimension_semantics<subcore_parallel>], iteration_bounds = array<i64: 2, 16>, scalar_prefetch = 0 : i64, scratch_operands = 9 : i64, tpu.core_type = #tpu.core_type<sc_vector_subcore>, window_params = [{transform_indices = #map}, {transform_indices = #map}, {transform_indices = #map1}, {transform_indices = #map}, {transform_indices = #map}]} {
    %mul3A = arith.constant 2 : i32
    %mul3A_0 = arith.muli %arg1, %mul3A : i32
    %add3A = arith.addi %mul3A_0, %arg0 : i32
    %mul3A_1 = arith.constant 640 : i32
    %mul3A_2 = arith.muli %arg1, %mul3A_1 : i32
    "tpu.region"() ({
      %run_scoped3A_302 = tpu.sem_alloc : memref<!tpu.dma_semaphore, #tpu.memory_space<semaphore_mem>>
      %dma_start3A_303 = arith.constant 0 : i32
      %dma_start3A_304 = tpu.memref_slice %arg3[%add3A, %dma_start3A_303] : memref<32x10000xi32, #tpu.memory_space<hbm>> -> memref<1x10000xi32, #tpu.memory_space<hbm>>
      %dma_start3A_305 = tpu.memref_squeeze %dma_start3A_304 : memref<1x10000xi32, #tpu.memory_space<hbm>> -> memref<10000xi32, #tpu.memory_space<hbm>>
      %dma_start3A_306 = arith.constant 0 : i32
      %dma_start3A_307 = tpu.memref_slice %arg3[%add3A, %dma_start3A_306] : memref<32x10000xi32, #tpu.memory_space<hbm>> -> memref<1x10000xi32, #tpu.memory_space<hbm>>
      %dma_start3A_308 = tpu.memref_squeeze %dma_start3A_307 : memref<1x10000xi32, #tpu.memory_space<hbm>> -> memref<10000xi32, #tpu.memory_space<hbm>>
      tpu.enqueue_dma source(%dma_start3A_308 : memref<10000xi32, #tpu.memory_space<hbm>>) target(%arg8 : memref<10000xi32, #tpu.memory_space<vmem>>) target_semaphore(%run_scoped3A_302 : memref<!tpu.dma_semaphore, #tpu.memory_space<semaphore_mem>>)
      %dma_wait3A_309 = arith.constant 0 : i32
      %dma_wait3A_310 = tpu.memref_slice %arg3[%add3A, %dma_wait3A_309] : memref<32x10000xi32, #tpu.memory_space<hbm>> -> memref<1x10000xi32, #tpu.memory_space<hbm>>
      %dma_wait3A_311 = tpu.memref_squeeze %dma_wait3A_310 : memref<1x10000xi32, #tpu.memory_space<hbm>> -> memref<10000xi32, #tpu.memory_space<hbm>>
      %dma_wait3A_312 = arith.constant 0 : i32
      %dma_wait3A_313 = tpu.memref_slice %arg3[%add3A, %dma_wait3A_312] : memref<32x10000xi32, #tpu.memory_space<hbm>> -> memref<1x10000xi32, #tpu.memory_space<hbm>>
      %dma_wait3A_314 = tpu.memref_squeeze %dma_wait3A_313 : memref<1x10000xi32, #tpu.memory_space<hbm>> -> memref<10000xi32, #tpu.memory_space<hbm>>
      tpu.wait_dma2 semaphore(%run_scoped3A_302 : memref<!tpu.dma_semaphore, #tpu.memory_space<semaphore_mem>>) src(%dma_wait3A_314 : memref<10000xi32, #tpu.memory_space<hbm>>) dst(%arg8 : memref<10000xi32, #tpu.memory_space<vmem>>)
      tpu.yield
    }) : () -> ()
    "tpu.region"() ({
      %run_scoped3A_302 = tpu.sem_alloc : memref<!tpu.dma_semaphore, #tpu.memory_space<semaphore_mem>>
      %dma_start3A_303 = arith.constant 0 : i32
      %dma_start3A_304 = arith.constant 0 : i32
      %dma_start3A_305 = tpu.memref_slice %arg4[%add3A, %dma_start3A_303, %dma_start3A_304] : memref<32x125x80xi32, #tpu.memory_space<hbm>> -> memref<1x125x80xi32, #tpu.memory_space<hbm>>
      %dma_start3A_306 = tpu.memref_squeeze %dma_start3A_305 : memref<1x125x80xi32, #tpu.memory_space<hbm>> -> memref<125x80xi32, #tpu.memory_space<hbm>>
      %dma_start3A_307 = arith.constant 0 : i32
      %dma_start3A_308 = arith.constant 0 : i32
      %dma_start3A_309 = tpu.memref_slice %arg4[%add3A, %dma_start3A_307, %dma_start3A_308] : memref<32x125x80xi32, #tpu.memory_space<hbm>> -> memref<1x125x80xi32, #tpu.memory_space<hbm>>
      %dma_start3A_310 = tpu.memref_squeeze %dma_start3A_309 : memref<1x125x80xi32, #tpu.memory_space<hbm>> -> memref<125x80xi32, #tpu.memory_space<hbm>>
      tpu.enqueue_dma source(%dma_start3A_310 : memref<125x80xi32, #tpu.memory_space<hbm>>) target(%arg9 : memref<125x80xi32, #tpu.memory_space<vmem>>) target_semaphore(%run_scoped3A_302 : memref<!tpu.dma_semaphore, #tpu.memory_space<semaphore_mem>>)
      %dma_wait3A_311 = arith.constant 0 : i32
      %dma_wait3A_312 = arith.constant 0 : i32
      %dma_wait3A_313 = tpu.memref_slice %arg4[%add3A, %dma_wait3A_311, %dma_wait3A_312] : memref<32x125x80xi32, #tpu.memory_space<hbm>> -> memref<1x125x80xi32, #tpu.memory_space<hbm>>
      %dma_wait3A_314 = tpu.memref_squeeze %dma_wait3A_313 : memref<1x125x80xi32, #tpu.memory_space<hbm>> -> memref<125x80xi32, #tpu.memory_space<hbm>>
      %dma_wait3A_315 = arith.constant 0 : i32
      %dma_wait3A_316 = arith.constant 0 : i32
      %dma_wait3A_317 = tpu.memref_slice %arg4[%add3A, %dma_wait3A_315, %dma_wait3A_316] : memref<32x125x80xi32, #tpu.memory_space<hbm>> -> memref<1x125x80xi32, #tpu.memory_space<hbm>>
      %dma_wait3A_318 = tpu.memref_squeeze %dma_wait3A_317 : memref<1x125x80xi32, #tpu.memory_space<hbm>> -> memref<125x80xi32, #tpu.memory_space<hbm>>
      tpu.wait_dma2 semaphore(%run_scoped3A_302 : memref<!tpu.dma_semaphore, #tpu.memory_space<semaphore_mem>>) src(%dma_wait3A_318 : memref<125x80xi32, #tpu.memory_space<hbm>>) dst(%arg9 : memref<125x80xi32, #tpu.memory_space<vmem>>)
      tpu.yield
    }) : () -> ()
    "tpu.region"() ({
      %run_scoped3A_302 = tpu.sem_alloc : memref<!tpu.dma_semaphore, #tpu.memory_space<semaphore_mem>>
      tpu.enqueue_dma source(%arg5 : memref<80x128xf32, #tpu.memory_space<hbm>>) target(%arg11 : memref<80x128xf32, #tpu.memory_space<vmem>>) target_semaphore(%run_scoped3A_302 : memref<!tpu.dma_semaphore, #tpu.memory_space<semaphore_mem>>)
      tpu.wait_dma2 semaphore(%run_scoped3A_302 : memref<!tpu.dma_semaphore, #tpu.memory_space<semaphore_mem>>) src(%arg5 : memref<80x128xf32, #tpu.memory_space<hbm>>) dst(%arg11 : memref<80x128xf32, #tpu.memory_space<vmem>>)
      tpu.yield
    }) : () -> ()
    %dma_start3A = arith.constant 0 : i32
    %dma_start3A_3 = tpu.memref_slice %arg8[%dma_start3A] : memref<10000xi32, #tpu.memory_space<vmem>> -> memref<80xi32, #tpu.memory_space<vmem>>
    %dma_start3A_4 = arith.constant 0 : i32
    %dma_start3A_5 = arith.constant 0 : i32
    %dma_start3A_6 = tpu.memref_slice %arg2[%dma_start3A_4, %dma_start3A_5] : memref<10240x128xf32, #tpu.memory_space<hbm>> -> memref<10240x128xf32, #tpu.memory_space<hbm>>
    tpu.enqueue_indirect_dma source(%dma_start3A_6 : memref<10240x128xf32, #tpu.memory_space<hbm>>) target(%arg10 : memref<80x128xf32, #tpu.memory_space<vmem>>) offsets(%dma_start3A_3 : memref<80xi32, #tpu.memory_space<vmem>>) semaphore(%arg12 : memref<!tpu.dma_semaphore, #tpu.memory_space<semaphore_mem>>)
    %add3A_7 = arith.constant 0 : i32
    %add3A_8 = arith.addi %mul3A_2, %add3A_7 : i32
    %dma_start3A_9 = arith.constant 0 : i32
    %dma_start3A_10 = tpu.memref_slice %arg7[%add3A_8, %dma_start3A_9] : memref<10240x128xf32, #tpu.memory_space<vmem_shared>> -> memref<80x128xf32, #tpu.memory_space<vmem_shared>>
    %dma_start3A_11 = arith.constant 0 : i32
    %dma_start3A_12 = tpu.memref_slice %arg7[%add3A_8, %dma_start3A_11] : memref<10240x128xf32, #tpu.memory_space<vmem_shared>> -> memref<80x128xf32, #tpu.memory_space<vmem_shared>>
    tpu.enqueue_dma source(%arg11 : memref<80x128xf32, #tpu.memory_space<vmem>>) target(%dma_start3A_12 : memref<80x128xf32, #tpu.memory_space<vmem_shared>>) target_semaphore(%arg14 : memref<!tpu.dma_semaphore, #tpu.memory_space<semaphore_mem>>)
    %add3A_13 = arith.constant 80 : i32
    %add3A_14 = arith.addi %mul3A_2, %add3A_13 : i32
    %dma_start3A_15 = arith.constant 0 : i32
    %dma_start3A_16 = tpu.memref_slice %arg7[%add3A_14, %dma_start3A_15] : memref<10240x128xf32, #tpu.memory_space<vmem_shared>> -> memref<80x128xf32, #tpu.memory_space<vmem_shared>>
    %dma_start3A_17 = arith.constant 0 : i32
    %dma_start3A_18 = tpu.memref_slice %arg7[%add3A_14, %dma_start3A_17] : memref<10240x128xf32, #tpu.memory_space<vmem_shared>> -> memref<80x128xf32, #tpu.memory_space<vmem_shared>>
    tpu.enqueue_dma source(%arg11 : memref<80x128xf32, #tpu.memory_space<vmem>>) target(%dma_start3A_18 : memref<80x128xf32, #tpu.memory_space<vmem_shared>>) target_semaphore(%arg14 : memref<!tpu.dma_semaphore, #tpu.memory_space<semaphore_mem>>)
    %add3A_19 = arith.constant 160 : i32
    %add3A_20 = arith.addi %mul3A_2, %add3A_19 : i32
    %dma_start3A_21 = arith.constant 0 : i32
    %dma_start3A_22 = tpu.memref_slice %arg7[%add3A_20, %dma_start3A_21] : memref<10240x128xf32, #tpu.memory_space<vmem_shared>> -> memref<80x128xf32, #tpu.memory_space<vmem_shared>>
    %dma_start3A_23 = arith.constant 0 : i32
    %dma_start3A_24 = tpu.memref_slice %arg7[%add3A_20, %dma_start3A_23] : memref<10240x128xf32, #tpu.memory_space<vmem_shared>> -> memref<80x128xf32, #tpu.memory_space<vmem_shared>>
    tpu.enqueue_dma source(%arg11 : memref<80x128xf32, #tpu.memory_space<vmem>>) target(%dma_start3A_24 : memref<80x128xf32, #tpu.memory_space<vmem_shared>>) target_semaphore(%arg14 : memref<!tpu.dma_semaphore, #tpu.memory_space<semaphore_mem>>)
    %add3A_25 = arith.constant 240 : i32
    %add3A_26 = arith.addi %mul3A_2, %add3A_25 : i32
    %dma_start3A_27 = arith.constant 0 : i32
    %dma_start3A_28 = tpu.memref_slice %arg7[%add3A_26, %dma_start3A_27] : memref<10240x128xf32, #tpu.memory_space<vmem_shared>> -> memref<80x128xf32, #tpu.memory_space<vmem_shared>>
    %dma_start3A_29 = arith.constant 0 : i32
    %dma_start3A_30 = tpu.memref_slice %arg7[%add3A_26, %dma_start3A_29] : memref<10240x128xf32, #tpu.memory_space<vmem_shared>> -> memref<80x128xf32, #tpu.memory_space<vmem_shared>>
    tpu.enqueue_dma source(%arg11 : memref<80x128xf32, #tpu.memory_space<vmem>>) target(%dma_start3A_30 : memref<80x128xf32, #tpu.memory_space<vmem_shared>>) target_semaphore(%arg14 : memref<!tpu.dma_semaphore, #tpu.memory_space<semaphore_mem>>)
    %add3A_31 = arith.constant 320 : i32
    %add3A_32 = arith.addi %mul3A_2, %add3A_31 : i32
    %dma_start3A_33 = arith.constant 0 : i32
    %dma_start3A_34 = tpu.memref_slice %arg7[%add3A_32, %dma_start3A_33] : memref<10240x128xf32, #tpu.memory_space<vmem_shared>> -> memref<80x128xf32, #tpu.memory_space<vmem_shared>>
    %dma_start3A_35 = arith.constant 0 : i32
    %dma_start3A_36 = tpu.memref_slice %arg7[%add3A_32, %dma_start3A_35] : memref<10240x128xf32, #tpu.memory_space<vmem_shared>> -> memref<80x128xf32, #tpu.memory_space<vmem_shared>>
    tpu.enqueue_dma source(%arg11 : memref<80x128xf32, #tpu.memory_space<vmem>>) target(%dma_start3A_36 : memref<80x128xf32, #tpu.memory_space<vmem_shared>>) target_semaphore(%arg14 : memref<!tpu.dma_semaphore, #tpu.memory_space<semaphore_mem>>)
    %add3A_37 = arith.constant 400 : i32
    %add3A_38 = arith.addi %mul3A_2, %add3A_37 : i32
    %dma_start3A_39 = arith.constant 0 : i32
    %dma_start3A_40 = tpu.memref_slice %arg7[%add3A_38, %dma_start3A_39] : memref<10240x128xf32, #tpu.memory_space<vmem_shared>> -> memref<80x128xf32, #tpu.memory_space<vmem_shared>>
    %dma_start3A_41 = arith.constant 0 : i32
    %dma_start3A_42 = tpu.memref_slice %arg7[%add3A_38, %dma_start3A_41] : memref<10240x128xf32, #tpu.memory_space<vmem_shared>> -> memref<80x128xf32, #tpu.memory_space<vmem_shared>>
    tpu.enqueue_dma source(%arg11 : memref<80x128xf32, #tpu.memory_space<vmem>>) target(%dma_start3A_42 : memref<80x128xf32, #tpu.memory_space<vmem_shared>>) target_semaphore(%arg14 : memref<!tpu.dma_semaphore, #tpu.memory_space<semaphore_mem>>)
    %add3A_43 = arith.constant 480 : i32
    %add3A_44 = arith.addi %mul3A_2, %add3A_43 : i32
    %dma_start3A_45 = arith.constant 0 : i32
    %dma_start3A_46 = tpu.memref_slice %arg7[%add3A_44, %dma_start3A_45] : memref<10240x128xf32, #tpu.memory_space<vmem_shared>> -> memref<80x128xf32, #tpu.memory_space<vmem_shared>>
    %dma_start3A_47 = arith.constant 0 : i32
    %dma_start3A_48 = tpu.memref_slice %arg7[%add3A_44, %dma_start3A_47] : memref<10240x128xf32, #tpu.memory_space<vmem_shared>> -> memref<80x128xf32, #tpu.memory_space<vmem_shared>>
    tpu.enqueue_dma source(%arg11 : memref<80x128xf32, #tpu.memory_space<vmem>>) target(%dma_start3A_48 : memref<80x128xf32, #tpu.memory_space<vmem_shared>>) target_semaphore(%arg14 : memref<!tpu.dma_semaphore, #tpu.memory_space<semaphore_mem>>)
    %add3A_49 = arith.constant 560 : i32
    %add3A_50 = arith.addi %mul3A_2, %add3A_49 : i32
    %dma_start3A_51 = arith.constant 0 : i32
    %dma_start3A_52 = tpu.memref_slice %arg7[%add3A_50, %dma_start3A_51] : memref<10240x128xf32, #tpu.memory_space<vmem_shared>> -> memref<80x128xf32, #tpu.memory_space<vmem_shared>>
    %dma_start3A_53 = arith.constant 0 : i32
    %dma_start3A_54 = tpu.memref_slice %arg7[%add3A_50, %dma_start3A_53] : memref<10240x128xf32, #tpu.memory_space<vmem_shared>> -> memref<80x128xf32, #tpu.memory_space<vmem_shared>>
    tpu.enqueue_dma source(%arg11 : memref<80x128xf32, #tpu.memory_space<vmem>>) target(%dma_start3A_54 : memref<80x128xf32, #tpu.memory_space<vmem_shared>>) target_semaphore(%arg14 : memref<!tpu.dma_semaphore, #tpu.memory_space<semaphore_mem>>)
    %add3A_55 = arith.constant 0 : i32
    %add3A_56 = arith.addi %mul3A_2, %add3A_55 : i32
    %dma_wait3A = arith.constant 0 : i32
    %dma_wait3A_57 = tpu.memref_slice %arg7[%add3A_56, %dma_wait3A] : memref<10240x128xf32, #tpu.memory_space<vmem_shared>> -> memref<80x128xf32, #tpu.memory_space<vmem_shared>>
    %dma_wait3A_58 = arith.constant 0 : i32
    %dma_wait3A_59 = tpu.memref_slice %arg7[%add3A_56, %dma_wait3A_58] : memref<10240x128xf32, #tpu.memory_space<vmem_shared>> -> memref<80x128xf32, #tpu.memory_space<vmem_shared>>
    tpu.wait_dma2 semaphore(%arg14 : memref<!tpu.dma_semaphore, #tpu.memory_space<semaphore_mem>>) src(%arg11 : memref<80x128xf32, #tpu.memory_space<vmem>>) dst(%dma_wait3A_59 : memref<80x128xf32, #tpu.memory_space<vmem_shared>>)
    %add3A_60 = arith.constant 80 : i32
    %add3A_61 = arith.addi %mul3A_2, %add3A_60 : i32
    %dma_wait3A_62 = arith.constant 0 : i32
    %dma_wait3A_63 = tpu.memref_slice %arg7[%add3A_61, %dma_wait3A_62] : memref<10240x128xf32, #tpu.memory_space<vmem_shared>> -> memref<80x128xf32, #tpu.memory_space<vmem_shared>>
    %dma_wait3A_64 = arith.constant 0 : i32
    %dma_wait3A_65 = tpu.memref_slice %arg7[%add3A_61, %dma_wait3A_64] : memref<10240x128xf32, #tpu.memory_space<vmem_shared>> -> memref<80x128xf32, #tpu.memory_space<vmem_shared>>
    tpu.wait_dma2 semaphore(%arg14 : memref<!tpu.dma_semaphore, #tpu.memory_space<semaphore_mem>>) src(%arg11 : memref<80x128xf32, #tpu.memory_space<vmem>>) dst(%dma_wait3A_65 : memref<80x128xf32, #tpu.memory_space<vmem_shared>>)
    %add3A_66 = arith.constant 160 : i32
    %add3A_67 = arith.addi %mul3A_2, %add3A_66 : i32
    %dma_wait3A_68 = arith.constant 0 : i32
    %dma_wait3A_69 = tpu.memref_slice %arg7[%add3A_67, %dma_wait3A_68] : memref<10240x128xf32, #tpu.memory_space<vmem_shared>> -> memref<80x128xf32, #tpu.memory_space<vmem_shared>>
    %dma_wait3A_70 = arith.constant 0 : i32
    %dma_wait3A_71 = tpu.memref_slice %arg7[%add3A_67, %dma_wait3A_70] : memref<10240x128xf32, #tpu.memory_space<vmem_shared>> -> memref<80x128xf32, #tpu.memory_space<vmem_shared>>
    tpu.wait_dma2 semaphore(%arg14 : memref<!tpu.dma_semaphore, #tpu.memory_space<semaphore_mem>>) src(%arg11 : memref<80x128xf32, #tpu.memory_space<vmem>>) dst(%dma_wait3A_71 : memref<80x128xf32, #tpu.memory_space<vmem_shared>>)
    %add3A_72 = arith.constant 240 : i32
    %add3A_73 = arith.addi %mul3A_2, %add3A_72 : i32
    %dma_wait3A_74 = arith.constant 0 : i32
    %dma_wait3A_75 = tpu.memref_slice %arg7[%add3A_73, %dma_wait3A_74] : memref<10240x128xf32, #tpu.memory_space<vmem_shared>> -> memref<80x128xf32, #tpu.memory_space<vmem_shared>>
    %dma_wait3A_76 = arith.constant 0 : i32
    %dma_wait3A_77 = tpu.memref_slice %arg7[%add3A_73, %dma_wait3A_76] : memref<10240x128xf32, #tpu.memory_space<vmem_shared>> -> memref<80x128xf32, #tpu.memory_space<vmem_shared>>
    tpu.wait_dma2 semaphore(%arg14 : memref<!tpu.dma_semaphore, #tpu.memory_space<semaphore_mem>>) src(%arg11 : memref<80x128xf32, #tpu.memory_space<vmem>>) dst(%dma_wait3A_77 : memref<80x128xf32, #tpu.memory_space<vmem_shared>>)
    %add3A_78 = arith.constant 320 : i32
    %add3A_79 = arith.addi %mul3A_2, %add3A_78 : i32
    %dma_wait3A_80 = arith.constant 0 : i32
    %dma_wait3A_81 = tpu.memref_slice %arg7[%add3A_79, %dma_wait3A_80] : memref<10240x128xf32, #tpu.memory_space<vmem_shared>> -> memref<80x128xf32, #tpu.memory_space<vmem_shared>>
    %dma_wait3A_82 = arith.constant 0 : i32
    %dma_wait3A_83 = tpu.memref_slice %arg7[%add3A_79, %dma_wait3A_82] : memref<10240x128xf32, #tpu.memory_space<vmem_shared>> -> memref<80x128xf32, #tpu.memory_space<vmem_shared>>
    tpu.wait_dma2 semaphore(%arg14 : memref<!tpu.dma_semaphore, #tpu.memory_space<semaphore_mem>>) src(%arg11 : memref<80x128xf32, #tpu.memory_space<vmem>>) dst(%dma_wait3A_83 : memref<80x128xf32, #tpu.memory_space<vmem_shared>>)
    %add3A_84 = arith.constant 400 : i32
    %add3A_85 = arith.addi %mul3A_2, %add3A_84 : i32
    %dma_wait3A_86 = arith.constant 0 : i32
    %dma_wait3A_87 = tpu.memref_slice %arg7[%add3A_85, %dma_wait3A_86] : memref<10240x128xf32, #tpu.memory_space<vmem_shared>> -> memref<80x128xf32, #tpu.memory_space<vmem_shared>>
    %dma_wait3A_88 = arith.constant 0 : i32
    %dma_wait3A_89 = tpu.memref_slice %arg7[%add3A_85, %dma_wait3A_88] : memref<10240x128xf32, #tpu.memory_space<vmem_shared>> -> memref<80x128xf32, #tpu.memory_space<vmem_shared>>
    tpu.wait_dma2 semaphore(%arg14 : memref<!tpu.dma_semaphore, #tpu.memory_space<semaphore_mem>>) src(%arg11 : memref<80x128xf32, #tpu.memory_space<vmem>>) dst(%dma_wait3A_89 : memref<80x128xf32, #tpu.memory_space<vmem_shared>>)
    %add3A_90 = arith.constant 480 : i32
    %add3A_91 = arith.addi %mul3A_2, %add3A_90 : i32
    %dma_wait3A_92 = arith.constant 0 : i32
    %dma_wait3A_93 = tpu.memref_slice %arg7[%add3A_91, %dma_wait3A_92] : memref<10240x128xf32, #tpu.memory_space<vmem_shared>> -> memref<80x128xf32, #tpu.memory_space<vmem_shared>>
    %dma_wait3A_94 = arith.constant 0 : i32
    %dma_wait3A_95 = tpu.memref_slice %arg7[%add3A_91, %dma_wait3A_94] : memref<10240x128xf32, #tpu.memory_space<vmem_shared>> -> memref<80x128xf32, #tpu.memory_space<vmem_shared>>
    tpu.wait_dma2 semaphore(%arg14 : memref<!tpu.dma_semaphore, #tpu.memory_space<semaphore_mem>>) src(%arg11 : memref<80x128xf32, #tpu.memory_space<vmem>>) dst(%dma_wait3A_95 : memref<80x128xf32, #tpu.memory_space<vmem_shared>>)
    %add3A_96 = arith.constant 560 : i32
    %add3A_97 = arith.addi %mul3A_2, %add3A_96 : i32
    %dma_wait3A_98 = arith.constant 0 : i32
    %dma_wait3A_99 = tpu.memref_slice %arg7[%add3A_97, %dma_wait3A_98] : memref<10240x128xf32, #tpu.memory_space<vmem_shared>> -> memref<80x128xf32, #tpu.memory_space<vmem_shared>>
    %dma_wait3A_100 = arith.constant 0 : i32
    %dma_wait3A_101 = tpu.memref_slice %arg7[%add3A_97, %dma_wait3A_100] : memref<10240x128xf32, #tpu.memory_space<vmem_shared>> -> memref<80x128xf32, #tpu.memory_space<vmem_shared>>
    tpu.wait_dma2 semaphore(%arg14 : memref<!tpu.dma_semaphore, #tpu.memory_space<semaphore_mem>>) src(%arg11 : memref<80x128xf32, #tpu.memory_space<vmem>>) dst(%dma_wait3A_101 : memref<80x128xf32, #tpu.memory_space<vmem_shared>>)
    %barrier3A = arith.constant 0 : index
    tpu.barrier barrier_id(%barrier3A)
    %scan3A = arith.constant 0 : i32
    %scan3A_102 = arith.constant 0 : i32
    %scan3A_103 = arith.constant 62 : i32
    %scan3A_104 = arith.addi %scan3A_102, %scan3A_103 : i32
    %scan3A_105 = arith.constant 1 : i32
    scf.for %scan3A_302 = %scan3A_102 to %scan3A_104 step %scan3A_105  : i32 {
      %mul3A_303 = arith.constant 2 : i32
      %mul3A_304 = arith.muli %mul3A_303, %scan3A_302 : i32
      %add3A_305 = arith.constant 1 : i32
      %add3A_306 = arith.addi %mul3A_304, %add3A_305 : i32
      %mul3A_307 = arith.constant 80 : i32
      %mul3A_308 = arith.muli %add3A_306, %mul3A_307 : i32
      %dma_start3A_309 = tpu.memref_slice %arg8[%mul3A_308] : memref<10000xi32, #tpu.memory_space<vmem>> -> memref<80xi32, #tpu.memory_space<vmem>>
      %dma_start3A_310 = arith.constant 0 : i32
      %dma_start3A_311 = arith.constant 0 : i32
      %dma_start3A_312 = tpu.memref_slice %arg2[%dma_start3A_310, %dma_start3A_311] : memref<10240x128xf32, #tpu.memory_space<hbm>> -> memref<10240x128xf32, #tpu.memory_space<hbm>>
      tpu.enqueue_indirect_dma source(%dma_start3A_312 : memref<10240x128xf32, #tpu.memory_space<hbm>>) target(%arg11 : memref<80x128xf32, #tpu.memory_space<vmem>>) offsets(%dma_start3A_309 : memref<80xi32, #tpu.memory_space<vmem>>) semaphore(%arg13 : memref<!tpu.dma_semaphore, #tpu.memory_space<semaphore_mem>>)
      %mul3A_313 = arith.constant 80 : i32
      %mul3A_314 = arith.muli %mul3A_304, %mul3A_313 : i32
      %dma_wait3A_315 = tpu.memref_slice %arg8[%mul3A_314] : memref<10000xi32, #tpu.memory_space<vmem>> -> memref<80xi32, #tpu.memory_space<vmem>>
      %dma_wait3A_316 = arith.constant 0 : i32
      %dma_wait3A_317 = arith.constant 0 : i32
      %dma_wait3A_318 = tpu.memref_slice %arg2[%dma_wait3A_316, %dma_wait3A_317] : memref<10240x128xf32, #tpu.memory_space<hbm>> -> memref<10240x128xf32, #tpu.memory_space<hbm>>
      tpu.wait_indirect_dma semaphore(%arg12 : memref<!tpu.dma_semaphore, #tpu.memory_space<semaphore_mem>>) src(%dma_wait3A_318 : memref<10240x128xf32, #tpu.memory_space<hbm>>) dst(%arg10 : memref<80x128xf32, #tpu.memory_space<vmem>>)
      "tpu.region"() ({
        %run_scoped3A_335 = tpu.sem_alloc : memref<!tpu.dma_semaphore, #tpu.memory_space<semaphore_mem>>
        %dma_start3A_336 = arith.constant 0 : i32
        %dma_start3A_337 = tpu.memref_slice %arg9[%mul3A_304, %dma_start3A_336] : memref<125x80xi32, #tpu.memory_space<vmem>> -> memref<1x80xi32, #tpu.memory_space<vmem>>
        %dma_start3A_338 = tpu.memref_squeeze %dma_start3A_337 : memref<1x80xi32, #tpu.memory_space<vmem>> -> memref<80xi32, #tpu.memory_space<vmem>>
        %dma_start3A_339 = arith.constant 0 : i32
        %dma_start3A_340 = arith.constant 0 : i32
        %dma_start3A_341 = tpu.memref_slice %arg7[%dma_start3A_339, %dma_start3A_340] : memref<10240x128xf32, #tpu.memory_space<vmem_shared>> -> memref<10240x128xf32, #tpu.memory_space<vmem_shared>>
        tpu.enqueue_indirect_dma source(%arg10 : memref<80x128xf32, #tpu.memory_space<vmem>>) target(%dma_start3A_341 : memref<10240x128xf32, #tpu.memory_space<vmem_shared>>) offsets(%dma_start3A_338 : memref<80xi32, #tpu.memory_space<vmem>>) semaphore(%run_scoped3A_335 : memref<!tpu.dma_semaphore, #tpu.memory_space<semaphore_mem>>) {add = true}
        %dma_wait3A_342 = arith.constant 0 : i32
        %dma_wait3A_343 = tpu.memref_slice %arg9[%mul3A_304, %dma_wait3A_342] : memref<125x80xi32, #tpu.memory_space<vmem>> -> memref<1x80xi32, #tpu.memory_space<vmem>>
        %dma_wait3A_344 = tpu.memref_squeeze %dma_wait3A_343 : memref<1x80xi32, #tpu.memory_space<vmem>> -> memref<80xi32, #tpu.memory_space<vmem>>
        %dma_wait3A_345 = arith.constant 0 : i32
        %dma_wait3A_346 = arith.constant 0 : i32
        %dma_wait3A_347 = tpu.memref_slice %arg7[%dma_wait3A_345, %dma_wait3A_346] : memref<10240x128xf32, #tpu.memory_space<vmem_shared>> -> memref<10240x128xf32, #tpu.memory_space<vmem_shared>>
        tpu.wait_indirect_dma semaphore(%run_scoped3A_335 : memref<!tpu.dma_semaphore, #tpu.memory_space<semaphore_mem>>) src(%arg10 : memref<80x128xf32, #tpu.memory_space<vmem>>) dst(%dma_wait3A_347 : memref<10240x128xf32, #tpu.memory_space<vmem_shared>>)
        tpu.yield
      }) : () -> ()
      %add3A_319 = arith.constant 1 : i32
      %add3A_320 = arith.addi %mul3A_304, %add3A_319 : i32
      %add3A_321 = arith.constant 1 : i32
      %add3A_322 = arith.addi %add3A_320, %add3A_321 : i32
      %mul3A_323 = arith.constant 80 : i32
      %mul3A_324 = arith.muli %add3A_322, %mul3A_323 : i32
      %dma_start3A_325 = tpu.memref_slice %arg8[%mul3A_324] : memref<10000xi32, #tpu.memory_space<vmem>> -> memref<80xi32, #tpu.memory_space<vmem>>
      %dma_start3A_326 = arith.constant 0 : i32
      %dma_start3A_327 = arith.constant 0 : i32
      %dma_start3A_328 = tpu.memref_slice %arg2[%dma_start3A_326, %dma_start3A_327] : memref<10240x128xf32, #tpu.memory_space<hbm>> -> memref<10240x128xf32, #tpu.memory_space<hbm>>
      tpu.enqueue_indirect_dma source(%dma_start3A_328 : memref<10240x128xf32, #tpu.memory_space<hbm>>) target(%arg10 : memref<80x128xf32, #tpu.memory_space<vmem>>) offsets(%dma_start3A_325 : memref<80xi32, #tpu.memory_space<vmem>>) semaphore(%arg12 : memref<!tpu.dma_semaphore, #tpu.memory_space<semaphore_mem>>)
      %mul3A_329 = arith.constant 80 : i32
      %mul3A_330 = arith.muli %add3A_320, %mul3A_329 : i32
      %dma_wait3A_331 = tpu.memref_slice %arg8[%mul3A_330] : memref<10000xi32, #tpu.memory_space<vmem>> -> memref<80xi32, #tpu.memory_space<vmem>>
      %dma_wait3A_332 = arith.constant 0 : i32
      %dma_wait3A_333 = arith.constant 0 : i32
      %dma_wait3A_334 = tpu.memref_slice %arg2[%dma_wait3A_332, %dma_wait3A_333] : memref<10240x128xf32, #tpu.memory_space<hbm>> -> memref<10240x128xf32, #tpu.memory_space<hbm>>
      tpu.wait_indirect_dma semaphore(%arg13 : memref<!tpu.dma_semaphore, #tpu.memory_space<semaphore_mem>>) src(%dma_wait3A_334 : memref<10240x128xf32, #tpu.memory_space<hbm>>) dst(%arg11 : memref<80x128xf32, #tpu.memory_space<vmem>>)
      "tpu.region"() ({
        %run_scoped3A_335 = tpu.sem_alloc : memref<!tpu.dma_semaphore, #tpu.memory_space<semaphore_mem>>
        %dma_start3A_336 = arith.constant 0 : i32
        %dma_start3A_337 = tpu.memref_slice %arg9[%add3A_320, %dma_start3A_336] : memref<125x80xi32, #tpu.memory_space<vmem>> -> memref<1x80xi32, #tpu.memory_space<vmem>>
        %dma_start3A_338 = tpu.memref_squeeze %dma_start3A_337 : memref<1x80xi32, #tpu.memory_space<vmem>> -> memref<80xi32, #tpu.memory_space<vmem>>
        %dma_start3A_339 = arith.constant 0 : i32
        %dma_start3A_340 = arith.constant 0 : i32
        %dma_start3A_341 = tpu.memref_slice %arg7[%dma_start3A_339, %dma_start3A_340] : memref<10240x128xf32, #tpu.memory_space<vmem_shared>> -> memref<10240x128xf32, #tpu.memory_space<vmem_shared>>
        tpu.enqueue_indirect_dma source(%arg11 : memref<80x128xf32, #tpu.memory_space<vmem>>) target(%dma_start3A_341 : memref<10240x128xf32, #tpu.memory_space<vmem_shared>>) offsets(%dma_start3A_338 : memref<80xi32, #tpu.memory_space<vmem>>) semaphore(%run_scoped3A_335 : memref<!tpu.dma_semaphore, #tpu.memory_space<semaphore_mem>>) {add = true}
        %dma_wait3A_342 = arith.constant 0 : i32
        %dma_wait3A_343 = tpu.memref_slice %arg9[%add3A_320, %dma_wait3A_342] : memref<125x80xi32, #tpu.memory_space<vmem>> -> memref<1x80xi32, #tpu.memory_space<vmem>>
        %dma_wait3A_344 = tpu.memref_squeeze %dma_wait3A_343 : memref<1x80xi32, #tpu.memory_space<vmem>> -> memref<80xi32, #tpu.memory_space<vmem>>
        %dma_wait3A_345 = arith.constant 0 : i32
        %dma_wait3A_346 = arith.constant 0 : i32
        %dma_wait3A_347 = tpu.memref_slice %arg7[%dma_wait3A_345, %dma_wait3A_346] : memref<10240x128xf32, #tpu.memory_space<vmem_shared>> -> memref<10240x128xf32, #tpu.memory_space<vmem_shared>>
        tpu.wait_indirect_dma semaphore(%run_scoped3A_335 : memref<!tpu.dma_semaphore, #tpu.memory_space<semaphore_mem>>) src(%arg11 : memref<80x128xf32, #tpu.memory_space<vmem>>) dst(%dma_wait3A_347 : memref<10240x128xf32, #tpu.memory_space<vmem_shared>>)
        tpu.yield
      }) : () -> ()
    }
    %scan3A_106 = arith.constant 62 : i32
    %dma_wait3A_107 = arith.constant 9920 : i32
    %dma_wait3A_108 = tpu.memref_slice %arg8[%dma_wait3A_107] : memref<10000xi32, #tpu.memory_space<vmem>> -> memref<80xi32, #tpu.memory_space<vmem>>
    %dma_wait3A_109 = arith.constant 0 : i32
    %dma_wait3A_110 = arith.constant 0 : i32
    %dma_wait3A_111 = tpu.memref_slice %arg2[%dma_wait3A_109, %dma_wait3A_110] : memref<10240x128xf32, #tpu.memory_space<hbm>> -> memref<10240x128xf32, #tpu.memory_space<hbm>>
    tpu.wait_indirect_dma semaphore(%arg12 : memref<!tpu.dma_semaphore, #tpu.memory_space<semaphore_mem>>) src(%dma_wait3A_111 : memref<10240x128xf32, #tpu.memory_space<hbm>>) dst(%arg10 : memref<80x128xf32, #tpu.memory_space<vmem>>)
    %run_scoped3A = arith.constant 124 : i32
    "tpu.region"() ({
      %run_scoped3A_302 = tpu.sem_alloc : memref<!tpu.dma_semaphore, #tpu.memory_space<semaphore_mem>>
      %dma_start3A_303 = arith.constant 0 : i32
      %dma_start3A_304 = tpu.memref_slice %arg9[%run_scoped3A, %dma_start3A_303] : memref<125x80xi32, #tpu.memory_space<vmem>> -> memref<1x80xi32, #tpu.memory_space<vmem>>
      %dma_start3A_305 = tpu.memref_squeeze %dma_start3A_304 : memref<1x80xi32, #tpu.memory_space<vmem>> -> memref<80xi32, #tpu.memory_space<vmem>>
      %dma_start3A_306 = arith.constant 0 : i32
      %dma_start3A_307 = arith.constant 0 : i32
      %dma_start3A_308 = tpu.memref_slice %arg7[%dma_start3A_306, %dma_start3A_307] : memref<10240x128xf32, #tpu.memory_space<vmem_shared>> -> memref<10240x128xf32, #tpu.memory_space<vmem_shared>>
      tpu.enqueue_indirect_dma source(%arg10 : memref<80x128xf32, #tpu.memory_space<vmem>>) target(%dma_start3A_308 : memref<10240x128xf32, #tpu.memory_space<vmem_shared>>) offsets(%dma_start3A_305 : memref<80xi32, #tpu.memory_space<vmem>>) semaphore(%run_scoped3A_302 : memref<!tpu.dma_semaphore, #tpu.memory_space<semaphore_mem>>) {add = true}
      %dma_wait3A_309 = arith.constant 0 : i32
      %dma_wait3A_310 = tpu.memref_slice %arg9[%run_scoped3A, %dma_wait3A_309] : memref<125x80xi32, #tpu.memory_space<vmem>> -> memref<1x80xi32, #tpu.memory_space<vmem>>
      %dma_wait3A_311 = tpu.memref_squeeze %dma_wait3A_310 : memref<1x80xi32, #tpu.memory_space<vmem>> -> memref<80xi32, #tpu.memory_space<vmem>>
      %dma_wait3A_312 = arith.constant 0 : i32
      %dma_wait3A_313 = arith.constant 0 : i32
      %dma_wait3A_314 = tpu.memref_slice %arg7[%dma_wait3A_312, %dma_wait3A_313] : memref<10240x128xf32, #tpu.memory_space<vmem_shared>> -> memref<10240x128xf32, #tpu.memory_space<vmem_shared>>
      tpu.wait_indirect_dma semaphore(%run_scoped3A_302 : memref<!tpu.dma_semaphore, #tpu.memory_space<semaphore_mem>>) src(%arg10 : memref<80x128xf32, #tpu.memory_space<vmem>>) dst(%dma_wait3A_314 : memref<10240x128xf32, #tpu.memory_space<vmem_shared>>)
      tpu.yield
    }) : () -> ()
    %barrier3A_112 = arith.constant 0 : index
    tpu.barrier barrier_id(%barrier3A_112)
    %mul3A_113 = arith.constant 10240 : i32
    %mul3A_114 = arith.muli %arg0, %mul3A_113 : i32
    %add3A_115 = arith.addi %mul3A_114, %mul3A_2 : i32
    %add3A_116 = arith.constant 0 : i32
    %add3A_117 = arith.addi %mul3A_2, %add3A_116 : i32
    %dma_start3A_118 = arith.constant 0 : i32
    %dma_start3A_119 = tpu.memref_slice %arg7[%add3A_117, %dma_start3A_118] : memref<10240x128xf32, #tpu.memory_space<vmem_shared>> -> memref<80x128xf32, #tpu.memory_space<vmem_shared>>
    %dma_start3A_120 = arith.constant 0 : i32
    %dma_start3A_121 = tpu.memref_slice %arg7[%add3A_117, %dma_start3A_120] : memref<10240x128xf32, #tpu.memory_space<vmem_shared>> -> memref<80x128xf32, #tpu.memory_space<vmem_shared>>
    tpu.enqueue_dma source(%dma_start3A_121 : memref<80x128xf32, #tpu.memory_space<vmem_shared>>) target(%arg10 : memref<80x128xf32, #tpu.memory_space<vmem>>) target_semaphore(%arg12 : memref<!tpu.dma_semaphore, #tpu.memory_space<semaphore_mem>>)
    %add3A_122 = arith.constant 0 : i32
    %add3A_123 = arith.addi %mul3A_2, %add3A_122 : i32
    %dma_wait3A_124 = arith.constant 0 : i32
    %dma_wait3A_125 = tpu.memref_slice %arg7[%add3A_123, %dma_wait3A_124] : memref<10240x128xf32, #tpu.memory_space<vmem_shared>> -> memref<80x128xf32, #tpu.memory_space<vmem_shared>>
    %dma_wait3A_126 = arith.constant 0 : i32
    %dma_wait3A_127 = tpu.memref_slice %arg7[%add3A_123, %dma_wait3A_126] : memref<10240x128xf32, #tpu.memory_space<vmem_shared>> -> memref<80x128xf32, #tpu.memory_space<vmem_shared>>
    tpu.wait_dma2 semaphore(%arg12 : memref<!tpu.dma_semaphore, #tpu.memory_space<semaphore_mem>>) src(%dma_wait3A_127 : memref<80x128xf32, #tpu.memory_space<vmem_shared>>) dst(%arg10 : memref<80x128xf32, #tpu.memory_space<vmem>>)
    %add3A_128 = arith.constant 0 : i32
    %add3A_129 = arith.addi %add3A_115, %add3A_128 : i32
    %dma_start3A_130 = arith.constant 0 : i32
    %dma_start3A_131 = tpu.memref_slice %arg6[%add3A_129, %dma_start3A_130] : memref<20480x128xf32, #tpu.memory_space<hbm>> -> memref<80x128xf32, #tpu.memory_space<hbm>>
    %dma_start3A_132 = arith.constant 0 : i32
    %dma_start3A_133 = tpu.memref_slice %arg6[%add3A_129, %dma_start3A_132] : memref<20480x128xf32, #tpu.memory_space<hbm>> -> memref<80x128xf32, #tpu.memory_space<hbm>>
    tpu.enqueue_dma source(%arg10 : memref<80x128xf32, #tpu.memory_space<vmem>>) target(%dma_start3A_133 : memref<80x128xf32, #tpu.memory_space<hbm>>) target_semaphore(%arg14 : memref<!tpu.dma_semaphore, #tpu.memory_space<semaphore_mem>>)
    %add3A_134 = arith.constant 80 : i32
    %add3A_135 = arith.addi %mul3A_2, %add3A_134 : i32
    %dma_start3A_136 = arith.constant 0 : i32
    %dma_start3A_137 = tpu.memref_slice %arg7[%add3A_135, %dma_start3A_136] : memref<10240x128xf32, #tpu.memory_space<vmem_shared>> -> memref<80x128xf32, #tpu.memory_space<vmem_shared>>
    %dma_start3A_138 = arith.constant 0 : i32
    %dma_start3A_139 = tpu.memref_slice %arg7[%add3A_135, %dma_start3A_138] : memref<10240x128xf32, #tpu.memory_space<vmem_shared>> -> memref<80x128xf32, #tpu.memory_space<vmem_shared>>
    tpu.enqueue_dma source(%dma_start3A_139 : memref<80x128xf32, #tpu.memory_space<vmem_shared>>) target(%arg11 : memref<80x128xf32, #tpu.memory_space<vmem>>) target_semaphore(%arg13 : memref<!tpu.dma_semaphore, #tpu.memory_space<semaphore_mem>>)
    %add3A_140 = arith.constant 80 : i32
    %add3A_141 = arith.addi %mul3A_2, %add3A_140 : i32
    %dma_wait3A_142 = arith.constant 0 : i32
    %dma_wait3A_143 = tpu.memref_slice %arg7[%add3A_141, %dma_wait3A_142] : memref<10240x128xf32, #tpu.memory_space<vmem_shared>> -> memref<80x128xf32, #tpu.memory_space<vmem_shared>>
    %dma_wait3A_144 = arith.constant 0 : i32
    %dma_wait3A_145 = tpu.memref_slice %arg7[%add3A_141, %dma_wait3A_144] : memref<10240x128xf32, #tpu.memory_space<vmem_shared>> -> memref<80x128xf32, #tpu.memory_space<vmem_shared>>
    tpu.wait_dma2 semaphore(%arg13 : memref<!tpu.dma_semaphore, #tpu.memory_space<semaphore_mem>>) src(%dma_wait3A_145 : memref<80x128xf32, #tpu.memory_space<vmem_shared>>) dst(%arg11 : memref<80x128xf32, #tpu.memory_space<vmem>>)
    %add3A_146 = arith.constant 80 : i32
    %add3A_147 = arith.addi %add3A_115, %add3A_146 : i32
    %dma_start3A_148 = arith.constant 0 : i32
    %dma_start3A_149 = tpu.memref_slice %arg6[%add3A_147, %dma_start3A_148] : memref<20480x128xf32, #tpu.memory_space<hbm>> -> memref<80x128xf32, #tpu.memory_space<hbm>>
    %dma_start3A_150 = arith.constant 0 : i32
    %dma_start3A_151 = tpu.memref_slice %arg6[%add3A_147, %dma_start3A_150] : memref<20480x128xf32, #tpu.memory_space<hbm>> -> memref<80x128xf32, #tpu.memory_space<hbm>>
    tpu.enqueue_dma source(%arg11 : memref<80x128xf32, #tpu.memory_space<vmem>>) target(%dma_start3A_151 : memref<80x128xf32, #tpu.memory_space<hbm>>) target_semaphore(%arg15 : memref<!tpu.dma_semaphore, #tpu.memory_space<semaphore_mem>>)
    %add3A_152 = arith.constant 0 : i32
    %add3A_153 = arith.addi %add3A_115, %add3A_152 : i32
    %dma_wait3A_154 = arith.constant 0 : i32
    %dma_wait3A_155 = tpu.memref_slice %arg6[%add3A_153, %dma_wait3A_154] : memref<20480x128xf32, #tpu.memory_space<hbm>> -> memref<80x128xf32, #tpu.memory_space<hbm>>
    %dma_wait3A_156 = arith.constant 0 : i32
    %dma_wait3A_157 = tpu.memref_slice %arg6[%add3A_153, %dma_wait3A_156] : memref<20480x128xf32, #tpu.memory_space<hbm>> -> memref<80x128xf32, #tpu.memory_space<hbm>>
    tpu.wait_dma2 semaphore(%arg14 : memref<!tpu.dma_semaphore, #tpu.memory_space<semaphore_mem>>) src(%arg10 : memref<80x128xf32, #tpu.memory_space<vmem>>) dst(%dma_wait3A_157 : memref<80x128xf32, #tpu.memory_space<hbm>>)
    %add3A_158 = arith.constant 160 : i32
    %add3A_159 = arith.addi %mul3A_2, %add3A_158 : i32
    %dma_start3A_160 = arith.constant 0 : i32
    %dma_start3A_161 = tpu.memref_slice %arg7[%add3A_159, %dma_start3A_160] : memref<10240x128xf32, #tpu.memory_space<vmem_shared>> -> memref<80x128xf32, #tpu.memory_space<vmem_shared>>
    %dma_start3A_162 = arith.constant 0 : i32
    %dma_start3A_163 = tpu.memref_slice %arg7[%add3A_159, %dma_start3A_162] : memref<10240x128xf32, #tpu.memory_space<vmem_shared>> -> memref<80x128xf32, #tpu.memory_space<vmem_shared>>
    tpu.enqueue_dma source(%dma_start3A_163 : memref<80x128xf32, #tpu.memory_space<vmem_shared>>) target(%arg10 : memref<80x128xf32, #tpu.memory_space<vmem>>) target_semaphore(%arg12 : memref<!tpu.dma_semaphore, #tpu.memory_space<semaphore_mem>>)
    %add3A_164 = arith.constant 160 : i32
    %add3A_165 = arith.addi %mul3A_2, %add3A_164 : i32
    %dma_wait3A_166 = arith.constant 0 : i32
    %dma_wait3A_167 = tpu.memref_slice %arg7[%add3A_165, %dma_wait3A_166] : memref<10240x128xf32, #tpu.memory_space<vmem_shared>> -> memref<80x128xf32, #tpu.memory_space<vmem_shared>>
    %dma_wait3A_168 = arith.constant 0 : i32
    %dma_wait3A_169 = tpu.memref_slice %arg7[%add3A_165, %dma_wait3A_168] : memref<10240x128xf32, #tpu.memory_space<vmem_shared>> -> memref<80x128xf32, #tpu.memory_space<vmem_shared>>
    tpu.wait_dma2 semaphore(%arg12 : memref<!tpu.dma_semaphore, #tpu.memory_space<semaphore_mem>>) src(%dma_wait3A_169 : memref<80x128xf32, #tpu.memory_space<vmem_shared>>) dst(%arg10 : memref<80x128xf32, #tpu.memory_space<vmem>>)
    %add3A_170 = arith.constant 160 : i32
    %add3A_171 = arith.addi %add3A_115, %add3A_170 : i32
    %dma_start3A_172 = arith.constant 0 : i32
    %dma_start3A_173 = tpu.memref_slice %arg6[%add3A_171, %dma_start3A_172] : memref<20480x128xf32, #tpu.memory_space<hbm>> -> memref<80x128xf32, #tpu.memory_space<hbm>>
    %dma_start3A_174 = arith.constant 0 : i32
    %dma_start3A_175 = tpu.memref_slice %arg6[%add3A_171, %dma_start3A_174] : memref<20480x128xf32, #tpu.memory_space<hbm>> -> memref<80x128xf32, #tpu.memory_space<hbm>>
    tpu.enqueue_dma source(%arg10 : memref<80x128xf32, #tpu.memory_space<vmem>>) target(%dma_start3A_175 : memref<80x128xf32, #tpu.memory_space<hbm>>) target_semaphore(%arg14 : memref<!tpu.dma_semaphore, #tpu.memory_space<semaphore_mem>>)
    %add3A_176 = arith.constant 80 : i32
    %add3A_177 = arith.addi %add3A_115, %add3A_176 : i32
    %dma_wait3A_178 = arith.constant 0 : i32
    %dma_wait3A_179 = tpu.memref_slice %arg6[%add3A_177, %dma_wait3A_178] : memref<20480x128xf32, #tpu.memory_space<hbm>> -> memref<80x128xf32, #tpu.memory_space<hbm>>
    %dma_wait3A_180 = arith.constant 0 : i32
    %dma_wait3A_181 = tpu.memref_slice %arg6[%add3A_177, %dma_wait3A_180] : memref<20480x128xf32, #tpu.memory_space<hbm>> -> memref<80x128xf32, #tpu.memory_space<hbm>>
    tpu.wait_dma2 semaphore(%arg15 : memref<!tpu.dma_semaphore, #tpu.memory_space<semaphore_mem>>) src(%arg11 : memref<80x128xf32, #tpu.memory_space<vmem>>) dst(%dma_wait3A_181 : memref<80x128xf32, #tpu.memory_space<hbm>>)
    %add3A_182 = arith.constant 240 : i32
    %add3A_183 = arith.addi %mul3A_2, %add3A_182 : i32
    %dma_start3A_184 = arith.constant 0 : i32
    %dma_start3A_185 = tpu.memref_slice %arg7[%add3A_183, %dma_start3A_184] : memref<10240x128xf32, #tpu.memory_space<vmem_shared>> -> memref<80x128xf32, #tpu.memory_space<vmem_shared>>
    %dma_start3A_186 = arith.constant 0 : i32
    %dma_start3A_187 = tpu.memref_slice %arg7[%add3A_183, %dma_start3A_186] : memref<10240x128xf32, #tpu.memory_space<vmem_shared>> -> memref<80x128xf32, #tpu.memory_space<vmem_shared>>
    tpu.enqueue_dma source(%dma_start3A_187 : memref<80x128xf32, #tpu.memory_space<vmem_shared>>) target(%arg11 : memref<80x128xf32, #tpu.memory_space<vmem>>) target_semaphore(%arg13 : memref<!tpu.dma_semaphore, #tpu.memory_space<semaphore_mem>>)
    %add3A_188 = arith.constant 240 : i32
    %add3A_189 = arith.addi %mul3A_2, %add3A_188 : i32
    %dma_wait3A_190 = arith.constant 0 : i32
    %dma_wait3A_191 = tpu.memref_slice %arg7[%add3A_189, %dma_wait3A_190] : memref<10240x128xf32, #tpu.memory_space<vmem_shared>> -> memref<80x128xf32, #tpu.memory_space<vmem_shared>>
    %dma_wait3A_192 = arith.constant 0 : i32
    %dma_wait3A_193 = tpu.memref_slice %arg7[%add3A_189, %dma_wait3A_192] : memref<10240x128xf32, #tpu.memory_space<vmem_shared>> -> memref<80x128xf32, #tpu.memory_space<vmem_shared>>
    tpu.wait_dma2 semaphore(%arg13 : memref<!tpu.dma_semaphore, #tpu.memory_space<semaphore_mem>>) src(%dma_wait3A_193 : memref<80x128xf32, #tpu.memory_space<vmem_shared>>) dst(%arg11 : memref<80x128xf32, #tpu.memory_space<vmem>>)
    %add3A_194 = arith.constant 240 : i32
    %add3A_195 = arith.addi %add3A_115, %add3A_194 : i32
    %dma_start3A_196 = arith.constant 0 : i32
    %dma_start3A_197 = tpu.memref_slice %arg6[%add3A_195, %dma_start3A_196] : memref<20480x128xf32, #tpu.memory_space<hbm>> -> memref<80x128xf32, #tpu.memory_space<hbm>>
    %dma_start3A_198 = arith.constant 0 : i32
    %dma_start3A_199 = tpu.memref_slice %arg6[%add3A_195, %dma_start3A_198] : memref<20480x128xf32, #tpu.memory_space<hbm>> -> memref<80x128xf32, #tpu.memory_space<hbm>>
    tpu.enqueue_dma source(%arg11 : memref<80x128xf32, #tpu.memory_space<vmem>>) target(%dma_start3A_199 : memref<80x128xf32, #tpu.memory_space<hbm>>) target_semaphore(%arg15 : memref<!tpu.dma_semaphore, #tpu.memory_space<semaphore_mem>>)
    %add3A_200 = arith.constant 160 : i32
    %add3A_201 = arith.addi %add3A_115, %add3A_200 : i32
    %dma_wait3A_202 = arith.constant 0 : i32
    %dma_wait3A_203 = tpu.memref_slice %arg6[%add3A_201, %dma_wait3A_202] : memref<20480x128xf32, #tpu.memory_space<hbm>> -> memref<80x128xf32, #tpu.memory_space<hbm>>
    %dma_wait3A_204 = arith.constant 0 : i32
    %dma_wait3A_205 = tpu.memref_slice %arg6[%add3A_201, %dma_wait3A_204] : memref<20480x128xf32, #tpu.memory_space<hbm>> -> memref<80x128xf32, #tpu.memory_space<hbm>>
    tpu.wait_dma2 semaphore(%arg14 : memref<!tpu.dma_semaphore, #tpu.memory_space<semaphore_mem>>) src(%arg10 : memref<80x128xf32, #tpu.memory_space<vmem>>) dst(%dma_wait3A_205 : memref<80x128xf32, #tpu.memory_space<hbm>>)
    %add3A_206 = arith.constant 320 : i32
    %add3A_207 = arith.addi %mul3A_2, %add3A_206 : i32
    %dma_start3A_208 = arith.constant 0 : i32
    %dma_start3A_209 = tpu.memref_slice %arg7[%add3A_207, %dma_start3A_208] : memref<10240x128xf32, #tpu.memory_space<vmem_shared>> -> memref<80x128xf32, #tpu.memory_space<vmem_shared>>
    %dma_start3A_210 = arith.constant 0 : i32
    %dma_start3A_211 = tpu.memref_slice %arg7[%add3A_207, %dma_start3A_210] : memref<10240x128xf32, #tpu.memory_space<vmem_shared>> -> memref<80x128xf32, #tpu.memory_space<vmem_shared>>
    tpu.enqueue_dma source(%dma_start3A_211 : memref<80x128xf32, #tpu.memory_space<vmem_shared>>) target(%arg10 : memref<80x128xf32, #tpu.memory_space<vmem>>) target_semaphore(%arg12 : memref<!tpu.dma_semaphore, #tpu.memory_space<semaphore_mem>>)
    %add3A_212 = arith.constant 320 : i32
    %add3A_213 = arith.addi %mul3A_2, %add3A_212 : i32
    %dma_wait3A_214 = arith.constant 0 : i32
    %dma_wait3A_215 = tpu.memref_slice %arg7[%add3A_213, %dma_wait3A_214] : memref<10240x128xf32, #tpu.memory_space<vmem_shared>> -> memref<80x128xf32, #tpu.memory_space<vmem_shared>>
    %dma_wait3A_216 = arith.constant 0 : i32
    %dma_wait3A_217 = tpu.memref_slice %arg7[%add3A_213, %dma_wait3A_216] : memref<10240x128xf32, #tpu.memory_space<vmem_shared>> -> memref<80x128xf32, #tpu.memory_space<vmem_shared>>
    tpu.wait_dma2 semaphore(%arg12 : memref<!tpu.dma_semaphore, #tpu.memory_space<semaphore_mem>>) src(%dma_wait3A_217 : memref<80x128xf32, #tpu.memory_space<vmem_shared>>) dst(%arg10 : memref<80x128xf32, #tpu.memory_space<vmem>>)
    %add3A_218 = arith.constant 320 : i32
    %add3A_219 = arith.addi %add3A_115, %add3A_218 : i32
    %dma_start3A_220 = arith.constant 0 : i32
    %dma_start3A_221 = tpu.memref_slice %arg6[%add3A_219, %dma_start3A_220] : memref<20480x128xf32, #tpu.memory_space<hbm>> -> memref<80x128xf32, #tpu.memory_space<hbm>>
    %dma_start3A_222 = arith.constant 0 : i32
    %dma_start3A_223 = tpu.memref_slice %arg6[%add3A_219, %dma_start3A_222] : memref<20480x128xf32, #tpu.memory_space<hbm>> -> memref<80x128xf32, #tpu.memory_space<hbm>>
    tpu.enqueue_dma source(%arg10 : memref<80x128xf32, #tpu.memory_space<vmem>>) target(%dma_start3A_223 : memref<80x128xf32, #tpu.memory_space<hbm>>) target_semaphore(%arg14 : memref<!tpu.dma_semaphore, #tpu.memory_space<semaphore_mem>>)
    %add3A_224 = arith.constant 240 : i32
    %add3A_225 = arith.addi %add3A_115, %add3A_224 : i32
    %dma_wait3A_226 = arith.constant 0 : i32
    %dma_wait3A_227 = tpu.memref_slice %arg6[%add3A_225, %dma_wait3A_226] : memref<20480x128xf32, #tpu.memory_space<hbm>> -> memref<80x128xf32, #tpu.memory_space<hbm>>
    %dma_wait3A_228 = arith.constant 0 : i32
    %dma_wait3A_229 = tpu.memref_slice %arg6[%add3A_225, %dma_wait3A_228] : memref<20480x128xf32, #tpu.memory_space<hbm>> -> memref<80x128xf32, #tpu.memory_space<hbm>>
    tpu.wait_dma2 semaphore(%arg15 : memref<!tpu.dma_semaphore, #tpu.memory_space<semaphore_mem>>) src(%arg11 : memref<80x128xf32, #tpu.memory_space<vmem>>) dst(%dma_wait3A_229 : memref<80x128xf32, #tpu.memory_space<hbm>>)
    %add3A_230 = arith.constant 400 : i32
    %add3A_231 = arith.addi %mul3A_2, %add3A_230 : i32
    %dma_start3A_232 = arith.constant 0 : i32
    %dma_start3A_233 = tpu.memref_slice %arg7[%add3A_231, %dma_start3A_232] : memref<10240x128xf32, #tpu.memory_space<vmem_shared>> -> memref<80x128xf32, #tpu.memory_space<vmem_shared>>
    %dma_start3A_234 = arith.constant 0 : i32
    %dma_start3A_235 = tpu.memref_slice %arg7[%add3A_231, %dma_start3A_234] : memref<10240x128xf32, #tpu.memory_space<vmem_shared>> -> memref<80x128xf32, #tpu.memory_space<vmem_shared>>
    tpu.enqueue_dma source(%dma_start3A_235 : memref<80x128xf32, #tpu.memory_space<vmem_shared>>) target(%arg11 : memref<80x128xf32, #tpu.memory_space<vmem>>) target_semaphore(%arg13 : memref<!tpu.dma_semaphore, #tpu.memory_space<semaphore_mem>>)
    %add3A_236 = arith.constant 400 : i32
    %add3A_237 = arith.addi %mul3A_2, %add3A_236 : i32
    %dma_wait3A_238 = arith.constant 0 : i32
    %dma_wait3A_239 = tpu.memref_slice %arg7[%add3A_237, %dma_wait3A_238] : memref<10240x128xf32, #tpu.memory_space<vmem_shared>> -> memref<80x128xf32, #tpu.memory_space<vmem_shared>>
    %dma_wait3A_240 = arith.constant 0 : i32
    %dma_wait3A_241 = tpu.memref_slice %arg7[%add3A_237, %dma_wait3A_240] : memref<10240x128xf32, #tpu.memory_space<vmem_shared>> -> memref<80x128xf32, #tpu.memory_space<vmem_shared>>
    tpu.wait_dma2 semaphore(%arg13 : memref<!tpu.dma_semaphore, #tpu.memory_space<semaphore_mem>>) src(%dma_wait3A_241 : memref<80x128xf32, #tpu.memory_space<vmem_shared>>) dst(%arg11 : memref<80x128xf32, #tpu.memory_space<vmem>>)
    %add3A_242 = arith.constant 400 : i32
    %add3A_243 = arith.addi %add3A_115, %add3A_242 : i32
    %dma_start3A_244 = arith.constant 0 : i32
    %dma_start3A_245 = tpu.memref_slice %arg6[%add3A_243, %dma_start3A_244] : memref<20480x128xf32, #tpu.memory_space<hbm>> -> memref<80x128xf32, #tpu.memory_space<hbm>>
    %dma_start3A_246 = arith.constant 0 : i32
    %dma_start3A_247 = tpu.memref_slice %arg6[%add3A_243, %dma_start3A_246] : memref<20480x128xf32, #tpu.memory_space<hbm>> -> memref<80x128xf32, #tpu.memory_space<hbm>>
    tpu.enqueue_dma source(%arg11 : memref<80x128xf32, #tpu.memory_space<vmem>>) target(%dma_start3A_247 : memref<80x128xf32, #tpu.memory_space<hbm>>) target_semaphore(%arg15 : memref<!tpu.dma_semaphore, #tpu.memory_space<semaphore_mem>>)
    %add3A_248 = arith.constant 320 : i32
    %add3A_249 = arith.addi %add3A_115, %add3A_248 : i32
    %dma_wait3A_250 = arith.constant 0 : i32
    %dma_wait3A_251 = tpu.memref_slice %arg6[%add3A_249, %dma_wait3A_250] : memref<20480x128xf32, #tpu.memory_space<hbm>> -> memref<80x128xf32, #tpu.memory_space<hbm>>
    %dma_wait3A_252 = arith.constant 0 : i32
    %dma_wait3A_253 = tpu.memref_slice %arg6[%add3A_249, %dma_wait3A_252] : memref<20480x128xf32, #tpu.memory_space<hbm>> -> memref<80x128xf32, #tpu.memory_space<hbm>>
    tpu.wait_dma2 semaphore(%arg14 : memref<!tpu.dma_semaphore, #tpu.memory_space<semaphore_mem>>) src(%arg10 : memref<80x128xf32, #tpu.memory_space<vmem>>) dst(%dma_wait3A_253 : memref<80x128xf32, #tpu.memory_space<hbm>>)
    %add3A_254 = arith.constant 480 : i32
    %add3A_255 = arith.addi %mul3A_2, %add3A_254 : i32
    %dma_start3A_256 = arith.constant 0 : i32
    %dma_start3A_257 = tpu.memref_slice %arg7[%add3A_255, %dma_start3A_256] : memref<10240x128xf32, #tpu.memory_space<vmem_shared>> -> memref<80x128xf32, #tpu.memory_space<vmem_shared>>
    %dma_start3A_258 = arith.constant 0 : i32
    %dma_start3A_259 = tpu.memref_slice %arg7[%add3A_255, %dma_start3A_258] : memref<10240x128xf32, #tpu.memory_space<vmem_shared>> -> memref<80x128xf32, #tpu.memory_space<vmem_shared>>
    tpu.enqueue_dma source(%dma_start3A_259 : memref<80x128xf32, #tpu.memory_space<vmem_shared>>) target(%arg10 : memref<80x128xf32, #tpu.memory_space<vmem>>) target_semaphore(%arg12 : memref<!tpu.dma_semaphore, #tpu.memory_space<semaphore_mem>>)
    %add3A_260 = arith.constant 480 : i32
    %add3A_261 = arith.addi %mul3A_2, %add3A_260 : i32
    %dma_wait3A_262 = arith.constant 0 : i32
    %dma_wait3A_263 = tpu.memref_slice %arg7[%add3A_261, %dma_wait3A_262] : memref<10240x128xf32, #tpu.memory_space<vmem_shared>> -> memref<80x128xf32, #tpu.memory_space<vmem_shared>>
    %dma_wait3A_264 = arith.constant 0 : i32
    %dma_wait3A_265 = tpu.memref_slice %arg7[%add3A_261, %dma_wait3A_264] : memref<10240x128xf32, #tpu.memory_space<vmem_shared>> -> memref<80x128xf32, #tpu.memory_space<vmem_shared>>
    tpu.wait_dma2 semaphore(%arg12 : memref<!tpu.dma_semaphore, #tpu.memory_space<semaphore_mem>>) src(%dma_wait3A_265 : memref<80x128xf32, #tpu.memory_space<vmem_shared>>) dst(%arg10 : memref<80x128xf32, #tpu.memory_space<vmem>>)
    %add3A_266 = arith.constant 480 : i32
    %add3A_267 = arith.addi %add3A_115, %add3A_266 : i32
    %dma_start3A_268 = arith.constant 0 : i32
    %dma_start3A_269 = tpu.memref_slice %arg6[%add3A_267, %dma_start3A_268] : memref<20480x128xf32, #tpu.memory_space<hbm>> -> memref<80x128xf32, #tpu.memory_space<hbm>>
    %dma_start3A_270 = arith.constant 0 : i32
    %dma_start3A_271 = tpu.memref_slice %arg6[%add3A_267, %dma_start3A_270] : memref<20480x128xf32, #tpu.memory_space<hbm>> -> memref<80x128xf32, #tpu.memory_space<hbm>>
    tpu.enqueue_dma source(%arg10 : memref<80x128xf32, #tpu.memory_space<vmem>>) target(%dma_start3A_271 : memref<80x128xf32, #tpu.memory_space<hbm>>) target_semaphore(%arg14 : memref<!tpu.dma_semaphore, #tpu.memory_space<semaphore_mem>>)
    %add3A_272 = arith.constant 400 : i32
    %add3A_273 = arith.addi %add3A_115, %add3A_272 : i32
    %dma_wait3A_274 = arith.constant 0 : i32
    %dma_wait3A_275 = tpu.memref_slice %arg6[%add3A_273, %dma_wait3A_274] : memref<20480x128xf32, #tpu.memory_space<hbm>> -> memref<80x128xf32, #tpu.memory_space<hbm>>
    %dma_wait3A_276 = arith.constant 0 : i32
    %dma_wait3A_277 = tpu.memref_slice %arg6[%add3A_273, %dma_wait3A_276] : memref<20480x128xf32, #tpu.memory_space<hbm>> -> memref<80x128xf32, #tpu.memory_space<hbm>>
    tpu.wait_dma2 semaphore(%arg15 : memref<!tpu.dma_semaphore, #tpu.memory_space<semaphore_mem>>) src(%arg11 : memref<80x128xf32, #tpu.memory_space<vmem>>) dst(%dma_wait3A_277 : memref<80x128xf32, #tpu.memory_space<hbm>>)
    %add3A_278 = arith.constant 560 : i32
    %add3A_279 = arith.addi %mul3A_2, %add3A_278 : i32
    %dma_start3A_280 = arith.constant 0 : i32
    %dma_start3A_281 = tpu.memref_slice %arg7[%add3A_279, %dma_start3A_280] : memref<10240x128xf32, #tpu.memory_space<vmem_shared>> -> memref<80x128xf32, #tpu.memory_space<vmem_shared>>
    %dma_start3A_282 = arith.constant 0 : i32
    %dma_start3A_283 = tpu.memref_slice %arg7[%add3A_279, %dma_start3A_282] : memref<10240x128xf32, #tpu.memory_space<vmem_shared>> -> memref<80x128xf32, #tpu.memory_space<vmem_shared>>
    tpu.enqueue_dma source(%dma_start3A_283 : memref<80x128xf32, #tpu.memory_space<vmem_shared>>) target(%arg11 : memref<80x128xf32, #tpu.memory_space<vmem>>) target_semaphore(%arg13 : memref<!tpu.dma_semaphore, #tpu.memory_space<semaphore_mem>>)
    %add3A_284 = arith.constant 560 : i32
    %add3A_285 = arith.addi %mul3A_2, %add3A_284 : i32
    %dma_wait3A_286 = arith.constant 0 : i32
    %dma_wait3A_287 = tpu.memref_slice %arg7[%add3A_285, %dma_wait3A_286] : memref<10240x128xf32, #tpu.memory_space<vmem_shared>> -> memref<80x128xf32, #tpu.memory_space<vmem_shared>>
    %dma_wait3A_288 = arith.constant 0 : i32
    %dma_wait3A_289 = tpu.memref_slice %arg7[%add3A_285, %dma_wait3A_288] : memref<10240x128xf32, #tpu.memory_space<vmem_shared>> -> memref<80x128xf32, #tpu.memory_space<vmem_shared>>
    tpu.wait_dma2 semaphore(%arg13 : memref<!tpu.dma_semaphore, #tpu.memory_space<semaphore_mem>>) src(%dma_wait3A_289 : memref<80x128xf32, #tpu.memory_space<vmem_shared>>) dst(%arg11 : memref<80x128xf32, #tpu.memory_space<vmem>>)
    %add3A_290 = arith.constant 560 : i32
    %add3A_291 = arith.addi %add3A_115, %add3A_290 : i32
    %dma_start3A_292 = arith.constant 0 : i32
    %dma_start3A_293 = tpu.memref_slice %arg6[%add3A_291, %dma_start3A_292] : memref<20480x128xf32, #tpu.memory_space<hbm>> -> memref<80x128xf32, #tpu.memory_space<hbm>>
    %dma_start3A_294 = arith.constant 0 : i32
    %dma_start3A_295 = tpu.memref_slice %arg6[%add3A_291, %dma_start3A_294] : memref<20480x128xf32, #tpu.memory_space<hbm>> -> memref<80x128xf32, #tpu.memory_space<hbm>>
    tpu.enqueue_dma source(%arg11 : memref<80x128xf32, #tpu.memory_space<vmem>>) target(%dma_start3A_295 : memref<80x128xf32, #tpu.memory_space<hbm>>) target_semaphore(%arg15 : memref<!tpu.dma_semaphore, #tpu.memory_space<semaphore_mem>>)
    %add3A_296 = arith.constant 560 : i32
    %add3A_297 = arith.addi %add3A_115, %add3A_296 : i32
    %dma_wait3A_298 = arith.constant 0 : i32
    %dma_wait3A_299 = tpu.memref_slice %arg6[%add3A_297, %dma_wait3A_298] : memref<20480x128xf32, #tpu.memory_space<hbm>> -> memref<80x128xf32, #tpu.memory_space<hbm>>
    %dma_wait3A_300 = arith.constant 0 : i32
    %dma_wait3A_301 = tpu.memref_slice %arg6[%add3A_297, %dma_wait3A_300] : memref<20480x128xf32, #tpu.memory_space<hbm>> -> memref<80x128xf32, #tpu.memory_space<hbm>>
    tpu.wait_dma2 semaphore(%arg15 : memref<!tpu.dma_semaphore, #tpu.memory_space<semaphore_mem>>) src(%arg11 : memref<80x128xf32, #tpu.memory_space<vmem>>) dst(%dma_wait3A_301 : memref<80x128xf32, #tpu.memory_space<hbm>>)
    return
  }
}

#map = affine_map<(d0, d1) -> (0, 0)>
#map1 = affine_map<(d0, d1) -> (0, 0, 0)>
module attributes {stable_mosaic.version = 14 : i64} {
  func.func @_sc_agg(%arg0: i32, %arg1: i32, %arg2: memref<10240x128xf32, #tpu.memory_space<hbm>>, %arg3: memref<32x10000xi32, #tpu.memory_space<hbm>>, %arg4: memref<32x125x80xi32, #tpu.memory_space<hbm>>, %arg5: memref<80x128xf32, #tpu.memory_space<hbm>>, %arg6: memref<20480x128xf32, #tpu.memory_space<hbm>>, %arg7: memref<10240x128xf32, #tpu.memory_space<vmem_shared>>, %arg8: memref<10000xi32, #tpu.memory_space<vmem>>, %arg9: memref<125x80xi32, #tpu.memory_space<vmem>>, %arg10: memref<80x128xf32, #tpu.memory_space<vmem>>, %arg11: memref<80x128xf32, #tpu.memory_space<vmem>>, %arg12: memref<!tpu.dma_semaphore, #tpu.memory_space<semaphore_mem>>, %arg13: memref<!tpu.dma_semaphore, #tpu.memory_space<semaphore_mem>>, %arg14: memref<!tpu.dma_semaphore, #tpu.memory_space<semaphore_mem>>, %arg15: memref<!tpu.dma_semaphore, #tpu.memory_space<semaphore_mem>>) attributes {dimension_semantics = [#tpu.dimension_semantics<core_parallel>, #tpu.dimension_semantics<subcore_parallel>], iteration_bounds = array<i64: 2, 16>, scalar_prefetch = 0 : i64, scratch_operands = 9 : i64, tpu.core_type = #tpu.core_type<sc_vector_subcore>, window_params = [{transform_indices = #map}, {transform_indices = #map}, {transform_indices = #map1}, {transform_indices = #map}, {transform_indices = #map}]} {
    %mul3A = arith.constant 2 : i32
    %mul3A_0 = arith.muli %arg1, %mul3A : i32
    %add3A = arith.addi %mul3A_0, %arg0 : i32
    %mul3A_1 = arith.constant 640 : i32
    %mul3A_2 = arith.muli %arg1, %mul3A_1 : i32
    "tpu.region"() ({
      %run_scoped3A_302 = tpu.sem_alloc : memref<!tpu.dma_semaphore, #tpu.memory_space<semaphore_mem>>
      %dma_start3A_303 = arith.constant 0 : i32
      %dma_start3A_304 = tpu.memref_slice %arg3[%add3A, %dma_start3A_303] : memref<32x10000xi32, #tpu.memory_space<hbm>> -> memref<1x10000xi32, #tpu.memory_space<hbm>>
      %dma_start3A_305 = tpu.memref_squeeze %dma_start3A_304 : memref<1x10000xi32, #tpu.memory_space<hbm>> -> memref<10000xi32, #tpu.memory_space<hbm>>
      %dma_start3A_306 = arith.constant 0 : i32
      %dma_start3A_307 = tpu.memref_slice %arg3[%add3A, %dma_start3A_306] : memref<32x10000xi32, #tpu.memory_space<hbm>> -> memref<1x10000xi32, #tpu.memory_space<hbm>>
      %dma_start3A_308 = tpu.memref_squeeze %dma_start3A_307 : memref<1x10000xi32, #tpu.memory_space<hbm>> -> memref<10000xi32, #tpu.memory_space<hbm>>
      tpu.enqueue_dma source(%dma_start3A_308 : memref<10000xi32, #tpu.memory_space<hbm>>) target(%arg8 : memref<10000xi32, #tpu.memory_space<vmem>>) target_semaphore(%run_scoped3A_302 : memref<!tpu.dma_semaphore, #tpu.memory_space<semaphore_mem>>)
      %dma_wait3A_309 = arith.constant 0 : i32
      %dma_wait3A_310 = tpu.memref_slice %arg3[%add3A, %dma_wait3A_309] : memref<32x10000xi32, #tpu.memory_space<hbm>> -> memref<1x10000xi32, #tpu.memory_space<hbm>>
      %dma_wait3A_311 = tpu.memref_squeeze %dma_wait3A_310 : memref<1x10000xi32, #tpu.memory_space<hbm>> -> memref<10000xi32, #tpu.memory_space<hbm>>
      %dma_wait3A_312 = arith.constant 0 : i32
      %dma_wait3A_313 = tpu.memref_slice %arg3[%add3A, %dma_wait3A_312] : memref<32x10000xi32, #tpu.memory_space<hbm>> -> memref<1x10000xi32, #tpu.memory_space<hbm>>
      %dma_wait3A_314 = tpu.memref_squeeze %dma_wait3A_313 : memref<1x10000xi32, #tpu.memory_space<hbm>> -> memref<10000xi32, #tpu.memory_space<hbm>>
      tpu.wait_dma2 semaphore(%run_scoped3A_302 : memref<!tpu.dma_semaphore, #tpu.memory_space<semaphore_mem>>) src(%dma_wait3A_314 : memref<10000xi32, #tpu.memory_space<hbm>>) dst(%arg8 : memref<10000xi32, #tpu.memory_space<vmem>>)
      tpu.yield
    }) : () -> ()
    "tpu.region"() ({
      %run_scoped3A_302 = tpu.sem_alloc : memref<!tpu.dma_semaphore, #tpu.memory_space<semaphore_mem>>
      %dma_start3A_303 = arith.constant 0 : i32
      %dma_start3A_304 = arith.constant 0 : i32
      %dma_start3A_305 = tpu.memref_slice %arg4[%add3A, %dma_start3A_303, %dma_start3A_304] : memref<32x125x80xi32, #tpu.memory_space<hbm>> -> memref<1x125x80xi32, #tpu.memory_space<hbm>>
      %dma_start3A_306 = tpu.memref_squeeze %dma_start3A_305 : memref<1x125x80xi32, #tpu.memory_space<hbm>> -> memref<125x80xi32, #tpu.memory_space<hbm>>
      %dma_start3A_307 = arith.constant 0 : i32
      %dma_start3A_308 = arith.constant 0 : i32
      %dma_start3A_309 = tpu.memref_slice %arg4[%add3A, %dma_start3A_307, %dma_start3A_308] : memref<32x125x80xi32, #tpu.memory_space<hbm>> -> memref<1x125x80xi32, #tpu.memory_space<hbm>>
      %dma_start3A_310 = tpu.memref_squeeze %dma_start3A_309 : memref<1x125x80xi32, #tpu.memory_space<hbm>> -> memref<125x80xi32, #tpu.memory_space<hbm>>
      tpu.enqueue_dma source(%dma_start3A_310 : memref<125x80xi32, #tpu.memory_space<hbm>>) target(%arg9 : memref<125x80xi32, #tpu.memory_space<vmem>>) target_semaphore(%run_scoped3A_302 : memref<!tpu.dma_semaphore, #tpu.memory_space<semaphore_mem>>)
      %dma_wait3A_311 = arith.constant 0 : i32
      %dma_wait3A_312 = arith.constant 0 : i32
      %dma_wait3A_313 = tpu.memref_slice %arg4[%add3A, %dma_wait3A_311, %dma_wait3A_312] : memref<32x125x80xi32, #tpu.memory_space<hbm>> -> memref<1x125x80xi32, #tpu.memory_space<hbm>>
      %dma_wait3A_314 = tpu.memref_squeeze %dma_wait3A_313 : memref<1x125x80xi32, #tpu.memory_space<hbm>> -> memref<125x80xi32, #tpu.memory_space<hbm>>
      %dma_wait3A_315 = arith.constant 0 : i32
      %dma_wait3A_316 = arith.constant 0 : i32
      %dma_wait3A_317 = tpu.memref_slice %arg4[%add3A, %dma_wait3A_315, %dma_wait3A_316] : memref<32x125x80xi32, #tpu.memory_space<hbm>> -> memref<1x125x80xi32, #tpu.memory_space<hbm>>
      %dma_wait3A_318 = tpu.memref_squeeze %dma_wait3A_317 : memref<1x125x80xi32, #tpu.memory_space<hbm>> -> memref<125x80xi32, #tpu.memory_space<hbm>>
      tpu.wait_dma2 semaphore(%run_scoped3A_302 : memref<!tpu.dma_semaphore, #tpu.memory_space<semaphore_mem>>) src(%dma_wait3A_318 : memref<125x80xi32, #tpu.memory_space<hbm>>) dst(%arg9 : memref<125x80xi32, #tpu.memory_space<vmem>>)
      tpu.yield
    }) : () -> ()
    "tpu.region"() ({
      %run_scoped3A_302 = tpu.sem_alloc : memref<!tpu.dma_semaphore, #tpu.memory_space<semaphore_mem>>
      tpu.enqueue_dma source(%arg5 : memref<80x128xf32, #tpu.memory_space<hbm>>) target(%arg11 : memref<80x128xf32, #tpu.memory_space<vmem>>) target_semaphore(%run_scoped3A_302 : memref<!tpu.dma_semaphore, #tpu.memory_space<semaphore_mem>>)
      tpu.wait_dma2 semaphore(%run_scoped3A_302 : memref<!tpu.dma_semaphore, #tpu.memory_space<semaphore_mem>>) src(%arg5 : memref<80x128xf32, #tpu.memory_space<hbm>>) dst(%arg11 : memref<80x128xf32, #tpu.memory_space<vmem>>)
      tpu.yield
    }) : () -> ()
    %dma_start3A = arith.constant 0 : i32
    %dma_start3A_3 = tpu.memref_slice %arg8[%dma_start3A] : memref<10000xi32, #tpu.memory_space<vmem>> -> memref<80xi32, #tpu.memory_space<vmem>>
    %dma_start3A_4 = arith.constant 0 : i32
    %dma_start3A_5 = arith.constant 0 : i32
    %dma_start3A_6 = tpu.memref_slice %arg2[%dma_start3A_4, %dma_start3A_5] : memref<10240x128xf32, #tpu.memory_space<hbm>> -> memref<10240x128xf32, #tpu.memory_space<hbm>>
    tpu.enqueue_indirect_dma source(%dma_start3A_6 : memref<10240x128xf32, #tpu.memory_space<hbm>>) target(%arg10 : memref<80x128xf32, #tpu.memory_space<vmem>>) offsets(%dma_start3A_3 : memref<80xi32, #tpu.memory_space<vmem>>) semaphore(%arg12 : memref<!tpu.dma_semaphore, #tpu.memory_space<semaphore_mem>>)
    %add3A_7 = arith.constant 0 : i32
    %add3A_8 = arith.addi %mul3A_2, %add3A_7 : i32
    %dma_start3A_9 = arith.constant 0 : i32
    %dma_start3A_10 = tpu.memref_slice %arg7[%add3A_8, %dma_start3A_9] : memref<10240x128xf32, #tpu.memory_space<vmem_shared>> -> memref<80x128xf32, #tpu.memory_space<vmem_shared>>
    %dma_start3A_11 = arith.constant 0 : i32
    %dma_start3A_12 = tpu.memref_slice %arg7[%add3A_8, %dma_start3A_11] : memref<10240x128xf32, #tpu.memory_space<vmem_shared>> -> memref<80x128xf32, #tpu.memory_space<vmem_shared>>
    tpu.enqueue_dma source(%arg11 : memref<80x128xf32, #tpu.memory_space<vmem>>) target(%dma_start3A_12 : memref<80x128xf32, #tpu.memory_space<vmem_shared>>) target_semaphore(%arg14 : memref<!tpu.dma_semaphore, #tpu.memory_space<semaphore_mem>>)
    %add3A_13 = arith.constant 80 : i32
    %add3A_14 = arith.addi %mul3A_2, %add3A_13 : i32
    %dma_start3A_15 = arith.constant 0 : i32
    %dma_start3A_16 = tpu.memref_slice %arg7[%add3A_14, %dma_start3A_15] : memref<10240x128xf32, #tpu.memory_space<vmem_shared>> -> memref<80x128xf32, #tpu.memory_space<vmem_shared>>
    %dma_start3A_17 = arith.constant 0 : i32
    %dma_start3A_18 = tpu.memref_slice %arg7[%add3A_14, %dma_start3A_17] : memref<10240x128xf32, #tpu.memory_space<vmem_shared>> -> memref<80x128xf32, #tpu.memory_space<vmem_shared>>
    tpu.enqueue_dma source(%arg11 : memref<80x128xf32, #tpu.memory_space<vmem>>) target(%dma_start3A_18 : memref<80x128xf32, #tpu.memory_space<vmem_shared>>) target_semaphore(%arg14 : memref<!tpu.dma_semaphore, #tpu.memory_space<semaphore_mem>>)
    %add3A_19 = arith.constant 160 : i32
    %add3A_20 = arith.addi %mul3A_2, %add3A_19 : i32
    %dma_start3A_21 = arith.constant 0 : i32
    %dma_start3A_22 = tpu.memref_slice %arg7[%add3A_20, %dma_start3A_21] : memref<10240x128xf32, #tpu.memory_space<vmem_shared>> -> memref<80x128xf32, #tpu.memory_space<vmem_shared>>
    %dma_start3A_23 = arith.constant 0 : i32
    %dma_start3A_24 = tpu.memref_slice %arg7[%add3A_20, %dma_start3A_23] : memref<10240x128xf32, #tpu.memory_space<vmem_shared>> -> memref<80x128xf32, #tpu.memory_space<vmem_shared>>
    tpu.enqueue_dma source(%arg11 : memref<80x128xf32, #tpu.memory_space<vmem>>) target(%dma_start3A_24 : memref<80x128xf32, #tpu.memory_space<vmem_shared>>) target_semaphore(%arg14 : memref<!tpu.dma_semaphore, #tpu.memory_space<semaphore_mem>>)
    %add3A_25 = arith.constant 240 : i32
    %add3A_26 = arith.addi %mul3A_2, %add3A_25 : i32
    %dma_start3A_27 = arith.constant 0 : i32
    %dma_start3A_28 = tpu.memref_slice %arg7[%add3A_26, %dma_start3A_27] : memref<10240x128xf32, #tpu.memory_space<vmem_shared>> -> memref<80x128xf32, #tpu.memory_space<vmem_shared>>
    %dma_start3A_29 = arith.constant 0 : i32
    %dma_start3A_30 = tpu.memref_slice %arg7[%add3A_26, %dma_start3A_29] : memref<10240x128xf32, #tpu.memory_space<vmem_shared>> -> memref<80x128xf32, #tpu.memory_space<vmem_shared>>
    tpu.enqueue_dma source(%arg11 : memref<80x128xf32, #tpu.memory_space<vmem>>) target(%dma_start3A_30 : memref<80x128xf32, #tpu.memory_space<vmem_shared>>) target_semaphore(%arg14 : memref<!tpu.dma_semaphore, #tpu.memory_space<semaphore_mem>>)
    %add3A_31 = arith.constant 320 : i32
    %add3A_32 = arith.addi %mul3A_2, %add3A_31 : i32
    %dma_start3A_33 = arith.constant 0 : i32
    %dma_start3A_34 = tpu.memref_slice %arg7[%add3A_32, %dma_start3A_33] : memref<10240x128xf32, #tpu.memory_space<vmem_shared>> -> memref<80x128xf32, #tpu.memory_space<vmem_shared>>
    %dma_start3A_35 = arith.constant 0 : i32
    %dma_start3A_36 = tpu.memref_slice %arg7[%add3A_32, %dma_start3A_35] : memref<10240x128xf32, #tpu.memory_space<vmem_shared>> -> memref<80x128xf32, #tpu.memory_space<vmem_shared>>
    tpu.enqueue_dma source(%arg11 : memref<80x128xf32, #tpu.memory_space<vmem>>) target(%dma_start3A_36 : memref<80x128xf32, #tpu.memory_space<vmem_shared>>) target_semaphore(%arg14 : memref<!tpu.dma_semaphore, #tpu.memory_space<semaphore_mem>>)
    %add3A_37 = arith.constant 400 : i32
    %add3A_38 = arith.addi %mul3A_2, %add3A_37 : i32
    %dma_start3A_39 = arith.constant 0 : i32
    %dma_start3A_40 = tpu.memref_slice %arg7[%add3A_38, %dma_start3A_39] : memref<10240x128xf32, #tpu.memory_space<vmem_shared>> -> memref<80x128xf32, #tpu.memory_space<vmem_shared>>
    %dma_start3A_41 = arith.constant 0 : i32
    %dma_start3A_42 = tpu.memref_slice %arg7[%add3A_38, %dma_start3A_41] : memref<10240x128xf32, #tpu.memory_space<vmem_shared>> -> memref<80x128xf32, #tpu.memory_space<vmem_shared>>
    tpu.enqueue_dma source(%arg11 : memref<80x128xf32, #tpu.memory_space<vmem>>) target(%dma_start3A_42 : memref<80x128xf32, #tpu.memory_space<vmem_shared>>) target_semaphore(%arg14 : memref<!tpu.dma_semaphore, #tpu.memory_space<semaphore_mem>>)
    %add3A_43 = arith.constant 480 : i32
    %add3A_44 = arith.addi %mul3A_2, %add3A_43 : i32
    %dma_start3A_45 = arith.constant 0 : i32
    %dma_start3A_46 = tpu.memref_slice %arg7[%add3A_44, %dma_start3A_45] : memref<10240x128xf32, #tpu.memory_space<vmem_shared>> -> memref<80x128xf32, #tpu.memory_space<vmem_shared>>
    %dma_start3A_47 = arith.constant 0 : i32
    %dma_start3A_48 = tpu.memref_slice %arg7[%add3A_44, %dma_start3A_47] : memref<10240x128xf32, #tpu.memory_space<vmem_shared>> -> memref<80x128xf32, #tpu.memory_space<vmem_shared>>
    tpu.enqueue_dma source(%arg11 : memref<80x128xf32, #tpu.memory_space<vmem>>) target(%dma_start3A_48 : memref<80x128xf32, #tpu.memory_space<vmem_shared>>) target_semaphore(%arg14 : memref<!tpu.dma_semaphore, #tpu.memory_space<semaphore_mem>>)
    %add3A_49 = arith.constant 560 : i32
    %add3A_50 = arith.addi %mul3A_2, %add3A_49 : i32
    %dma_start3A_51 = arith.constant 0 : i32
    %dma_start3A_52 = tpu.memref_slice %arg7[%add3A_50, %dma_start3A_51] : memref<10240x128xf32, #tpu.memory_space<vmem_shared>> -> memref<80x128xf32, #tpu.memory_space<vmem_shared>>
    %dma_start3A_53 = arith.constant 0 : i32
    %dma_start3A_54 = tpu.memref_slice %arg7[%add3A_50, %dma_start3A_53] : memref<10240x128xf32, #tpu.memory_space<vmem_shared>> -> memref<80x128xf32, #tpu.memory_space<vmem_shared>>
    tpu.enqueue_dma source(%arg11 : memref<80x128xf32, #tpu.memory_space<vmem>>) target(%dma_start3A_54 : memref<80x128xf32, #tpu.memory_space<vmem_shared>>) target_semaphore(%arg14 : memref<!tpu.dma_semaphore, #tpu.memory_space<semaphore_mem>>)
    %add3A_55 = arith.constant 0 : i32
    %add3A_56 = arith.addi %mul3A_2, %add3A_55 : i32
    %dma_wait3A = arith.constant 0 : i32
    %dma_wait3A_57 = tpu.memref_slice %arg7[%add3A_56, %dma_wait3A] : memref<10240x128xf32, #tpu.memory_space<vmem_shared>> -> memref<80x128xf32, #tpu.memory_space<vmem_shared>>
    %dma_wait3A_58 = arith.constant 0 : i32
    %dma_wait3A_59 = tpu.memref_slice %arg7[%add3A_56, %dma_wait3A_58] : memref<10240x128xf32, #tpu.memory_space<vmem_shared>> -> memref<80x128xf32, #tpu.memory_space<vmem_shared>>
    tpu.wait_dma2 semaphore(%arg14 : memref<!tpu.dma_semaphore, #tpu.memory_space<semaphore_mem>>) src(%arg11 : memref<80x128xf32, #tpu.memory_space<vmem>>) dst(%dma_wait3A_59 : memref<80x128xf32, #tpu.memory_space<vmem_shared>>)
    %add3A_60 = arith.constant 80 : i32
    %add3A_61 = arith.addi %mul3A_2, %add3A_60 : i32
    %dma_wait3A_62 = arith.constant 0 : i32
    %dma_wait3A_63 = tpu.memref_slice %arg7[%add3A_61, %dma_wait3A_62] : memref<10240x128xf32, #tpu.memory_space<vmem_shared>> -> memref<80x128xf32, #tpu.memory_space<vmem_shared>>
    %dma_wait3A_64 = arith.constant 0 : i32
    %dma_wait3A_65 = tpu.memref_slice %arg7[%add3A_61, %dma_wait3A_64] : memref<10240x128xf32, #tpu.memory_space<vmem_shared>> -> memref<80x128xf32, #tpu.memory_space<vmem_shared>>
    tpu.wait_dma2 semaphore(%arg14 : memref<!tpu.dma_semaphore, #tpu.memory_space<semaphore_mem>>) src(%arg11 : memref<80x128xf32, #tpu.memory_space<vmem>>) dst(%dma_wait3A_65 : memref<80x128xf32, #tpu.memory_space<vmem_shared>>)
    %add3A_66 = arith.constant 160 : i32
    %add3A_67 = arith.addi %mul3A_2, %add3A_66 : i32
    %dma_wait3A_68 = arith.constant 0 : i32
    %dma_wait3A_69 = tpu.memref_slice %arg7[%add3A_67, %dma_wait3A_68] : memref<10240x128xf32, #tpu.memory_space<vmem_shared>> -> memref<80x128xf32, #tpu.memory_space<vmem_shared>>
    %dma_wait3A_70 = arith.constant 0 : i32
    %dma_wait3A_71 = tpu.memref_slice %arg7[%add3A_67, %dma_wait3A_70] : memref<10240x128xf32, #tpu.memory_space<vmem_shared>> -> memref<80x128xf32, #tpu.memory_space<vmem_shared>>
    tpu.wait_dma2 semaphore(%arg14 : memref<!tpu.dma_semaphore, #tpu.memory_space<semaphore_mem>>) src(%arg11 : memref<80x128xf32, #tpu.memory_space<vmem>>) dst(%dma_wait3A_71 : memref<80x128xf32, #tpu.memory_space<vmem_shared>>)
    %add3A_72 = arith.constant 240 : i32
    %add3A_73 = arith.addi %mul3A_2, %add3A_72 : i32
    %dma_wait3A_74 = arith.constant 0 : i32
    %dma_wait3A_75 = tpu.memref_slice %arg7[%add3A_73, %dma_wait3A_74] : memref<10240x128xf32, #tpu.memory_space<vmem_shared>> -> memref<80x128xf32, #tpu.memory_space<vmem_shared>>
    %dma_wait3A_76 = arith.constant 0 : i32
    %dma_wait3A_77 = tpu.memref_slice %arg7[%add3A_73, %dma_wait3A_76] : memref<10240x128xf32, #tpu.memory_space<vmem_shared>> -> memref<80x128xf32, #tpu.memory_space<vmem_shared>>
    tpu.wait_dma2 semaphore(%arg14 : memref<!tpu.dma_semaphore, #tpu.memory_space<semaphore_mem>>) src(%arg11 : memref<80x128xf32, #tpu.memory_space<vmem>>) dst(%dma_wait3A_77 : memref<80x128xf32, #tpu.memory_space<vmem_shared>>)
    %add3A_78 = arith.constant 320 : i32
    %add3A_79 = arith.addi %mul3A_2, %add3A_78 : i32
    %dma_wait3A_80 = arith.constant 0 : i32
    %dma_wait3A_81 = tpu.memref_slice %arg7[%add3A_79, %dma_wait3A_80] : memref<10240x128xf32, #tpu.memory_space<vmem_shared>> -> memref<80x128xf32, #tpu.memory_space<vmem_shared>>
    %dma_wait3A_82 = arith.constant 0 : i32
    %dma_wait3A_83 = tpu.memref_slice %arg7[%add3A_79, %dma_wait3A_82] : memref<10240x128xf32, #tpu.memory_space<vmem_shared>> -> memref<80x128xf32, #tpu.memory_space<vmem_shared>>
    tpu.wait_dma2 semaphore(%arg14 : memref<!tpu.dma_semaphore, #tpu.memory_space<semaphore_mem>>) src(%arg11 : memref<80x128xf32, #tpu.memory_space<vmem>>) dst(%dma_wait3A_83 : memref<80x128xf32, #tpu.memory_space<vmem_shared>>)
    %add3A_84 = arith.constant 400 : i32
    %add3A_85 = arith.addi %mul3A_2, %add3A_84 : i32
    %dma_wait3A_86 = arith.constant 0 : i32
    %dma_wait3A_87 = tpu.memref_slice %arg7[%add3A_85, %dma_wait3A_86] : memref<10240x128xf32, #tpu.memory_space<vmem_shared>> -> memref<80x128xf32, #tpu.memory_space<vmem_shared>>
    %dma_wait3A_88 = arith.constant 0 : i32
    %dma_wait3A_89 = tpu.memref_slice %arg7[%add3A_85, %dma_wait3A_88] : memref<10240x128xf32, #tpu.memory_space<vmem_shared>> -> memref<80x128xf32, #tpu.memory_space<vmem_shared>>
    tpu.wait_dma2 semaphore(%arg14 : memref<!tpu.dma_semaphore, #tpu.memory_space<semaphore_mem>>) src(%arg11 : memref<80x128xf32, #tpu.memory_space<vmem>>) dst(%dma_wait3A_89 : memref<80x128xf32, #tpu.memory_space<vmem_shared>>)
    %add3A_90 = arith.constant 480 : i32
    %add3A_91 = arith.addi %mul3A_2, %add3A_90 : i32
    %dma_wait3A_92 = arith.constant 0 : i32
    %dma_wait3A_93 = tpu.memref_slice %arg7[%add3A_91, %dma_wait3A_92] : memref<10240x128xf32, #tpu.memory_space<vmem_shared>> -> memref<80x128xf32, #tpu.memory_space<vmem_shared>>
    %dma_wait3A_94 = arith.constant 0 : i32
    %dma_wait3A_95 = tpu.memref_slice %arg7[%add3A_91, %dma_wait3A_94] : memref<10240x128xf32, #tpu.memory_space<vmem_shared>> -> memref<80x128xf32, #tpu.memory_space<vmem_shared>>
    tpu.wait_dma2 semaphore(%arg14 : memref<!tpu.dma_semaphore, #tpu.memory_space<semaphore_mem>>) src(%arg11 : memref<80x128xf32, #tpu.memory_space<vmem>>) dst(%dma_wait3A_95 : memref<80x128xf32, #tpu.memory_space<vmem_shared>>)
    %add3A_96 = arith.constant 560 : i32
    %add3A_97 = arith.addi %mul3A_2, %add3A_96 : i32
    %dma_wait3A_98 = arith.constant 0 : i32
    %dma_wait3A_99 = tpu.memref_slice %arg7[%add3A_97, %dma_wait3A_98] : memref<10240x128xf32, #tpu.memory_space<vmem_shared>> -> memref<80x128xf32, #tpu.memory_space<vmem_shared>>
    %dma_wait3A_100 = arith.constant 0 : i32
    %dma_wait3A_101 = tpu.memref_slice %arg7[%add3A_97, %dma_wait3A_100] : memref<10240x128xf32, #tpu.memory_space<vmem_shared>> -> memref<80x128xf32, #tpu.memory_space<vmem_shared>>
    tpu.wait_dma2 semaphore(%arg14 : memref<!tpu.dma_semaphore, #tpu.memory_space<semaphore_mem>>) src(%arg11 : memref<80x128xf32, #tpu.memory_space<vmem>>) dst(%dma_wait3A_101 : memref<80x128xf32, #tpu.memory_space<vmem_shared>>)
    %barrier3A = arith.constant 0 : index
    tpu.barrier barrier_id(%barrier3A)
    %scan3A = arith.constant 0 : i32
    %scan3A_102 = arith.constant 0 : i32
    %scan3A_103 = arith.constant 62 : i32
    %scan3A_104 = arith.addi %scan3A_102, %scan3A_103 : i32
    %scan3A_105 = arith.constant 1 : i32
    scf.for %scan3A_302 = %scan3A_102 to %scan3A_104 step %scan3A_105  : i32 {
      %mul3A_303 = arith.constant 2 : i32
      %mul3A_304 = arith.muli %mul3A_303, %scan3A_302 : i32
      %add3A_305 = arith.constant 1 : i32
      %add3A_306 = arith.addi %mul3A_304, %add3A_305 : i32
      %mul3A_307 = arith.constant 80 : i32
      %mul3A_308 = arith.muli %add3A_306, %mul3A_307 : i32
      %dma_start3A_309 = tpu.memref_slice %arg8[%mul3A_308] : memref<10000xi32, #tpu.memory_space<vmem>> -> memref<80xi32, #tpu.memory_space<vmem>>
      %dma_start3A_310 = arith.constant 0 : i32
      %dma_start3A_311 = arith.constant 0 : i32
      %dma_start3A_312 = tpu.memref_slice %arg2[%dma_start3A_310, %dma_start3A_311] : memref<10240x128xf32, #tpu.memory_space<hbm>> -> memref<10240x128xf32, #tpu.memory_space<hbm>>
      tpu.enqueue_indirect_dma source(%dma_start3A_312 : memref<10240x128xf32, #tpu.memory_space<hbm>>) target(%arg11 : memref<80x128xf32, #tpu.memory_space<vmem>>) offsets(%dma_start3A_309 : memref<80xi32, #tpu.memory_space<vmem>>) semaphore(%arg13 : memref<!tpu.dma_semaphore, #tpu.memory_space<semaphore_mem>>)
      %mul3A_313 = arith.constant 80 : i32
      %mul3A_314 = arith.muli %mul3A_304, %mul3A_313 : i32
      %dma_wait3A_315 = tpu.memref_slice %arg8[%mul3A_314] : memref<10000xi32, #tpu.memory_space<vmem>> -> memref<80xi32, #tpu.memory_space<vmem>>
      %dma_wait3A_316 = arith.constant 0 : i32
      %dma_wait3A_317 = arith.constant 0 : i32
      %dma_wait3A_318 = tpu.memref_slice %arg2[%dma_wait3A_316, %dma_wait3A_317] : memref<10240x128xf32, #tpu.memory_space<hbm>> -> memref<10240x128xf32, #tpu.memory_space<hbm>>
      tpu.wait_indirect_dma semaphore(%arg12 : memref<!tpu.dma_semaphore, #tpu.memory_space<semaphore_mem>>) src(%dma_wait3A_318 : memref<10240x128xf32, #tpu.memory_space<hbm>>) dst(%arg10 : memref<80x128xf32, #tpu.memory_space<vmem>>)
      "tpu.region"() ({
        %run_scoped3A_335 = tpu.sem_alloc : memref<!tpu.dma_semaphore, #tpu.memory_space<semaphore_mem>>
        %dma_start3A_336 = arith.constant 0 : i32
        %dma_start3A_337 = tpu.memref_slice %arg9[%mul3A_304, %dma_start3A_336] : memref<125x80xi32, #tpu.memory_space<vmem>> -> memref<1x80xi32, #tpu.memory_space<vmem>>
        %dma_start3A_338 = tpu.memref_squeeze %dma_start3A_337 : memref<1x80xi32, #tpu.memory_space<vmem>> -> memref<80xi32, #tpu.memory_space<vmem>>
        %dma_start3A_339 = arith.constant 0 : i32
        %dma_start3A_340 = arith.constant 0 : i32
        %dma_start3A_341 = tpu.memref_slice %arg7[%dma_start3A_339, %dma_start3A_340] : memref<10240x128xf32, #tpu.memory_space<vmem_shared>> -> memref<10240x128xf32, #tpu.memory_space<vmem_shared>>
        tpu.enqueue_indirect_dma source(%arg10 : memref<80x128xf32, #tpu.memory_space<vmem>>) target(%dma_start3A_341 : memref<10240x128xf32, #tpu.memory_space<vmem_shared>>) offsets(%dma_start3A_338 : memref<80xi32, #tpu.memory_space<vmem>>) semaphore(%run_scoped3A_335 : memref<!tpu.dma_semaphore, #tpu.memory_space<semaphore_mem>>) {add = true}
        %dma_wait3A_342 = arith.constant 0 : i32
        %dma_wait3A_343 = tpu.memref_slice %arg9[%mul3A_304, %dma_wait3A_342] : memref<125x80xi32, #tpu.memory_space<vmem>> -> memref<1x80xi32, #tpu.memory_space<vmem>>
        %dma_wait3A_344 = tpu.memref_squeeze %dma_wait3A_343 : memref<1x80xi32, #tpu.memory_space<vmem>> -> memref<80xi32, #tpu.memory_space<vmem>>
        %dma_wait3A_345 = arith.constant 0 : i32
        %dma_wait3A_346 = arith.constant 0 : i32
        %dma_wait3A_347 = tpu.memref_slice %arg7[%dma_wait3A_345, %dma_wait3A_346] : memref<10240x128xf32, #tpu.memory_space<vmem_shared>> -> memref<10240x128xf32, #tpu.memory_space<vmem_shared>>
        tpu.wait_indirect_dma semaphore(%run_scoped3A_335 : memref<!tpu.dma_semaphore, #tpu.memory_space<semaphore_mem>>) src(%arg10 : memref<80x128xf32, #tpu.memory_space<vmem>>) dst(%dma_wait3A_347 : memref<10240x128xf32, #tpu.memory_space<vmem_shared>>)
        tpu.yield
      }) : () -> ()
      %add3A_319 = arith.constant 1 : i32
      %add3A_320 = arith.addi %mul3A_304, %add3A_319 : i32
      %add3A_321 = arith.constant 1 : i32
      %add3A_322 = arith.addi %add3A_320, %add3A_321 : i32
      %mul3A_323 = arith.constant 80 : i32
      %mul3A_324 = arith.muli %add3A_322, %mul3A_323 : i32
      %dma_start3A_325 = tpu.memref_slice %arg8[%mul3A_324] : memref<10000xi32, #tpu.memory_space<vmem>> -> memref<80xi32, #tpu.memory_space<vmem>>
      %dma_start3A_326 = arith.constant 0 : i32
      %dma_start3A_327 = arith.constant 0 : i32
      %dma_start3A_328 = tpu.memref_slice %arg2[%dma_start3A_326, %dma_start3A_327] : memref<10240x128xf32, #tpu.memory_space<hbm>> -> memref<10240x128xf32, #tpu.memory_space<hbm>>
      tpu.enqueue_indirect_dma source(%dma_start3A_328 : memref<10240x128xf32, #tpu.memory_space<hbm>>) target(%arg10 : memref<80x128xf32, #tpu.memory_space<vmem>>) offsets(%dma_start3A_325 : memref<80xi32, #tpu.memory_space<vmem>>) semaphore(%arg12 : memref<!tpu.dma_semaphore, #tpu.memory_space<semaphore_mem>>)
      %mul3A_329 = arith.constant 80 : i32
      %mul3A_330 = arith.muli %add3A_320, %mul3A_329 : i32
      %dma_wait3A_331 = tpu.memref_slice %arg8[%mul3A_330] : memref<10000xi32, #tpu.memory_space<vmem>> -> memref<80xi32, #tpu.memory_space<vmem>>
      %dma_wait3A_332 = arith.constant 0 : i32
      %dma_wait3A_333 = arith.constant 0 : i32
      %dma_wait3A_334 = tpu.memref_slice %arg2[%dma_wait3A_332, %dma_wait3A_333] : memref<10240x128xf32, #tpu.memory_space<hbm>> -> memref<10240x128xf32, #tpu.memory_space<hbm>>
      tpu.wait_indirect_dma semaphore(%arg13 : memref<!tpu.dma_semaphore, #tpu.memory_space<semaphore_mem>>) src(%dma_wait3A_334 : memref<10240x128xf32, #tpu.memory_space<hbm>>) dst(%arg11 : memref<80x128xf32, #tpu.memory_space<vmem>>)
      "tpu.region"() ({
        %run_scoped3A_335 = tpu.sem_alloc : memref<!tpu.dma_semaphore, #tpu.memory_space<semaphore_mem>>
        %dma_start3A_336 = arith.constant 0 : i32
        %dma_start3A_337 = tpu.memref_slice %arg9[%add3A_320, %dma_start3A_336] : memref<125x80xi32, #tpu.memory_space<vmem>> -> memref<1x80xi32, #tpu.memory_space<vmem>>
        %dma_start3A_338 = tpu.memref_squeeze %dma_start3A_337 : memref<1x80xi32, #tpu.memory_space<vmem>> -> memref<80xi32, #tpu.memory_space<vmem>>
        %dma_start3A_339 = arith.constant 0 : i32
        %dma_start3A_340 = arith.constant 0 : i32
        %dma_start3A_341 = tpu.memref_slice %arg7[%dma_start3A_339, %dma_start3A_340] : memref<10240x128xf32, #tpu.memory_space<vmem_shared>> -> memref<10240x128xf32, #tpu.memory_space<vmem_shared>>
        tpu.enqueue_indirect_dma source(%arg11 : memref<80x128xf32, #tpu.memory_space<vmem>>) target(%dma_start3A_341 : memref<10240x128xf32, #tpu.memory_space<vmem_shared>>) offsets(%dma_start3A_338 : memref<80xi32, #tpu.memory_space<vmem>>) semaphore(%run_scoped3A_335 : memref<!tpu.dma_semaphore, #tpu.memory_space<semaphore_mem>>) {add = true}
        %dma_wait3A_342 = arith.constant 0 : i32
        %dma_wait3A_343 = tpu.memref_slice %arg9[%add3A_320, %dma_wait3A_342] : memref<125x80xi32, #tpu.memory_space<vmem>> -> memref<1x80xi32, #tpu.memory_space<vmem>>
        %dma_wait3A_344 = tpu.memref_squeeze %dma_wait3A_343 : memref<1x80xi32, #tpu.memory_space<vmem>> -> memref<80xi32, #tpu.memory_space<vmem>>
        %dma_wait3A_345 = arith.constant 0 : i32
        %dma_wait3A_346 = arith.constant 0 : i32
        %dma_wait3A_347 = tpu.memref_slice %arg7[%dma_wait3A_345, %dma_wait3A_346] : memref<10240x128xf32, #tpu.memory_space<vmem_shared>> -> memref<10240x128xf32, #tpu.memory_space<vmem_shared>>
        tpu.wait_indirect_dma semaphore(%run_scoped3A_335 : memref<!tpu.dma_semaphore, #tpu.memory_space<semaphore_mem>>) src(%arg11 : memref<80x128xf32, #tpu.memory_space<vmem>>) dst(%dma_wait3A_347 : memref<10240x128xf32, #tpu.memory_space<vmem_shared>>)
        tpu.yield
      }) : () -> ()
    }
    %scan3A_106 = arith.constant 62 : i32
    %dma_wait3A_107 = arith.constant 9920 : i32
    %dma_wait3A_108 = tpu.memref_slice %arg8[%dma_wait3A_107] : memref<10000xi32, #tpu.memory_space<vmem>> -> memref<80xi32, #tpu.memory_space<vmem>>
    %dma_wait3A_109 = arith.constant 0 : i32
    %dma_wait3A_110 = arith.constant 0 : i32
    %dma_wait3A_111 = tpu.memref_slice %arg2[%dma_wait3A_109, %dma_wait3A_110] : memref<10240x128xf32, #tpu.memory_space<hbm>> -> memref<10240x128xf32, #tpu.memory_space<hbm>>
    tpu.wait_indirect_dma semaphore(%arg12 : memref<!tpu.dma_semaphore, #tpu.memory_space<semaphore_mem>>) src(%dma_wait3A_111 : memref<10240x128xf32, #tpu.memory_space<hbm>>) dst(%arg10 : memref<80x128xf32, #tpu.memory_space<vmem>>)
    %run_scoped3A = arith.constant 124 : i32
    "tpu.region"() ({
      %run_scoped3A_302 = tpu.sem_alloc : memref<!tpu.dma_semaphore, #tpu.memory_space<semaphore_mem>>
      %dma_start3A_303 = arith.constant 0 : i32
      %dma_start3A_304 = tpu.memref_slice %arg9[%run_scoped3A, %dma_start3A_303] : memref<125x80xi32, #tpu.memory_space<vmem>> -> memref<1x80xi32, #tpu.memory_space<vmem>>
      %dma_start3A_305 = tpu.memref_squeeze %dma_start3A_304 : memref<1x80xi32, #tpu.memory_space<vmem>> -> memref<80xi32, #tpu.memory_space<vmem>>
      %dma_start3A_306 = arith.constant 0 : i32
      %dma_start3A_307 = arith.constant 0 : i32
      %dma_start3A_308 = tpu.memref_slice %arg7[%dma_start3A_306, %dma_start3A_307] : memref<10240x128xf32, #tpu.memory_space<vmem_shared>> -> memref<10240x128xf32, #tpu.memory_space<vmem_shared>>
      tpu.enqueue_indirect_dma source(%arg10 : memref<80x128xf32, #tpu.memory_space<vmem>>) target(%dma_start3A_308 : memref<10240x128xf32, #tpu.memory_space<vmem_shared>>) offsets(%dma_start3A_305 : memref<80xi32, #tpu.memory_space<vmem>>) semaphore(%run_scoped3A_302 : memref<!tpu.dma_semaphore, #tpu.memory_space<semaphore_mem>>) {add = true}
      %dma_wait3A_309 = arith.constant 0 : i32
      %dma_wait3A_310 = tpu.memref_slice %arg9[%run_scoped3A, %dma_wait3A_309] : memref<125x80xi32, #tpu.memory_space<vmem>> -> memref<1x80xi32, #tpu.memory_space<vmem>>
      %dma_wait3A_311 = tpu.memref_squeeze %dma_wait3A_310 : memref<1x80xi32, #tpu.memory_space<vmem>> -> memref<80xi32, #tpu.memory_space<vmem>>
      %dma_wait3A_312 = arith.constant 0 : i32
      %dma_wait3A_313 = arith.constant 0 : i32
      %dma_wait3A_314 = tpu.memref_slice %arg7[%dma_wait3A_312, %dma_wait3A_313] : memref<10240x128xf32, #tpu.memory_space<vmem_shared>> -> memref<10240x128xf32, #tpu.memory_space<vmem_shared>>
      tpu.wait_indirect_dma semaphore(%run_scoped3A_302 : memref<!tpu.dma_semaphore, #tpu.memory_space<semaphore_mem>>) src(%arg10 : memref<80x128xf32, #tpu.memory_space<vmem>>) dst(%dma_wait3A_314 : memref<10240x128xf32, #tpu.memory_space<vmem_shared>>)
      tpu.yield
    }) : () -> ()
    %barrier3A_112 = arith.constant 0 : index
    tpu.barrier barrier_id(%barrier3A_112)
    %mul3A_113 = arith.constant 10240 : i32
    %mul3A_114 = arith.muli %arg0, %mul3A_113 : i32
    %add3A_115 = arith.addi %mul3A_114, %mul3A_2 : i32
    %add3A_116 = arith.constant 0 : i32
    %add3A_117 = arith.addi %mul3A_2, %add3A_116 : i32
    %dma_start3A_118 = arith.constant 0 : i32
    %dma_start3A_119 = tpu.memref_slice %arg7[%add3A_117, %dma_start3A_118] : memref<10240x128xf32, #tpu.memory_space<vmem_shared>> -> memref<80x128xf32, #tpu.memory_space<vmem_shared>>
    %dma_start3A_120 = arith.constant 0 : i32
    %dma_start3A_121 = tpu.memref_slice %arg7[%add3A_117, %dma_start3A_120] : memref<10240x128xf32, #tpu.memory_space<vmem_shared>> -> memref<80x128xf32, #tpu.memory_space<vmem_shared>>
    tpu.enqueue_dma source(%dma_start3A_121 : memref<80x128xf32, #tpu.memory_space<vmem_shared>>) target(%arg10 : memref<80x128xf32, #tpu.memory_space<vmem>>) target_semaphore(%arg12 : memref<!tpu.dma_semaphore, #tpu.memory_space<semaphore_mem>>)
    %add3A_122 = arith.constant 0 : i32
    %add3A_123 = arith.addi %mul3A_2, %add3A_122 : i32
    %dma_wait3A_124 = arith.constant 0 : i32
    %dma_wait3A_125 = tpu.memref_slice %arg7[%add3A_123, %dma_wait3A_124] : memref<10240x128xf32, #tpu.memory_space<vmem_shared>> -> memref<80x128xf32, #tpu.memory_space<vmem_shared>>
    %dma_wait3A_126 = arith.constant 0 : i32
    %dma_wait3A_127 = tpu.memref_slice %arg7[%add3A_123, %dma_wait3A_126] : memref<10240x128xf32, #tpu.memory_space<vmem_shared>> -> memref<80x128xf32, #tpu.memory_space<vmem_shared>>
    tpu.wait_dma2 semaphore(%arg12 : memref<!tpu.dma_semaphore, #tpu.memory_space<semaphore_mem>>) src(%dma_wait3A_127 : memref<80x128xf32, #tpu.memory_space<vmem_shared>>) dst(%arg10 : memref<80x128xf32, #tpu.memory_space<vmem>>)
    %add3A_128 = arith.constant 0 : i32
    %add3A_129 = arith.addi %add3A_115, %add3A_128 : i32
    %dma_start3A_130 = arith.constant 0 : i32
    %dma_start3A_131 = tpu.memref_slice %arg6[%add3A_129, %dma_start3A_130] : memref<20480x128xf32, #tpu.memory_space<hbm>> -> memref<80x128xf32, #tpu.memory_space<hbm>>
    %dma_start3A_132 = arith.constant 0 : i32
    %dma_start3A_133 = tpu.memref_slice %arg6[%add3A_129, %dma_start3A_132] : memref<20480x128xf32, #tpu.memory_space<hbm>> -> memref<80x128xf32, #tpu.memory_space<hbm>>
    tpu.enqueue_dma source(%arg10 : memref<80x128xf32, #tpu.memory_space<vmem>>) target(%dma_start3A_133 : memref<80x128xf32, #tpu.memory_space<hbm>>) target_semaphore(%arg14 : memref<!tpu.dma_semaphore, #tpu.memory_space<semaphore_mem>>)
    %add3A_134 = arith.constant 80 : i32
    %add3A_135 = arith.addi %mul3A_2, %add3A_134 : i32
    %dma_start3A_136 = arith.constant 0 : i32
    %dma_start3A_137 = tpu.memref_slice %arg7[%add3A_135, %dma_start3A_136] : memref<10240x128xf32, #tpu.memory_space<vmem_shared>> -> memref<80x128xf32, #tpu.memory_space<vmem_shared>>
    %dma_start3A_138 = arith.constant 0 : i32
    %dma_start3A_139 = tpu.memref_slice %arg7[%add3A_135, %dma_start3A_138] : memref<10240x128xf32, #tpu.memory_space<vmem_shared>> -> memref<80x128xf32, #tpu.memory_space<vmem_shared>>
    tpu.enqueue_dma source(%dma_start3A_139 : memref<80x128xf32, #tpu.memory_space<vmem_shared>>) target(%arg11 : memref<80x128xf32, #tpu.memory_space<vmem>>) target_semaphore(%arg13 : memref<!tpu.dma_semaphore, #tpu.memory_space<semaphore_mem>>)
    %add3A_140 = arith.constant 80 : i32
    %add3A_141 = arith.addi %mul3A_2, %add3A_140 : i32
    %dma_wait3A_142 = arith.constant 0 : i32
    %dma_wait3A_143 = tpu.memref_slice %arg7[%add3A_141, %dma_wait3A_142] : memref<10240x128xf32, #tpu.memory_space<vmem_shared>> -> memref<80x128xf32, #tpu.memory_space<vmem_shared>>
    %dma_wait3A_144 = arith.constant 0 : i32
    %dma_wait3A_145 = tpu.memref_slice %arg7[%add3A_141, %dma_wait3A_144] : memref<10240x128xf32, #tpu.memory_space<vmem_shared>> -> memref<80x128xf32, #tpu.memory_space<vmem_shared>>
    tpu.wait_dma2 semaphore(%arg13 : memref<!tpu.dma_semaphore, #tpu.memory_space<semaphore_mem>>) src(%dma_wait3A_145 : memref<80x128xf32, #tpu.memory_space<vmem_shared>>) dst(%arg11 : memref<80x128xf32, #tpu.memory_space<vmem>>)
    %add3A_146 = arith.constant 80 : i32
    %add3A_147 = arith.addi %add3A_115, %add3A_146 : i32
    %dma_start3A_148 = arith.constant 0 : i32
    %dma_start3A_149 = tpu.memref_slice %arg6[%add3A_147, %dma_start3A_148] : memref<20480x128xf32, #tpu.memory_space<hbm>> -> memref<80x128xf32, #tpu.memory_space<hbm>>
    %dma_start3A_150 = arith.constant 0 : i32
    %dma_start3A_151 = tpu.memref_slice %arg6[%add3A_147, %dma_start3A_150] : memref<20480x128xf32, #tpu.memory_space<hbm>> -> memref<80x128xf32, #tpu.memory_space<hbm>>
    tpu.enqueue_dma source(%arg11 : memref<80x128xf32, #tpu.memory_space<vmem>>) target(%dma_start3A_151 : memref<80x128xf32, #tpu.memory_space<hbm>>) target_semaphore(%arg15 : memref<!tpu.dma_semaphore, #tpu.memory_space<semaphore_mem>>)
    %add3A_152 = arith.constant 0 : i32
    %add3A_153 = arith.addi %add3A_115, %add3A_152 : i32
    %dma_wait3A_154 = arith.constant 0 : i32
    %dma_wait3A_155 = tpu.memref_slice %arg6[%add3A_153, %dma_wait3A_154] : memref<20480x128xf32, #tpu.memory_space<hbm>> -> memref<80x128xf32, #tpu.memory_space<hbm>>
    %dma_wait3A_156 = arith.constant 0 : i32
    %dma_wait3A_157 = tpu.memref_slice %arg6[%add3A_153, %dma_wait3A_156] : memref<20480x128xf32, #tpu.memory_space<hbm>> -> memref<80x128xf32, #tpu.memory_space<hbm>>
    tpu.wait_dma2 semaphore(%arg14 : memref<!tpu.dma_semaphore, #tpu.memory_space<semaphore_mem>>) src(%arg10 : memref<80x128xf32, #tpu.memory_space<vmem>>) dst(%dma_wait3A_157 : memref<80x128xf32, #tpu.memory_space<hbm>>)
    %add3A_158 = arith.constant 160 : i32
    %add3A_159 = arith.addi %mul3A_2, %add3A_158 : i32
    %dma_start3A_160 = arith.constant 0 : i32
    %dma_start3A_161 = tpu.memref_slice %arg7[%add3A_159, %dma_start3A_160] : memref<10240x128xf32, #tpu.memory_space<vmem_shared>> -> memref<80x128xf32, #tpu.memory_space<vmem_shared>>
    %dma_start3A_162 = arith.constant 0 : i32
    %dma_start3A_163 = tpu.memref_slice %arg7[%add3A_159, %dma_start3A_162] : memref<10240x128xf32, #tpu.memory_space<vmem_shared>> -> memref<80x128xf32, #tpu.memory_space<vmem_shared>>
    tpu.enqueue_dma source(%dma_start3A_163 : memref<80x128xf32, #tpu.memory_space<vmem_shared>>) target(%arg10 : memref<80x128xf32, #tpu.memory_space<vmem>>) target_semaphore(%arg12 : memref<!tpu.dma_semaphore, #tpu.memory_space<semaphore_mem>>)
    %add3A_164 = arith.constant 160 : i32
    %add3A_165 = arith.addi %mul3A_2, %add3A_164 : i32
    %dma_wait3A_166 = arith.constant 0 : i32
    %dma_wait3A_167 = tpu.memref_slice %arg7[%add3A_165, %dma_wait3A_166] : memref<10240x128xf32, #tpu.memory_space<vmem_shared>> -> memref<80x128xf32, #tpu.memory_space<vmem_shared>>
    %dma_wait3A_168 = arith.constant 0 : i32
    %dma_wait3A_169 = tpu.memref_slice %arg7[%add3A_165, %dma_wait3A_168] : memref<10240x128xf32, #tpu.memory_space<vmem_shared>> -> memref<80x128xf32, #tpu.memory_space<vmem_shared>>
    tpu.wait_dma2 semaphore(%arg12 : memref<!tpu.dma_semaphore, #tpu.memory_space<semaphore_mem>>) src(%dma_wait3A_169 : memref<80x128xf32, #tpu.memory_space<vmem_shared>>) dst(%arg10 : memref<80x128xf32, #tpu.memory_space<vmem>>)
    %add3A_170 = arith.constant 160 : i32
    %add3A_171 = arith.addi %add3A_115, %add3A_170 : i32
    %dma_start3A_172 = arith.constant 0 : i32
    %dma_start3A_173 = tpu.memref_slice %arg6[%add3A_171, %dma_start3A_172] : memref<20480x128xf32, #tpu.memory_space<hbm>> -> memref<80x128xf32, #tpu.memory_space<hbm>>
    %dma_start3A_174 = arith.constant 0 : i32
    %dma_start3A_175 = tpu.memref_slice %arg6[%add3A_171, %dma_start3A_174] : memref<20480x128xf32, #tpu.memory_space<hbm>> -> memref<80x128xf32, #tpu.memory_space<hbm>>
    tpu.enqueue_dma source(%arg10 : memref<80x128xf32, #tpu.memory_space<vmem>>) target(%dma_start3A_175 : memref<80x128xf32, #tpu.memory_space<hbm>>) target_semaphore(%arg14 : memref<!tpu.dma_semaphore, #tpu.memory_space<semaphore_mem>>)
    %add3A_176 = arith.constant 80 : i32
    %add3A_177 = arith.addi %add3A_115, %add3A_176 : i32
    %dma_wait3A_178 = arith.constant 0 : i32
    %dma_wait3A_179 = tpu.memref_slice %arg6[%add3A_177, %dma_wait3A_178] : memref<20480x128xf32, #tpu.memory_space<hbm>> -> memref<80x128xf32, #tpu.memory_space<hbm>>
    %dma_wait3A_180 = arith.constant 0 : i32
    %dma_wait3A_181 = tpu.memref_slice %arg6[%add3A_177, %dma_wait3A_180] : memref<20480x128xf32, #tpu.memory_space<hbm>> -> memref<80x128xf32, #tpu.memory_space<hbm>>
    tpu.wait_dma2 semaphore(%arg15 : memref<!tpu.dma_semaphore, #tpu.memory_space<semaphore_mem>>) src(%arg11 : memref<80x128xf32, #tpu.memory_space<vmem>>) dst(%dma_wait3A_181 : memref<80x128xf32, #tpu.memory_space<hbm>>)
    %add3A_182 = arith.constant 240 : i32
    %add3A_183 = arith.addi %mul3A_2, %add3A_182 : i32
    %dma_start3A_184 = arith.constant 0 : i32
    %dma_start3A_185 = tpu.memref_slice %arg7[%add3A_183, %dma_start3A_184] : memref<10240x128xf32, #tpu.memory_space<vmem_shared>> -> memref<80x128xf32, #tpu.memory_space<vmem_shared>>
    %dma_start3A_186 = arith.constant 0 : i32
    %dma_start3A_187 = tpu.memref_slice %arg7[%add3A_183, %dma_start3A_186] : memref<10240x128xf32, #tpu.memory_space<vmem_shared>> -> memref<80x128xf32, #tpu.memory_space<vmem_shared>>
    tpu.enqueue_dma source(%dma_start3A_187 : memref<80x128xf32, #tpu.memory_space<vmem_shared>>) target(%arg11 : memref<80x128xf32, #tpu.memory_space<vmem>>) target_semaphore(%arg13 : memref<!tpu.dma_semaphore, #tpu.memory_space<semaphore_mem>>)
    %add3A_188 = arith.constant 240 : i32
    %add3A_189 = arith.addi %mul3A_2, %add3A_188 : i32
    %dma_wait3A_190 = arith.constant 0 : i32
    %dma_wait3A_191 = tpu.memref_slice %arg7[%add3A_189, %dma_wait3A_190] : memref<10240x128xf32, #tpu.memory_space<vmem_shared>> -> memref<80x128xf32, #tpu.memory_space<vmem_shared>>
    %dma_wait3A_192 = arith.constant 0 : i32
    %dma_wait3A_193 = tpu.memref_slice %arg7[%add3A_189, %dma_wait3A_192] : memref<10240x128xf32, #tpu.memory_space<vmem_shared>> -> memref<80x128xf32, #tpu.memory_space<vmem_shared>>
    tpu.wait_dma2 semaphore(%arg13 : memref<!tpu.dma_semaphore, #tpu.memory_space<semaphore_mem>>) src(%dma_wait3A_193 : memref<80x128xf32, #tpu.memory_space<vmem_shared>>) dst(%arg11 : memref<80x128xf32, #tpu.memory_space<vmem>>)
    %add3A_194 = arith.constant 240 : i32
    %add3A_195 = arith.addi %add3A_115, %add3A_194 : i32
    %dma_start3A_196 = arith.constant 0 : i32
    %dma_start3A_197 = tpu.memref_slice %arg6[%add3A_195, %dma_start3A_196] : memref<20480x128xf32, #tpu.memory_space<hbm>> -> memref<80x128xf32, #tpu.memory_space<hbm>>
    %dma_start3A_198 = arith.constant 0 : i32
    %dma_start3A_199 = tpu.memref_slice %arg6[%add3A_195, %dma_start3A_198] : memref<20480x128xf32, #tpu.memory_space<hbm>> -> memref<80x128xf32, #tpu.memory_space<hbm>>
    tpu.enqueue_dma source(%arg11 : memref<80x128xf32, #tpu.memory_space<vmem>>) target(%dma_start3A_199 : memref<80x128xf32, #tpu.memory_space<hbm>>) target_semaphore(%arg15 : memref<!tpu.dma_semaphore, #tpu.memory_space<semaphore_mem>>)
    %add3A_200 = arith.constant 160 : i32
    %add3A_201 = arith.addi %add3A_115, %add3A_200 : i32
    %dma_wait3A_202 = arith.constant 0 : i32
    %dma_wait3A_203 = tpu.memref_slice %arg6[%add3A_201, %dma_wait3A_202] : memref<20480x128xf32, #tpu.memory_space<hbm>> -> memref<80x128xf32, #tpu.memory_space<hbm>>
    %dma_wait3A_204 = arith.constant 0 : i32
    %dma_wait3A_205 = tpu.memref_slice %arg6[%add3A_201, %dma_wait3A_204] : memref<20480x128xf32, #tpu.memory_space<hbm>> -> memref<80x128xf32, #tpu.memory_space<hbm>>
    tpu.wait_dma2 semaphore(%arg14 : memref<!tpu.dma_semaphore, #tpu.memory_space<semaphore_mem>>) src(%arg10 : memref<80x128xf32, #tpu.memory_space<vmem>>) dst(%dma_wait3A_205 : memref<80x128xf32, #tpu.memory_space<hbm>>)
    %add3A_206 = arith.constant 320 : i32
    %add3A_207 = arith.addi %mul3A_2, %add3A_206 : i32
    %dma_start3A_208 = arith.constant 0 : i32
    %dma_start3A_209 = tpu.memref_slice %arg7[%add3A_207, %dma_start3A_208] : memref<10240x128xf32, #tpu.memory_space<vmem_shared>> -> memref<80x128xf32, #tpu.memory_space<vmem_shared>>
    %dma_start3A_210 = arith.constant 0 : i32
    %dma_start3A_211 = tpu.memref_slice %arg7[%add3A_207, %dma_start3A_210] : memref<10240x128xf32, #tpu.memory_space<vmem_shared>> -> memref<80x128xf32, #tpu.memory_space<vmem_shared>>
    tpu.enqueue_dma source(%dma_start3A_211 : memref<80x128xf32, #tpu.memory_space<vmem_shared>>) target(%arg10 : memref<80x128xf32, #tpu.memory_space<vmem>>) target_semaphore(%arg12 : memref<!tpu.dma_semaphore, #tpu.memory_space<semaphore_mem>>)
    %add3A_212 = arith.constant 320 : i32
    %add3A_213 = arith.addi %mul3A_2, %add3A_212 : i32
    %dma_wait3A_214 = arith.constant 0 : i32
    %dma_wait3A_215 = tpu.memref_slice %arg7[%add3A_213, %dma_wait3A_214] : memref<10240x128xf32, #tpu.memory_space<vmem_shared>> -> memref<80x128xf32, #tpu.memory_space<vmem_shared>>
    %dma_wait3A_216 = arith.constant 0 : i32
    %dma_wait3A_217 = tpu.memref_slice %arg7[%add3A_213, %dma_wait3A_216] : memref<10240x128xf32, #tpu.memory_space<vmem_shared>> -> memref<80x128xf32, #tpu.memory_space<vmem_shared>>
    tpu.wait_dma2 semaphore(%arg12 : memref<!tpu.dma_semaphore, #tpu.memory_space<semaphore_mem>>) src(%dma_wait3A_217 : memref<80x128xf32, #tpu.memory_space<vmem_shared>>) dst(%arg10 : memref<80x128xf32, #tpu.memory_space<vmem>>)
    %add3A_218 = arith.constant 320 : i32
    %add3A_219 = arith.addi %add3A_115, %add3A_218 : i32
    %dma_start3A_220 = arith.constant 0 : i32
    %dma_start3A_221 = tpu.memref_slice %arg6[%add3A_219, %dma_start3A_220] : memref<20480x128xf32, #tpu.memory_space<hbm>> -> memref<80x128xf32, #tpu.memory_space<hbm>>
    %dma_start3A_222 = arith.constant 0 : i32
    %dma_start3A_223 = tpu.memref_slice %arg6[%add3A_219, %dma_start3A_222] : memref<20480x128xf32, #tpu.memory_space<hbm>> -> memref<80x128xf32, #tpu.memory_space<hbm>>
    tpu.enqueue_dma source(%arg10 : memref<80x128xf32, #tpu.memory_space<vmem>>) target(%dma_start3A_223 : memref<80x128xf32, #tpu.memory_space<hbm>>) target_semaphore(%arg14 : memref<!tpu.dma_semaphore, #tpu.memory_space<semaphore_mem>>)
    %add3A_224 = arith.constant 240 : i32
    %add3A_225 = arith.addi %add3A_115, %add3A_224 : i32
    %dma_wait3A_226 = arith.constant 0 : i32
    %dma_wait3A_227 = tpu.memref_slice %arg6[%add3A_225, %dma_wait3A_226] : memref<20480x128xf32, #tpu.memory_space<hbm>> -> memref<80x128xf32, #tpu.memory_space<hbm>>
    %dma_wait3A_228 = arith.constant 0 : i32
    %dma_wait3A_229 = tpu.memref_slice %arg6[%add3A_225, %dma_wait3A_228] : memref<20480x128xf32, #tpu.memory_space<hbm>> -> memref<80x128xf32, #tpu.memory_space<hbm>>
    tpu.wait_dma2 semaphore(%arg15 : memref<!tpu.dma_semaphore, #tpu.memory_space<semaphore_mem>>) src(%arg11 : memref<80x128xf32, #tpu.memory_space<vmem>>) dst(%dma_wait3A_229 : memref<80x128xf32, #tpu.memory_space<hbm>>)
    %add3A_230 = arith.constant 400 : i32
    %add3A_231 = arith.addi %mul3A_2, %add3A_230 : i32
    %dma_start3A_232 = arith.constant 0 : i32
    %dma_start3A_233 = tpu.memref_slice %arg7[%add3A_231, %dma_start3A_232] : memref<10240x128xf32, #tpu.memory_space<vmem_shared>> -> memref<80x128xf32, #tpu.memory_space<vmem_shared>>
    %dma_start3A_234 = arith.constant 0 : i32
    %dma_start3A_235 = tpu.memref_slice %arg7[%add3A_231, %dma_start3A_234] : memref<10240x128xf32, #tpu.memory_space<vmem_shared>> -> memref<80x128xf32, #tpu.memory_space<vmem_shared>>
    tpu.enqueue_dma source(%dma_start3A_235 : memref<80x128xf32, #tpu.memory_space<vmem_shared>>) target(%arg11 : memref<80x128xf32, #tpu.memory_space<vmem>>) target_semaphore(%arg13 : memref<!tpu.dma_semaphore, #tpu.memory_space<semaphore_mem>>)
    %add3A_236 = arith.constant 400 : i32
    %add3A_237 = arith.addi %mul3A_2, %add3A_236 : i32
    %dma_wait3A_238 = arith.constant 0 : i32
    %dma_wait3A_239 = tpu.memref_slice %arg7[%add3A_237, %dma_wait3A_238] : memref<10240x128xf32, #tpu.memory_space<vmem_shared>> -> memref<80x128xf32, #tpu.memory_space<vmem_shared>>
    %dma_wait3A_240 = arith.constant 0 : i32
    %dma_wait3A_241 = tpu.memref_slice %arg7[%add3A_237, %dma_wait3A_240] : memref<10240x128xf32, #tpu.memory_space<vmem_shared>> -> memref<80x128xf32, #tpu.memory_space<vmem_shared>>
    tpu.wait_dma2 semaphore(%arg13 : memref<!tpu.dma_semaphore, #tpu.memory_space<semaphore_mem>>) src(%dma_wait3A_241 : memref<80x128xf32, #tpu.memory_space<vmem_shared>>) dst(%arg11 : memref<80x128xf32, #tpu.memory_space<vmem>>)
    %add3A_242 = arith.constant 400 : i32
    %add3A_243 = arith.addi %add3A_115, %add3A_242 : i32
    %dma_start3A_244 = arith.constant 0 : i32
    %dma_start3A_245 = tpu.memref_slice %arg6[%add3A_243, %dma_start3A_244] : memref<20480x128xf32, #tpu.memory_space<hbm>> -> memref<80x128xf32, #tpu.memory_space<hbm>>
    %dma_start3A_246 = arith.constant 0 : i32
    %dma_start3A_247 = tpu.memref_slice %arg6[%add3A_243, %dma_start3A_246] : memref<20480x128xf32, #tpu.memory_space<hbm>> -> memref<80x128xf32, #tpu.memory_space<hbm>>
    tpu.enqueue_dma source(%arg11 : memref<80x128xf32, #tpu.memory_space<vmem>>) target(%dma_start3A_247 : memref<80x128xf32, #tpu.memory_space<hbm>>) target_semaphore(%arg15 : memref<!tpu.dma_semaphore, #tpu.memory_space<semaphore_mem>>)
    %add3A_248 = arith.constant 320 : i32
    %add3A_249 = arith.addi %add3A_115, %add3A_248 : i32
    %dma_wait3A_250 = arith.constant 0 : i32
    %dma_wait3A_251 = tpu.memref_slice %arg6[%add3A_249, %dma_wait3A_250] : memref<20480x128xf32, #tpu.memory_space<hbm>> -> memref<80x128xf32, #tpu.memory_space<hbm>>
    %dma_wait3A_252 = arith.constant 0 : i32
    %dma_wait3A_253 = tpu.memref_slice %arg6[%add3A_249, %dma_wait3A_252] : memref<20480x128xf32, #tpu.memory_space<hbm>> -> memref<80x128xf32, #tpu.memory_space<hbm>>
    tpu.wait_dma2 semaphore(%arg14 : memref<!tpu.dma_semaphore, #tpu.memory_space<semaphore_mem>>) src(%arg10 : memref<80x128xf32, #tpu.memory_space<vmem>>) dst(%dma_wait3A_253 : memref<80x128xf32, #tpu.memory_space<hbm>>)
    %add3A_254 = arith.constant 480 : i32
    %add3A_255 = arith.addi %mul3A_2, %add3A_254 : i32
    %dma_start3A_256 = arith.constant 0 : i32
    %dma_start3A_257 = tpu.memref_slice %arg7[%add3A_255, %dma_start3A_256] : memref<10240x128xf32, #tpu.memory_space<vmem_shared>> -> memref<80x128xf32, #tpu.memory_space<vmem_shared>>
    %dma_start3A_258 = arith.constant 0 : i32
    %dma_start3A_259 = tpu.memref_slice %arg7[%add3A_255, %dma_start3A_258] : memref<10240x128xf32, #tpu.memory_space<vmem_shared>> -> memref<80x128xf32, #tpu.memory_space<vmem_shared>>
    tpu.enqueue_dma source(%dma_start3A_259 : memref<80x128xf32, #tpu.memory_space<vmem_shared>>) target(%arg10 : memref<80x128xf32, #tpu.memory_space<vmem>>) target_semaphore(%arg12 : memref<!tpu.dma_semaphore, #tpu.memory_space<semaphore_mem>>)
    %add3A_260 = arith.constant 480 : i32
    %add3A_261 = arith.addi %mul3A_2, %add3A_260 : i32
    %dma_wait3A_262 = arith.constant 0 : i32
    %dma_wait3A_263 = tpu.memref_slice %arg7[%add3A_261, %dma_wait3A_262] : memref<10240x128xf32, #tpu.memory_space<vmem_shared>> -> memref<80x128xf32, #tpu.memory_space<vmem_shared>>
    %dma_wait3A_264 = arith.constant 0 : i32
    %dma_wait3A_265 = tpu.memref_slice %arg7[%add3A_261, %dma_wait3A_264] : memref<10240x128xf32, #tpu.memory_space<vmem_shared>> -> memref<80x128xf32, #tpu.memory_space<vmem_shared>>
    tpu.wait_dma2 semaphore(%arg12 : memref<!tpu.dma_semaphore, #tpu.memory_space<semaphore_mem>>) src(%dma_wait3A_265 : memref<80x128xf32, #tpu.memory_space<vmem_shared>>) dst(%arg10 : memref<80x128xf32, #tpu.memory_space<vmem>>)
    %add3A_266 = arith.constant 480 : i32
    %add3A_267 = arith.addi %add3A_115, %add3A_266 : i32
    %dma_start3A_268 = arith.constant 0 : i32
    %dma_start3A_269 = tpu.memref_slice %arg6[%add3A_267, %dma_start3A_268] : memref<20480x128xf32, #tpu.memory_space<hbm>> -> memref<80x128xf32, #tpu.memory_space<hbm>>
    %dma_start3A_270 = arith.constant 0 : i32
    %dma_start3A_271 = tpu.memref_slice %arg6[%add3A_267, %dma_start3A_270] : memref<20480x128xf32, #tpu.memory_space<hbm>> -> memref<80x128xf32, #tpu.memory_space<hbm>>
    tpu.enqueue_dma source(%arg10 : memref<80x128xf32, #tpu.memory_space<vmem>>) target(%dma_start3A_271 : memref<80x128xf32, #tpu.memory_space<hbm>>) target_semaphore(%arg14 : memref<!tpu.dma_semaphore, #tpu.memory_space<semaphore_mem>>)
    %add3A_272 = arith.constant 400 : i32
    %add3A_273 = arith.addi %add3A_115, %add3A_272 : i32
    %dma_wait3A_274 = arith.constant 0 : i32
    %dma_wait3A_275 = tpu.memref_slice %arg6[%add3A_273, %dma_wait3A_274] : memref<20480x128xf32, #tpu.memory_space<hbm>> -> memref<80x128xf32, #tpu.memory_space<hbm>>
    %dma_wait3A_276 = arith.constant 0 : i32
    %dma_wait3A_277 = tpu.memref_slice %arg6[%add3A_273, %dma_wait3A_276] : memref<20480x128xf32, #tpu.memory_space<hbm>> -> memref<80x128xf32, #tpu.memory_space<hbm>>
    tpu.wait_dma2 semaphore(%arg15 : memref<!tpu.dma_semaphore, #tpu.memory_space<semaphore_mem>>) src(%arg11 : memref<80x128xf32, #tpu.memory_space<vmem>>) dst(%dma_wait3A_277 : memref<80x128xf32, #tpu.memory_space<hbm>>)
    %add3A_278 = arith.constant 560 : i32
    %add3A_279 = arith.addi %mul3A_2, %add3A_278 : i32
    %dma_start3A_280 = arith.constant 0 : i32
    %dma_start3A_281 = tpu.memref_slice %arg7[%add3A_279, %dma_start3A_280] : memref<10240x128xf32, #tpu.memory_space<vmem_shared>> -> memref<80x128xf32, #tpu.memory_space<vmem_shared>>
    %dma_start3A_282 = arith.constant 0 : i32
    %dma_start3A_283 = tpu.memref_slice %arg7[%add3A_279, %dma_start3A_282] : memref<10240x128xf32, #tpu.memory_space<vmem_shared>> -> memref<80x128xf32, #tpu.memory_space<vmem_shared>>
    tpu.enqueue_dma source(%dma_start3A_283 : memref<80x128xf32, #tpu.memory_space<vmem_shared>>) target(%arg11 : memref<80x128xf32, #tpu.memory_space<vmem>>) target_semaphore(%arg13 : memref<!tpu.dma_semaphore, #tpu.memory_space<semaphore_mem>>)
    %add3A_284 = arith.constant 560 : i32
    %add3A_285 = arith.addi %mul3A_2, %add3A_284 : i32
    %dma_wait3A_286 = arith.constant 0 : i32
    %dma_wait3A_287 = tpu.memref_slice %arg7[%add3A_285, %dma_wait3A_286] : memref<10240x128xf32, #tpu.memory_space<vmem_shared>> -> memref<80x128xf32, #tpu.memory_space<vmem_shared>>
    %dma_wait3A_288 = arith.constant 0 : i32
    %dma_wait3A_289 = tpu.memref_slice %arg7[%add3A_285, %dma_wait3A_288] : memref<10240x128xf32, #tpu.memory_space<vmem_shared>> -> memref<80x128xf32, #tpu.memory_space<vmem_shared>>
    tpu.wait_dma2 semaphore(%arg13 : memref<!tpu.dma_semaphore, #tpu.memory_space<semaphore_mem>>) src(%dma_wait3A_289 : memref<80x128xf32, #tpu.memory_space<vmem_shared>>) dst(%arg11 : memref<80x128xf32, #tpu.memory_space<vmem>>)
    %add3A_290 = arith.constant 560 : i32
    %add3A_291 = arith.addi %add3A_115, %add3A_290 : i32
    %dma_start3A_292 = arith.constant 0 : i32
    %dma_start3A_293 = tpu.memref_slice %arg6[%add3A_291, %dma_start3A_292] : memref<20480x128xf32, #tpu.memory_space<hbm>> -> memref<80x128xf32, #tpu.memory_space<hbm>>
    %dma_start3A_294 = arith.constant 0 : i32
    %dma_start3A_295 = tpu.memref_slice %arg6[%add3A_291, %dma_start3A_294] : memref<20480x128xf32, #tpu.memory_space<hbm>> -> memref<80x128xf32, #tpu.memory_space<hbm>>
    tpu.enqueue_dma source(%arg11 : memref<80x128xf32, #tpu.memory_space<vmem>>) target(%dma_start3A_295 : memref<80x128xf32, #tpu.memory_space<hbm>>) target_semaphore(%arg15 : memref<!tpu.dma_semaphore, #tpu.memory_space<semaphore_mem>>)
    %add3A_296 = arith.constant 560 : i32
    %add3A_297 = arith.addi %add3A_115, %add3A_296 : i32
    %dma_wait3A_298 = arith.constant 0 : i32
    %dma_wait3A_299 = tpu.memref_slice %arg6[%add3A_297, %dma_wait3A_298] : memref<20480x128xf32, #tpu.memory_space<hbm>> -> memref<80x128xf32, #tpu.memory_space<hbm>>
    %dma_wait3A_300 = arith.constant 0 : i32
    %dma_wait3A_301 = tpu.memref_slice %arg6[%add3A_297, %dma_wait3A_300] : memref<20480x128xf32, #tpu.memory_space<hbm>> -> memref<80x128xf32, #tpu.memory_space<hbm>>
    tpu.wait_dma2 semaphore(%arg15 : memref<!tpu.dma_semaphore, #tpu.memory_space<semaphore_mem>>) src(%arg11 : memref<80x128xf32, #tpu.memory_space<vmem>>) dst(%dma_wait3A_301 : memref<80x128xf32, #tpu.memory_space<hbm>>)
    return
  }
}

module attributes {stable_mosaic.version = 14 : i64} {
  func.func @_embed_body(%arg0: i32, %arg1: memref<2048x128xf32, #tpu.memory_space<vmem>>, %arg2: memref<128x128xf32, #tpu.memory_space<vmem>>, %arg3: memref<1x128xf32, #tpu.memory_space<vmem>>, %arg4: memref<2048x128xf32, #tpu.memory_space<vmem>>) attributes {dimension_semantics = [#tpu.dimension_semantics<arbitrary>], iteration_bounds = array<i64: 5>, scalar_prefetch = 0 : i64, scratch_operands = 0 : i64, tpu.core_type = #tpu.core_type<tc>, window_params = [{transform_indices = @transform_0, window_bounds = array<i64: 2048, 128>}, {pipeline_mode = #tpu.pipeline_mode<synchronous>, transform_indices = @transform_1, window_bounds = array<i64: 128, 128>}, {pipeline_mode = #tpu.pipeline_mode<synchronous>, transform_indices = @transform_2, window_bounds = array<i64: 1, 128>}, {transform_indices = @transform_3, window_bounds = array<i64: 2048, 128>}]} {
    %get3A = arith.constant 0 : index
    %get3A_0 = arith.constant 0 : index
    %get3A_1 = vector.load %arg1[%get3A, %get3A_0] : memref<2048x128xf32, #tpu.memory_space<vmem>>, vector<2048x128xf32>
    %get3A_2 = arith.constant 0 : index
    %get3A_3 = arith.constant 0 : index
    %get3A_4 = vector.load %arg2[%get3A_2, %get3A_3] : memref<128x128xf32, #tpu.memory_space<vmem>>, vector<128x128xf32>
    %dot_general3A = arith.constant dense<0.000000e+00> : vector<2048x128xf32>
    %dot_general3A_5 = tpu.matmul %get3A_1, %get3A_4, %dot_general3A {dimension_numbers = #tpu.dot_dimension_numbers<[1], [0], [0], [1], [0, 0, 1, 1], [], []>, transpose_lhs_hint = false} : vector<2048x128xf32>, vector<128x128xf32>, vector<2048x128xf32> -> vector<2048x128xf32>
    %get3A_6 = arith.constant 0 : index
    %get3A_7 = arith.constant 0 : index
    %get3A_8 = vector.load %arg3[%get3A_6, %get3A_7] : memref<1x128xf32, #tpu.memory_space<vmem>>, vector<1x128xf32>
    %add3A = vector.broadcast %get3A_8 : vector<1x128xf32> to vector<2048x128xf32>
    %add3A_9 = arith.addf %dot_general3A_5, %add3A : vector<2048x128xf32>
    %swap3A = arith.constant 0 : index
    %swap3A_10 = arith.constant 0 : index
    %swap3A_11 = vector.load %arg4[%swap3A, %swap3A_10] : memref<2048x128xf32, #tpu.memory_space<vmem>>, vector<2048x128xf32>
    tpu.vector_store %arg4[%swap3A, %swap3A_10], %add3A_9 {strides = array<i32>} : memref<2048x128xf32, #tpu.memory_space<vmem>>, vector<2048x128xf32>,
    return
  }
  func.func @transform_0(%arg0: i32) -> (i32, i32) {
    %c0_i32 = arith.constant 0 : i32
    %c0_i32_0 = arith.constant 0 : i32
    return %arg0, %c0_i32 : i32, i32
  }
  func.func @transform_1(%arg0: i32) -> (i32, i32) {
    %c0_i32 = arith.constant 0 : i32
    %c0_i32_0 = arith.constant 0 : i32
    %c0_i32_1 = arith.constant 0 : i32
    return %c0_i32, %c0_i32_0 : i32, i32
  }
  func.func @transform_2(%arg0: i32) -> (i32, i32) {
    %c0_i32 = arith.constant 0 : i32
    %c0_i32_0 = arith.constant 0 : i32
    %c0_i32_1 = arith.constant 0 : i32
    return %c0_i32, %c0_i32_0 : i32, i32
  }
  func.func @transform_3(%arg0: i32) -> (i32, i32) {
    %c0_i32 = arith.constant 0 : i32
    %c0_i32_0 = arith.constant 0 : i32
    return %arg0, %c0_i32 : i32, i32
  }
}

module attributes {stable_mosaic.version = 14 : i64} {
  func.func @_mlp_body(%arg0: i32, %arg1: memref<2048x128xf32, #tpu.memory_space<vmem>>, %arg2: memref<2048x128xf32, #tpu.memory_space<vmem>>, %arg3: memref<2048x128xf32, #tpu.memory_space<vmem>>, %arg4: memref<128x128xf32, #tpu.memory_space<vmem>>, %arg5: memref<1x128xf32, #tpu.memory_space<vmem>>, %arg6: memref<128x128xf32, #tpu.memory_space<vmem>>, %arg7: memref<1x128xf32, #tpu.memory_space<vmem>>, %arg8: memref<2048x128xf32, #tpu.memory_space<vmem>>) attributes {dimension_semantics = [#tpu.dimension_semantics<arbitrary>], iteration_bounds = array<i64: 5>, scalar_prefetch = 0 : i64, scratch_operands = 0 : i64, tpu.core_type = #tpu.core_type<tc>, window_params = [{transform_indices = @transform_0, window_bounds = array<i64: 2048, 128>}, {transform_indices = @transform_1, window_bounds = array<i64: 2048, 128>}, {transform_indices = @transform_2, window_bounds = array<i64: 2048, 128>}, {pipeline_mode = #tpu.pipeline_mode<synchronous>, transform_indices = @transform_3, window_bounds = array<i64: 128, 128>}, {pipeline_mode = #tpu.pipeline_mode<synchronous>, transform_indices = @transform_4, window_bounds = array<i64: 1, 128>}, {pipeline_mode = #tpu.pipeline_mode<synchronous>, transform_indices = @transform_5, window_bounds = array<i64: 128, 128>}, {pipeline_mode = #tpu.pipeline_mode<synchronous>, transform_indices = @transform_6, window_bounds = array<i64: 1, 128>}, {transform_indices = @transform_7, window_bounds = array<i64: 2048, 128>}]} {
    %get3A = arith.constant 0 : index
    %get3A_0 = arith.constant 0 : index
    %get3A_1 = vector.load %arg1[%get3A, %get3A_0] : memref<2048x128xf32, #tpu.memory_space<vmem>>, vector<2048x128xf32>
    %get3A_2 = arith.constant 0 : index
    %get3A_3 = arith.constant 0 : index
    %get3A_4 = vector.load %arg2[%get3A_2, %get3A_3] : memref<2048x128xf32, #tpu.memory_space<vmem>>, vector<2048x128xf32>
    %add3A = arith.addf %get3A_1, %get3A_4 : vector<2048x128xf32>
    %get3A_5 = arith.constant 0 : index
    %get3A_6 = arith.constant 0 : index
    %get3A_7 = vector.load %arg3[%get3A_5, %get3A_6] : memref<2048x128xf32, #tpu.memory_space<vmem>>, vector<2048x128xf32>
    %add3A_8 = arith.addf %add3A, %get3A_7 : vector<2048x128xf32>
    %get3A_9 = arith.constant 0 : index
    %get3A_10 = arith.constant 0 : index
    %get3A_11 = vector.load %arg4[%get3A_9, %get3A_10] : memref<128x128xf32, #tpu.memory_space<vmem>>, vector<128x128xf32>
    %dot_general3A = arith.constant dense<0.000000e+00> : vector<2048x128xf32>
    %dot_general3A_12 = tpu.matmul %add3A_8, %get3A_11, %dot_general3A {dimension_numbers = #tpu.dot_dimension_numbers<[1], [0], [0], [1], [0, 0, 1, 1], [], []>, transpose_lhs_hint = false} : vector<2048x128xf32>, vector<128x128xf32>, vector<2048x128xf32> -> vector<2048x128xf32>
    %get3A_13 = arith.constant 0 : index
    %get3A_14 = arith.constant 0 : index
    %get3A_15 = vector.load %arg5[%get3A_13, %get3A_14] : memref<1x128xf32, #tpu.memory_space<vmem>>, vector<1x128xf32>
    %add3A_16 = vector.broadcast %get3A_15 : vector<1x128xf32> to vector<2048x128xf32>
    %add3A_17 = arith.addf %dot_general3A_12, %add3A_16 : vector<2048x128xf32>
    %max3A = arith.constant 0.000000e+00 : f32
    %max3A_18 = vector.broadcast %max3A : f32 to vector<2048x128xf32>
    %max3A_19 = arith.maximumf %add3A_17, %max3A_18 : vector<2048x128xf32>
    %get3A_20 = arith.constant 0 : index
    %get3A_21 = arith.constant 0 : index
    %get3A_22 = vector.load %arg6[%get3A_20, %get3A_21] : memref<128x128xf32, #tpu.memory_space<vmem>>, vector<128x128xf32>
    %dot_general3A_23 = arith.constant dense<0.000000e+00> : vector<2048x128xf32>
    %dot_general3A_24 = tpu.matmul %max3A_19, %get3A_22, %dot_general3A_23 {dimension_numbers = #tpu.dot_dimension_numbers<[1], [0], [0], [1], [0, 0, 1, 1], [], []>, transpose_lhs_hint = false} : vector<2048x128xf32>, vector<128x128xf32>, vector<2048x128xf32> -> vector<2048x128xf32>
    %get3A_25 = arith.constant 0 : index
    %get3A_26 = arith.constant 0 : index
    %get3A_27 = vector.load %arg7[%get3A_25, %get3A_26] : memref<1x128xf32, #tpu.memory_space<vmem>>, vector<1x128xf32>
    %add3A_28 = vector.broadcast %get3A_27 : vector<1x128xf32> to vector<2048x128xf32>
    %add3A_29 = arith.addf %dot_general3A_24, %add3A_28 : vector<2048x128xf32>
    %max3A_30 = arith.constant 0.000000e+00 : f32
    %max3A_31 = vector.broadcast %max3A_30 : f32 to vector<2048x128xf32>
    %max3A_32 = arith.maximumf %add3A_29, %max3A_31 : vector<2048x128xf32>
    %swap3A = arith.constant 0 : index
    %swap3A_33 = arith.constant 0 : index
    %swap3A_34 = vector.load %arg8[%swap3A, %swap3A_33] : memref<2048x128xf32, #tpu.memory_space<vmem>>, vector<2048x128xf32>
    tpu.vector_store %arg8[%swap3A, %swap3A_33], %max3A_32 {strides = array<i32>} : memref<2048x128xf32, #tpu.memory_space<vmem>>, vector<2048x128xf32>,
    return
  }
  func.func @transform_0(%arg0: i32) -> (i32, i32) {
    %c0_i32 = arith.constant 0 : i32
    %c0_i32_0 = arith.constant 0 : i32
    return %arg0, %c0_i32 : i32, i32
  }
  func.func @transform_1(%arg0: i32) -> (i32, i32) {
    %c0_i32 = arith.constant 0 : i32
    %c0_i32_0 = arith.constant 0 : i32
    return %arg0, %c0_i32 : i32, i32
  }
  func.func @transform_2(%arg0: i32) -> (i32, i32) {
    %add3A = arith.constant 5 : i32
    %add3A_0 = arith.addi %arg0, %add3A : i32
    %c0_i32 = arith.constant 0 : i32
    %c0_i32_1 = arith.constant 0 : i32
    return %add3A_0, %c0_i32 : i32, i32
  }
  func.func @transform_3(%arg0: i32) -> (i32, i32) {
    %c0_i32 = arith.constant 0 : i32
    %c0_i32_0 = arith.constant 0 : i32
    %c0_i32_1 = arith.constant 0 : i32
    return %c0_i32, %c0_i32_0 : i32, i32
  }
  func.func @transform_4(%arg0: i32) -> (i32, i32) {
    %c0_i32 = arith.constant 0 : i32
    %c0_i32_0 = arith.constant 0 : i32
    %c0_i32_1 = arith.constant 0 : i32
    return %c0_i32, %c0_i32_0 : i32, i32
  }
  func.func @transform_5(%arg0: i32) -> (i32, i32) {
    %c0_i32 = arith.constant 0 : i32
    %c0_i32_0 = arith.constant 0 : i32
    %c0_i32_1 = arith.constant 0 : i32
    return %c0_i32, %c0_i32_0 : i32, i32
  }
  func.func @transform_6(%arg0: i32) -> (i32, i32) {
    %c0_i32 = arith.constant 0 : i32
    %c0_i32_0 = arith.constant 0 : i32
    %c0_i32_1 = arith.constant 0 : i32
    return %c0_i32, %c0_i32_0 : i32, i32
  }
  func.func @transform_7(%arg0: i32) -> (i32, i32) {
    %c0_i32 = arith.constant 0 : i32
    %c0_i32_0 = arith.constant 0 : i32
    return %arg0, %c0_i32 : i32, i32
  }
}

module attributes {stable_mosaic.version = 14 : i64} {
  func.func @_mlp_pool_body(%arg0: i32, %arg1: memref<2048x128xf32, #tpu.memory_space<vmem>>, %arg2: memref<2048x128xf32, #tpu.memory_space<vmem>>, %arg3: memref<2048x128xf32, #tpu.memory_space<vmem>>, %arg4: memref<128x128xf32, #tpu.memory_space<vmem>>, %arg5: memref<1x128xf32, #tpu.memory_space<vmem>>, %arg6: memref<128x128xf32, #tpu.memory_space<vmem>>, %arg7: memref<1x128xf32, #tpu.memory_space<vmem>>, %arg8: memref<1x1x2048xi32, #tpu.memory_space<vmem>>, %arg9: memref<128x128xf32, #tpu.memory_space<vmem>>, %arg10: memref<1x128xf32, #tpu.memory_space<vmem>>, %arg11: memref<128x1xf32, #tpu.memory_space<vmem>>, %arg12: memref<1x1xf32, #tpu.memory_space<vmem>>, %arg13: memref<256x1xf32, #tpu.memory_space<vmem>>, %arg14: memref<256x128xf32, #tpu.memory_space<vmem>>, %arg15: memref<256x128xf32, #tpu.memory_space<vmem>>) attributes {dimension_semantics = [#tpu.dimension_semantics<arbitrary>], iteration_bounds = array<i64: 5>, scalar_prefetch = 0 : i64, scratch_operands = 2 : i64, tpu.core_type = #tpu.core_type<tc>, window_params = [{transform_indices = @transform_0, window_bounds = array<i64: 2048, 128>}, {transform_indices = @transform_1, window_bounds = array<i64: 2048, 128>}, {transform_indices = @transform_2, window_bounds = array<i64: 2048, 128>}, {pipeline_mode = #tpu.pipeline_mode<synchronous>, transform_indices = @transform_3, window_bounds = array<i64: 128, 128>}, {pipeline_mode = #tpu.pipeline_mode<synchronous>, transform_indices = @transform_4, window_bounds = array<i64: 1, 128>}, {pipeline_mode = #tpu.pipeline_mode<synchronous>, transform_indices = @transform_5, window_bounds = array<i64: 128, 128>}, {pipeline_mode = #tpu.pipeline_mode<synchronous>, transform_indices = @transform_6, window_bounds = array<i64: 1, 128>}, {transform_indices = @transform_7, window_bounds = array<i64: 1, 1, 2048>}, {pipeline_mode = #tpu.pipeline_mode<synchronous>, transform_indices = @transform_8, window_bounds = array<i64: 128, 128>}, {pipeline_mode = #tpu.pipeline_mode<synchronous>, transform_indices = @transform_9, window_bounds = array<i64: 1, 128>}, {pipeline_mode = #tpu.pipeline_mode<synchronous>, transform_indices = @transform_10, window_bounds = array<i64: 128, 1>}, {pipeline_mode = #tpu.pipeline_mode<synchronous>, transform_indices = @transform_11, window_bounds = array<i64: 1, 1>}, {pipeline_mode = #tpu.pipeline_mode<synchronous>, transform_indices = @transform_12, window_bounds = array<i64: 256, 1>}]} {
    %eq3A = arith.constant 0 : i32
    %eq3A_0 = arith.cmpi eq, %arg0, %eq3A : i32
    %convert_element_type3A = arith.extui %eq3A_0 : i1 to i32
    %cond3A = arith.constant 0 : i32
    %cond3A_1 = arith.cmpi ne, %convert_element_type3A, %cond3A : i32
    scf.if %cond3A_1 {
      %broadcast_in_dim3A_63 = arith.constant 0.000000e+00 : f32
      %broadcast_in_dim3A_64 = vector.broadcast %broadcast_in_dim3A_63 : f32 to vector<256x128xf32>
      %swap3A_65 = arith.constant 0 : index
      %swap3A_66 = arith.constant 0 : index
      %swap3A_67 = vector.load %arg14[%swap3A_65, %swap3A_66] : memref<256x128xf32, #tpu.memory_space<vmem>>, vector<256x128xf32>
      tpu.vector_store %arg14[%swap3A_65, %swap3A_66], %broadcast_in_dim3A_64 {strides = array<i32>} : memref<256x128xf32, #tpu.memory_space<vmem>>, vector<256x128xf32>,
      %broadcast_in_dim3A_68 = arith.constant 0.000000e+00 : f32
      %broadcast_in_dim3A_69 = vector.broadcast %broadcast_in_dim3A_68 : f32 to vector<256x128xf32>
      %swap3A_70 = arith.constant 0 : index
      %swap3A_71 = arith.constant 0 : index
      %swap3A_72 = vector.load %arg15[%swap3A_70, %swap3A_71] : memref<256x128xf32, #tpu.memory_space<vmem>>, vector<256x128xf32>
      tpu.vector_store %arg15[%swap3A_70, %swap3A_71], %broadcast_in_dim3A_69 {strides = array<i32>} : memref<256x128xf32, #tpu.memory_space<vmem>>, vector<256x128xf32>,
    } else {
    }
    %get3A = arith.constant 0 : index
    %get3A_2 = arith.constant 0 : index
    %get3A_3 = vector.load %arg1[%get3A, %get3A_2] : memref<2048x128xf32, #tpu.memory_space<vmem>>, vector<2048x128xf32>
    %get3A_4 = arith.constant 0 : index
    %get3A_5 = arith.constant 0 : index
    %get3A_6 = vector.load %arg2[%get3A_4, %get3A_5] : memref<2048x128xf32, #tpu.memory_space<vmem>>, vector<2048x128xf32>
    %add3A = arith.addf %get3A_3, %get3A_6 : vector<2048x128xf32>
    %get3A_7 = arith.constant 0 : index
    %get3A_8 = arith.constant 0 : index
    %get3A_9 = vector.load %arg3[%get3A_7, %get3A_8] : memref<2048x128xf32, #tpu.memory_space<vmem>>, vector<2048x128xf32>
    %add3A_10 = arith.addf %add3A, %get3A_9 : vector<2048x128xf32>
    %get3A_11 = arith.constant 0 : index
    %get3A_12 = arith.constant 0 : index
    %get3A_13 = vector.load %arg4[%get3A_11, %get3A_12] : memref<128x128xf32, #tpu.memory_space<vmem>>, vector<128x128xf32>
    %dot_general3A = arith.constant dense<0.000000e+00> : vector<2048x128xf32>
    %dot_general3A_14 = tpu.matmul %add3A_10, %get3A_13, %dot_general3A {dimension_numbers = #tpu.dot_dimension_numbers<[1], [0], [0], [1], [0, 0, 1, 1], [], []>, transpose_lhs_hint = false} : vector<2048x128xf32>, vector<128x128xf32>, vector<2048x128xf32> -> vector<2048x128xf32>
    %get3A_15 = arith.constant 0 : index
    %get3A_16 = arith.constant 0 : index
    %get3A_17 = vector.load %arg5[%get3A_15, %get3A_16] : memref<1x128xf32, #tpu.memory_space<vmem>>, vector<1x128xf32>
    %add3A_18 = vector.broadcast %get3A_17 : vector<1x128xf32> to vector<2048x128xf32>
    %add3A_19 = arith.addf %dot_general3A_14, %add3A_18 : vector<2048x128xf32>
    %max3A = arith.constant 0.000000e+00 : f32
    %max3A_20 = vector.broadcast %max3A : f32 to vector<2048x128xf32>
    %max3A_21 = arith.maximumf %add3A_19, %max3A_20 : vector<2048x128xf32>
    %get3A_22 = arith.constant 0 : index
    %get3A_23 = arith.constant 0 : index
    %get3A_24 = vector.load %arg6[%get3A_22, %get3A_23] : memref<128x128xf32, #tpu.memory_space<vmem>>, vector<128x128xf32>
    %dot_general3A_25 = arith.constant dense<0.000000e+00> : vector<2048x128xf32>
    %dot_general3A_26 = tpu.matmul %max3A_21, %get3A_24, %dot_general3A_25 {dimension_numbers = #tpu.dot_dimension_numbers<[1], [0], [0], [1], [0, 0, 1, 1], [], []>, transpose_lhs_hint = false} : vector<2048x128xf32>, vector<128x128xf32>, vector<2048x128xf32> -> vector<2048x128xf32>
    %get3A_27 = arith.constant 0 : index
    %get3A_28 = arith.constant 0 : index
    %get3A_29 = vector.load %arg7[%get3A_27, %get3A_28] : memref<1x128xf32, #tpu.memory_space<vmem>>, vector<1x128xf32>
    %add3A_30 = vector.broadcast %get3A_29 : vector<1x128xf32> to vector<2048x128xf32>
    %add3A_31 = arith.addf %dot_general3A_26, %add3A_30 : vector<2048x128xf32>
    %get3A_32 = arith.constant 0 : index
    %get3A_33 = arith.constant 0 : index
    %get3A_34 = arith.constant 0 : index
    %get3A_35 = vector.load %arg8[%get3A_32, %get3A_33, %get3A_34] : memref<1x1x2048xi32, #tpu.memory_space<vmem>>, vector<1x1x2048xi32>
    %get3A_36 = vector.shape_cast %get3A_35 : vector<1x1x2048xi32> to vector<1x2048xi32>
    %iota3A = tpu.iota {dimensions = array<i32: 0>} : vector<256x2048xi32>
    %eq3A_37 = vector.broadcast %get3A_36 : vector<1x2048xi32> to vector<256x2048xi32>
    %eq3A_38 = arith.cmpi eq, %eq3A_37, %iota3A : vector<256x2048xi32>
    %convert_element_type3A_39 = arith.extui %eq3A_38 : vector<256x2048xi1> to vector<256x2048xi32>
    %convert_element_type3A_40 = arith.sitofp %convert_element_type3A_39 : vector<256x2048xi32> to vector<256x2048xf32>
    %get3A_41 = arith.constant 0 : index
    %get3A_42 = arith.constant 0 : index
    %get3A_43 = vector.load %arg14[%get3A_41, %get3A_42] : memref<256x128xf32, #tpu.memory_space<vmem>>, vector<256x128xf32>
    %dot_general3A_44 = arith.constant dense<0.000000e+00> : vector<256x128xf32>
    %dot_general3A_45 = tpu.matmul %convert_element_type3A_40, %add3A_31, %dot_general3A_44 {dimension_numbers = #tpu.dot_dimension_numbers<[1], [0], [0], [1], [0, 0, 1, 1], [], []>, transpose_lhs_hint = false} : vector<256x2048xf32>, vector<2048x128xf32>, vector<256x128xf32> -> vector<256x128xf32>
    %add3A_46 = arith.addf %get3A_43, %dot_general3A_45 : vector<256x128xf32>
    %swap3A = arith.constant 0 : index
    %swap3A_47 = arith.constant 0 : index
    %swap3A_48 = vector.load %arg14[%swap3A, %swap3A_47] : memref<256x128xf32, #tpu.memory_space<vmem>>, vector<256x128xf32>
    tpu.vector_store %arg14[%swap3A, %swap3A_47], %add3A_46 {strides = array<i32>} : memref<256x128xf32, #tpu.memory_space<vmem>>, vector<256x128xf32>,
    %get3A_49 = arith.constant 0 : index
    %get3A_50 = arith.constant 0 : index
    %get3A_51 = vector.load %arg15[%get3A_49, %get3A_50] : memref<256x128xf32, #tpu.memory_space<vmem>>, vector<256x128xf32>
    %reduce_sum3A = arith.constant dense<0.000000e+00> : vector<256xf32>
    %reduce_sum3A_52 = vector.multi_reduction <add>, %convert_element_type3A_40, %reduce_sum3A [1] : vector<256x2048xf32> to vector<256xf32>
    %broadcast_in_dim3A = vector.shape_cast %reduce_sum3A_52 : vector<256xf32> to vector<256x1xf32>
    %add3A_53 = vector.broadcast %broadcast_in_dim3A : vector<256x1xf32> to vector<256x128xf32>
    %add3A_54 = arith.addf %get3A_51, %add3A_53 : vector<256x128xf32>
    %swap3A_55 = arith.constant 0 : index
    %swap3A_56 = arith.constant 0 : index
    %swap3A_57 = vector.load %arg15[%swap3A_55, %swap3A_56] : memref<256x128xf32, #tpu.memory_space<vmem>>, vector<256x128xf32>
    tpu.vector_store %arg15[%swap3A_55, %swap3A_56], %add3A_54 {strides = array<i32>} : memref<256x128xf32, #tpu.memory_space<vmem>>, vector<256x128xf32>,
    %eq3A_58 = arith.constant 4 : i32
    %eq3A_59 = arith.cmpi eq, %arg0, %eq3A_58 : i32
    %convert_element_type3A_60 = arith.extui %eq3A_59 : i1 to i32
    %cond3A_61 = arith.constant 0 : i32
    %cond3A_62 = arith.cmpi ne, %convert_element_type3A_60, %cond3A_61 : i32
    scf.if %cond3A_62 {
      %get3A_63 = arith.constant 0 : index
      %get3A_64 = arith.constant 0 : index
      %get3A_65 = vector.load %arg14[%get3A_63, %get3A_64] : memref<256x128xf32, #tpu.memory_space<vmem>>, vector<256x128xf32>
      %get3A_66 = arith.constant 0 : index
      %get3A_67 = arith.constant 0 : index
      %get3A_68 = vector.load %arg15[%get3A_66, %get3A_67] : memref<256x128xf32, #tpu.memory_space<vmem>>, vector<256x128xf32>
      %max3A_69 = arith.constant 1.000000e+00 : f32
      %max3A_70 = vector.broadcast %max3A_69 : f32 to vector<256x128xf32>
      %max3A_71 = arith.maximumf %get3A_68, %max3A_70 : vector<256x128xf32>
      %div3A = arith.divf %get3A_65, %max3A_71 : vector<256x128xf32>
      %get3A_72 = arith.constant 0 : index
      %get3A_73 = arith.constant 0 : index
      %get3A_74 = vector.load %arg9[%get3A_72, %get3A_73] : memref<128x128xf32, #tpu.memory_space<vmem>>, vector<128x128xf32>
      %dot_general3A_75 = arith.constant dense<0.000000e+00> : vector<256x128xf32>
      %dot_general3A_76 = tpu.matmul %div3A, %get3A_74, %dot_general3A_75 {dimension_numbers = #tpu.dot_dimension_numbers<[1], [0], [0], [1], [0, 0, 1, 1], [], []>, transpose_lhs_hint = false} : vector<256x128xf32>, vector<128x128xf32>, vector<256x128xf32> -> vector<256x128xf32>
      %get3A_77 = arith.constant 0 : index
      %get3A_78 = arith.constant 0 : index
      %get3A_79 = vector.load %arg10[%get3A_77, %get3A_78] : memref<1x128xf32, #tpu.memory_space<vmem>>, vector<1x128xf32>
      %add3A_80 = vector.broadcast %get3A_79 : vector<1x128xf32> to vector<256x128xf32>
      %add3A_81 = arith.addf %dot_general3A_76, %add3A_80 : vector<256x128xf32>
      %max3A_82 = arith.constant 0.000000e+00 : f32
      %max3A_83 = vector.broadcast %max3A_82 : f32 to vector<256x128xf32>
      %max3A_84 = arith.maximumf %add3A_81, %max3A_83 : vector<256x128xf32>
      %get3A_85 = arith.constant 0 : index
      %get3A_86 = arith.constant 0 : index
      %get3A_87 = vector.load %arg11[%get3A_85, %get3A_86] : memref<128x1xf32, #tpu.memory_space<vmem>>, vector<128x1xf32>
      %dot_general3A_88 = arith.constant dense<0.000000e+00> : vector<256x1xf32>
      %dot_general3A_89 = tpu.matmul %max3A_84, %get3A_87, %dot_general3A_88 {dimension_numbers = #tpu.dot_dimension_numbers<[1], [0], [0], [1], [0, 0, 1, 1], [], []>, transpose_lhs_hint = false} : vector<256x128xf32>, vector<128x1xf32>, vector<256x1xf32> -> vector<256x1xf32>
      %get3A_90 = arith.constant 0 : index
      %get3A_91 = arith.constant 0 : index
      %get3A_92 = vector.load %arg12[%get3A_90, %get3A_91] : memref<1x1xf32, #tpu.memory_space<vmem>>, vector<1x1xf32>
      %add3A_93 = vector.broadcast %get3A_92 : vector<1x1xf32> to vector<256x1xf32>
      %add3A_94 = arith.addf %dot_general3A_89, %add3A_93 : vector<256x1xf32>
      %swap3A_95 = arith.constant 0 : index
      %swap3A_96 = arith.constant 0 : index
      %swap3A_97 = vector.load %arg13[%swap3A_95, %swap3A_96] : memref<256x1xf32, #tpu.memory_space<vmem>>, vector<256x1xf32>
      tpu.vector_store %arg13[%swap3A_95, %swap3A_96], %add3A_94 {strides = array<i32>} : memref<256x1xf32, #tpu.memory_space<vmem>>, vector<256x1xf32>,
    } else {
    }
    return
  }
  func.func @transform_0(%arg0: i32) -> (i32, i32) {
    %c0_i32 = arith.constant 0 : i32
    %c0_i32_0 = arith.constant 0 : i32
    return %arg0, %c0_i32 : i32, i32
  }
  func.func @transform_1(%arg0: i32) -> (i32, i32) {
    %c0_i32 = arith.constant 0 : i32
    %c0_i32_0 = arith.constant 0 : i32
    return %arg0, %c0_i32 : i32, i32
  }
  func.func @transform_2(%arg0: i32) -> (i32, i32) {
    %add3A = arith.constant 5 : i32
    %add3A_0 = arith.addi %arg0, %add3A : i32
    %c0_i32 = arith.constant 0 : i32
    %c0_i32_1 = arith.constant 0 : i32
    return %add3A_0, %c0_i32 : i32, i32
  }
  func.func @transform_3(%arg0: i32) -> (i32, i32) {
    %c0_i32 = arith.constant 0 : i32
    %c0_i32_0 = arith.constant 0 : i32
    %c0_i32_1 = arith.constant 0 : i32
    return %c0_i32, %c0_i32_0 : i32, i32
  }
  func.func @transform_4(%arg0: i32) -> (i32, i32) {
    %c0_i32 = arith.constant 0 : i32
    %c0_i32_0 = arith.constant 0 : i32
    %c0_i32_1 = arith.constant 0 : i32
    return %c0_i32, %c0_i32_0 : i32, i32
  }
  func.func @transform_5(%arg0: i32) -> (i32, i32) {
    %c0_i32 = arith.constant 0 : i32
    %c0_i32_0 = arith.constant 0 : i32
    %c0_i32_1 = arith.constant 0 : i32
    return %c0_i32, %c0_i32_0 : i32, i32
  }
  func.func @transform_6(%arg0: i32) -> (i32, i32) {
    %c0_i32 = arith.constant 0 : i32
    %c0_i32_0 = arith.constant 0 : i32
    %c0_i32_1 = arith.constant 0 : i32
    return %c0_i32, %c0_i32_0 : i32, i32
  }
  func.func @transform_7(%arg0: i32) -> (i32, i32, i32) {
    %c0_i32 = arith.constant 0 : i32
    %c0_i32_0 = arith.constant 0 : i32
    %c0_i32_1 = arith.constant 0 : i32
    return %arg0, %c0_i32, %c0_i32_0 : i32, i32, i32
  }
  func.func @transform_8(%arg0: i32) -> (i32, i32) {
    %c0_i32 = arith.constant 0 : i32
    %c0_i32_0 = arith.constant 0 : i32
    %c0_i32_1 = arith.constant 0 : i32
    return %c0_i32, %c0_i32_0 : i32, i32
  }
  func.func @transform_9(%arg0: i32) -> (i32, i32) {
    %c0_i32 = arith.constant 0 : i32
    %c0_i32_0 = arith.constant 0 : i32
    %c0_i32_1 = arith.constant 0 : i32
    return %c0_i32, %c0_i32_0 : i32, i32
  }
  func.func @transform_10(%arg0: i32) -> (i32, i32) {
    %c0_i32 = arith.constant 0 : i32
    %c0_i32_0 = arith.constant 0 : i32
    %c0_i32_1 = arith.constant 0 : i32
    return %c0_i32, %c0_i32_0 : i32, i32
  }
  func.func @transform_11(%arg0: i32) -> (i32, i32) {
    %c0_i32 = arith.constant 0 : i32
    %c0_i32_0 = arith.constant 0 : i32
    %c0_i32_1 = arith.constant 0 : i32
    return %c0_i32, %c0_i32_0 : i32, i32
  }
  func.func @transform_12(%arg0: i32) -> (i32, i32) {
    %c0_i32 = arith.constant 0 : i32
    %c0_i32_0 = arith.constant 0 : i32
    %c0_i32_1 = arith.constant 0 : i32
    return %c0_i32, %c0_i32_0 : i32, i32
  }
}

</mosaic_0001>

<sc_bundles>
// kernel: kernel.12.cloned.1.call-start
scs
__scs_entry_jumppad:
0x0: {  	(pc) =	sbr.rel $0x88, $3  }
0x1: {  	(tag) =	ssettag $0x0;
	lr =	simm.s32 $0x1  }
0x2: {  	[smem:$0x3F8C] =	sst lr;
	_ =	strace $0xD0000000  }
0x3: {  	_ = 	snop  }
0x4: {  	_ = 	snop  }
0x5: {  	_ = 	snop  }
0x6: {  	_ = 	snop  }
0x7: {  	_ = 	snop  }
__scs_overlays_trampoline_lowered:
0x8: {  	[smem:$0x3F9B] =	sst s0  }
0x9: {  	[smem:$0x3F9C] =	sst s1  }
0xa: {  	[smem:$0x3F9D] =	sst s2  }
0xb: {  	[smem:$0x3F9E] =	sst s3  }
0xc: {  	[smem:$0x3F9F] =	sst s4  }
0xd: {  	[smem:$0x3FA0] =	sst s5  }
0xe: {  	[smem:$0x3FA1] =	sst s6  }
0xf: {  	[smem:$0x3FA2] =	sst s7  }
0x10: {  	[smem:$0x3FA3] =	sst s8  }
0x11: {  	[smem:$0x3FA4] =	sst s9;
	s0 =	simm.s32 @!p0 $0x0  }
0x12: {  	s1 =	sld [smem:$0x3F8A];
	s0 =	simm.s32 @p0 $0x1  }
0x13: {  	[smem:$0x3FA5] =	sst s0;
	s0 =	simm.s32 @!p1 $0x0  }
0x14: {  	s2 =	sld [smem:$0x3F89];
	s0 =	simm.s32 @p1 $0x1  }
0x15: {  	[smem:$0x3FA6] =	sst s0;
	s0 =	simm.s32 @!p2 $0x0  }
0x16: {  	s3 =	sld [smem:$0x3FDB];
	s0 =	simm.s32 @p2 $0x1  }
0x17: {  	s4 =	simm.s32 $0x1BF5;
	[smem:$0x3FA8] =	sst s0  }
0x18: {  	s0 =	sld [smem:$0x3F8B];
	_ =	swait.ge [sflag:s4], $0x0  }
0x19: {  	s7 =	sld [smem:$0x3F8C]  }
0x1a: {  	s8 =	sadd.s32 $0xFFFFE003, lr  }
0x1b: {  	s9 =	sadd.s32 $0xFFFFFEF7, lr;
	s5 =	simm.s32 $0xFFFFFFFF;
	p2 =	slt.u32 s8, $0xFFFFF086  }
0x1c: {  	p1 =	slt.u32 s9, $0xF7A;
	s5 =	simm.s32 @!p2 $0x0  }
0x1d: {  	s5 =	simm.s32 @p1 $0x1;
	p0 =	seq.s32 s7, s2  }
0x1e: {  	s7 =	smul.u32 @!p0 $0xF7A, s2;
	p2 =	seq.s32 @!p0 s5, $0x0  }
0x1f: {  	s9 =	smul.u32 $0xF7A, s1;
	s8 =	simm.s32 @!p0 $0x1BF5;
	p2 =	por !p2, p0  }
0x20: {  	[sflag:s8] =	ssyncset.s32 @!p0 $0xFFFFF086;
	s6 =	sadd.s32 @!p0 s3, s7;
	s7 =	simm.s32 @!p0 $0x108  }
0x21: {  	s3 =	sadd.s32 s3, s9;
	s6 =	sadd.s32 @!p0 $0x88, s6;
	s7 =	simm.s32 @p2 $0x1082  }
0x22: {  	[simem:s7], [sflag:s8] =	dma.local @!p0 [hbm:s6], $0xF7A  }
0x23: {  	s9 =	sor.u32 $0xD0000000, s2;
	s6 =	simm.s32 $0x108;
	_ =	swait.ge @!p0 [sflag:s8], $0x0  }
0x24: {  	s3 =	sadd.s32 $0x88, s3;
	s6 =	simm.s32 @!p1 $0x1082;
	[sflag:s4] =	ssyncset.s32 $0xFFFFF086  }
0x25: {  	[simem:s6], [sflag:s4] =	dma.local [hbm:s3], $0xF7A  }
0x26: {  	[smem:$0x3F8C] =	sst s1;
	(tag) =	ssettag s2;
	_ =	strace s9  }
0x27: {  	s1 =	sld [smem:$0x3F9C]  }
0x28: {  	s2 =	sld [smem:$0x3F9D]  }
0x29: {  	s4 =	sld [smem:$0x3F9F]  }
0x2a: {  	p0 =	seq.s32 s5, $0x0;
	s5 =	sld [smem:$0x3FA0]  }
0x2b: {  	s6 =	sld [smem:$0x3FA1]  }
0x2c: {  	s7 =	sld [smem:$0x3FA2]  }
0x2d: {  	s3 =	simm.s32 $0x108;
	s8 =	sld [smem:$0x3FA3]  }
0x2e: {  	s3 =	simm.s32 @!p0 $0x1082;
	s9 =	sld [smem:$0x3FA4]  }
0x2f: {  	lr =	sadd.s32 s0, s3;
	s0 =	sld [smem:$0x3F9B]  }
0x30: {  	s3 =	sld [smem:$0x3F9E]  }
0x31: {  	[smem:$0x3FA7] =	sst s10  }
0x32: {  	s10 =	sld [smem:$0x3FA5];
	_ =	sdelay $0x3  }
0x33: {  	p0 =	seq.s32 s10, $0x1;
	s10 =	sld [smem:$0x3FA7];
	_ =	sdelay $0x3  }
0x34: {  	[smem:$0x3FA7] =	sst s10  }
0x35: {  	s10 =	sld [smem:$0x3FA6];
	_ =	sdelay $0x3  }
0x36: {  	p1 =	seq.s32 s10, $0x1;
	s10 =	sld [smem:$0x3FA7];
	_ =	sdelay $0x3  }
0x37: {  	[smem:$0x3FA7] =	sst s10  }
0x38: {  	s10 =	sld [smem:$0x3FA8]  }
0x39: {  	_ = 	snop;
	(pc) =	sbr.ind lr, $3  }
0x3a: {  	_ = 	snop  }
0x3b: {  	_ = 	snop  }
0x3c: {  	p2 =	seq.s32 s10, $0x1;
	s10 =	sld [smem:$0x3FA7]  }
0x3d: {  	_ =	shalt  }
0x3e: {  	_ =	shalt  }
0x3f: {  	_ =	shalt  }
0x40: {  	_ =	shalt  }
0x41: {  	_ =	shalt  }
0x42: {  	_ =	shalt  }
0x43: {  	_ =	shalt  }
0x44: {  	_ =	shalt  }
0x45: {  	_ =	shalt  }
0x46: {  	_ =	shalt  }
0x47: {  	_ =	shalt  }
0x48: {  	_ =	shalt  }
0x49: {  	_ =	shalt  }
0x4a: {  	_ =	shalt  }
0x4b: {  	_ =	shalt  }
0x4c: {  	_ =	shalt  }
0x4d: {  	_ =	shalt  }
0x4e: {  	_ =	shalt  }
0x4f: {  	_ =	shalt  }
0x50: {  	_ =	shalt  }
0x51: {  	_ =	shalt  }
0x52: {  	_ =	shalt  }
0x53: {  	_ =	shalt  }
0x54: {  	_ =	shalt  }
0x55: {  	_ =	shalt  }
0x56: {  	_ =	shalt  }
0x57: {  	_ =	shalt  }
0x58: {  	_ =	shalt  }
0x59: {  	_ =	shalt  }
0x5a: {  	_ =	shalt  }
0x5b: {  	_ =	shalt  }
0x5c: {  	_ =	shalt  }
0x5d: {  	_ =	shalt  }
0x5e: {  	_ =	shalt  }
0x5f: {  	_ =	shalt  }
0x60: {  	_ =	shalt  }
0x61: {  	_ =	shalt  }
0x62: {  	_ =	shalt  }
0x63: {  	_ =	shalt  }
0x64: {  	_ =	shalt  }
0x65: {  	_ =	shalt  }
0x66: {  	_ =	shalt  }
0x67: {  	_ =	shalt  }
0x68: {  	_ =	shalt  }
0x69: {  	_ =	shalt  }
0x6a: {  	_ =	shalt  }
0x6b: {  	_ =	shalt  }
0x6c: {  	_ =	shalt  }
0x6d: {  	_ =	shalt  }
0x6e: {  	_ =	shalt  }
0x6f: {  	_ =	shalt  }
0x70: {  	_ =	shalt  }
0x71: {  	_ =	shalt  }
0x72: {  	_ =	shalt  }
0x73: {  	_ =	shalt  }
0x74: {  	_ =	shalt  }
0x75: {  	_ =	shalt  }
0x76: {  	_ =	shalt  }
0x77: {  	_ =	shalt  }
0x78: {  	_ =	shalt  }
0x79: {  	_ =	shalt  }
0x7a: {  	_ =	shalt  }
0x7b: {  	_ =	shalt  }
0x7c: {  	_ =	shalt  }
0x7d: {  	_ =	shalt  }
0x7e: {  	_ =	shalt  }
0x7f: {  	_ =	shalt  }
0x80: {  	_ =	shalt  }
0x81: {  	_ =	shalt  }
0x82: {  	_ =	shalt  }
0x83: {  	_ =	shalt  }
0x84: {  	_ =	shalt  }
0x85: {  	_ =	shalt  }
0x86: {  	_ =	shalt  }
0x87: {  	_ =	shalt  }
.Lfunc_end0:
.L_simem_size_0:
called_computation.1_lowered:
.L_overlay_start_0:
0x88: {  	s2 =	sld [smem:$0x3FD9]  }
0x89: {  	s3 =	sld [smem:$0x3FFE];
	_ =	sdelay $0x1  }
0x8a: {  	s1 =	srdreg.scid  }
0x8b: {  	s0 =	sand.u32 $0x1, s1  }
0x8c: {  	s16 =	sshll.u32 s0, $0xA;
	s2 =	sadd.s32 s3, s2  }
0x8d: {  	s2 =	sadd.s32 s2, s16  }
0x8e: {  	[smem:$0x3FB3] =	sst s2  }
0x8f: {  	_ = 	snop  }
0x90: {  	(tm) =	ssettm $0x1  }
0x91: {  	s17 =	sld [smem:$0x3FFB];
	_ =	sdelay $0x3  }
0x92: {  	_ =	strace s17  }
0x93: {  	s2 =	sld [smem:$0x3FFC];
	_ =	sdelay $0x3  }
0x94: {  	_ =	strace s2  }
0x95: {  	s2 =	sld [smem:$0x3FFD];
	_ =	sdelay $0x3  }
0x96: {  	_ =	strace s2  }
0x97: {  	_ =	strace $0x8FFFFFFF  }
0x98: {  	s18 =	sld [smem:$0x3FDB];
	_ =	sdelay $0x1  }
0x99: {  	s19 =	simm.s32 $_scs_section_size  }
0x9a: {  	s4 =	simm.s32 $_size__tile_overlayer_lowered;
	s5 =	simm.s32 $_tile_overlayer_lowered  }
0x9b: {  	s22 =	simm.s32 $0x1BFF;
	s21 =	sshll.u32 s5, $0x1;
	s2 =	sadd.s32 s19, s18  }
0x9c: {  	s6 =	simm.s32 $0x0;
	s20 =	sshll.u32 s4, $0x1;
	s4 =	sadd.s32 s21, s2  }
0x9d: {  	[timem:s6], [sflag:s22] =	dma.local [hbm:s4], s20  }
0x9e: {  	_ =	swait.ge [sflag:s22], s20  }
0x9f: {  	s3 =	ssub.s32 $0x0, s20;
	[sflag:s22] =	ssyncset.done $0x0  }
0xa0: {  	[sflag:s22] =	ssyncadd.s32 s3;
	_ =	sdelay $0x1  }
0xa1: {  	s23 =	simm.s32 $0x1B8B  }
0xa2: {  	_ =	swait.ge [sflag:s23], $0x1  }
0xa3: {  	[sflag:s23] =	ssyncset.done $0x0  }
0xa4: {  	s25 =	simm.s32 $0x1B8E;
	s24 =	sld [smem:$0x3FFE];
	[sflag:s23] =	ssyncadd.s32 $0xFFFFFFFF  }
0xa5: {  	s26 =	simm.s32 $execute0_lowered;
	[smem:$0x3FD2] =	sst s25  }
0xa6: {  	s4 =	sshll.u32 s26, $0x1;
	_ =	strace $0x80000049;
	[dreg:$0x1] =	wrdreg $0xFFFFFFFF  }
0xa7: {  	s28 =	simm.s32 $_size_execute0_lowered;
	s2 =	sadd.s32 s2, s4;
	[dreg:$0x0] =	wrdreg $0x0  }
0xa8: {  	s4 =	sshll.u32 s28, $0x1;
	[dreg:$0x2] =	wrdreg s2  }
0xa9: {  	[dreg:$0x3] =	wrdreg s4  }
0xaa: {  	[dreg:$0x4] =	wrdreg $0xC0  }
0xab: {  	_ =	task [dreg:s6], $0x5FFFF  }
0xac: {  	[dreg:$0x1] =	wrdreg $0xFFFFFFFF  }
0xad: {  	[dreg:$0x0] =	wrdreg $0x60  }
0xae: {  	[dreg:$0x2] =	wrdreg s24  }
0xaf: {  	[dreg:$0x3] =	wrdreg $0x0  }
0xb0: {  	[dreg:$0x4] =	wrdreg $0x9  }
0xb1: {  	_ =	task.clear_ibuf [dreg:s6], $0x5FFFF;
	_ =	strace $0x90000049  }
0xb2: {  	s29 =	simm.s32 $0x9;
	_ =	strace $0x8000004B  }
0xb3: {  	_ =	swait.ge [sflag:s29], $0x1  }
0xb4: {  	[sflag:s29] =	ssyncadd.s32 $0xFFFFFFFF  }
0xb5: {  	_ =	strace $0x9000004B  }
0xb6: {  	_ =	sfence  }
0xb7: {  	s30 =	sld [smem:$0x0];
	_ =	sdelay $0x2  }
0xb8: {  	s31 =	sshll.u32 s1, $0xD;
	s1 =	sshrl.u32 s1, $0x2  }
0xb9: {  	s3 =	sand.u32 $0x4000, s31;
	s1 =	sadd.s32 s1, s30  }
0xba: {  	s0 =	sor.u32 s3, s0;
	s1 =	sshll.u32 s1, $0x11  }
0xbb: {  	s0 =	sor.u32 s1, s0  }
0xbc: {  	s0 =	sadd.s32 $0x8F2B, s0  }
0xbd: {  	[sflag:s0] =	ssyncadd.remote.s32 $0x1  }
0xbe: {  	_ =	sfence.sel $0xFFFF  }
0xbf: {  	[dreg:$0x0] =	wrdreg $0xFFFFFFFF;
	(pc) =	sbr.abs _section_cstart, $3  }
0xc0: {  	[dreg:$0x1] =	wrdreg $0xFFFFFFFF  }
0xc1: {  	_ =	task.clear_ibuf [dreg:s6], $0x2FFFF;
	_ =	strace $0x9FFFFFFF  }
0xc2: {  	(tm) =	ssettm $0x7FFFFFFF  }
0xc3: {  	_ =	shalt  }
tec
execute0_lowered:
.L_overlay_start_1:
0x0: {  	(tag) =	ssettag $0x1  }
0x1: {  	s0 =	rddreg [dreg:$0x0];
	s1 =	srdreg.scid  }
0x2: {  	s9 =	stileid.u32;
	s2 =	rddreg [dreg:$0x1]  }
0x3: {  	s28 =	simm.s32 $0x14000;
	s29 =	simm.s32 $0x5;
	s31 =	simm.s32 $0x1CF80  }
0x4: {  	s30 =	simm.s32 $0x2;
	s1 =	sand.u32 $0x1, s1;
	s17 =	smul.u32 $0x280, s9  }
0x5: {  	s3 =	sshll.u32 s9, $0x1;
	s5 =	sshrl.u32 s9, $0x2;
	s18 =	smul.u32 $0x50000, s9  }
0x6: {  	s19 =	sadd.s32 $0x46000, s0;
	s4 =	sor.u32 s1, s3;
	s5 =	smul.u32 $0x13C00, s5  }
0x7: {  	s3 =	simm.s32 $0x0;
	s8 =	smul.u32 $0x2800, s1;
	s1 =	ssub.s32 $0x2, s1  }
0x8: {  	s6 =	sshll.u32 s4, $0x7;
	[smem:$0x7FF] =	sst s3;
	s7 =	sshll.u32 s4, $0xB  }
0x9: {  	s4 =	sadd.s32 $0x1E000, s0;
	s20 =	sshrl.u32 s1, $0x1;
	s21 =	sshrl.u32 s18, $0x2  }
0xa: {  	s6 =	sand.u32 $0x380, s6;
	_ =	strace $0x8000004A;
	s7 =	sadd.s32 s7, s0  }
0xb: {  	[dreg:$0x3] =	wrdreg s19;
	s1 =	ssub.s32 s1, s20;
	s5 =	sor.u32 s5, s6  }
0xc: {  	s6 =	sadd.s32 s17, s8;
	s22 =	sadd.s32 $0x4200, s7;
	s8 =	sadd.s32 s21, s2  }
0xd: {  	s5 =	sshrl.u32 s5, $0x3;
	s6 =	sshll.u32 s6, $0x4;
	[dreg:$0x5] =	wrdreg s22  }
0xe: {  	s9 =	sadd.s32 $0x2800, s8;
	s10 =	sadd.s32 $0x5000, s8;
	s11 =	sadd.s32 $0x7800, s8  }
0xf: {  	s12 =	sadd.s32 $0xA000, s8;
	s13 =	sadd.s32 $0xC800, s8;
	s5 =	sadd.s32 s5, s0  }
0x10: {  	s14 =	sadd.s32 $0xF000, s8;
	s0 =	sadd.s32 s6, s0;
	s5 =	sadd.s32 $0x14200, s5  }
0x11: {  	s15 =	sadd.s32 $0x11800, s8;
	s23 =	sadd.s32 $0x46600, s0;
	[dreg:$0x4] =	wrdreg s5  }
0x12: {  	s6 =	simm.s32 $0x0;
	s24 =	sadd.s32 $0x46B00, s0;
	[dreg:$0x6] =	wrdreg s23  }
0x13: {  	s25 =	sadd.s32 $0x47000, s0;
	s26 =	sadd.s32 $0x47500, s0;
	[dreg:$0x7] =	wrdreg s24  }
0x14: {  	s20 =	sadd.s32 $0x47A00, s0;
	s21 =	sadd.s32 $0x47F00, s0;
	[dreg:$0x8] =	wrdreg s25  }
0x15: {  	s22 =	sadd.s32 $0x48400, s0;
	[dreg:$0x9] =	wrdreg s26;
	s23 =	sadd.s32 $0x48900, s0  }
0x16: {  	s24 =	smax.u32 s1, $0x1;
	s1 =	simm.s32 $0x50;
	s0 =	simm.s32 $0x1A780  }
0x17: {  	s25 =	simm.s32 $0x3;
	s26 =	simm.s32 $0x1;
	s5 =	simm.s32 $0x4  }
.LBB2_1:
0x18: {  	s7 =	rddreg [dreg:$0x4];
	s16 =	simm.s32 $0x80;
	s17 =	simm.s32 $0x400  }
0x19: {  	[tilespmem:s28], [sflag:$0x5] =	stream.strided.gather [hbm4b:s7+s16], $0x2780, s17, s16, $0x38;
	[tilespmem:$0x1F780] =	vst v63  }
0x1a: {  	_ =	swait.ge [sflag:s29], $0x2780  }
0x1b: {  	[sflag:s29] =	ssyncset.done $0x0  }
0x1c: {  	s18 =	simm.s32 $0x16780;
	s17 =	rddreg [dreg:$0x5];
	[sflag:s29] =	ssyncadd.s32 $0xFFFFD880  }
0x1d: {  	[tilespmem:s18], [sflag:$0x5] =	stream.linear.gather [hbm4b:s17+s3], $0x3E80, $0x38;
	[tilespmem:$0x1F780] =	vst v63  }
0x1e: {  	_ =	swait.ge [sflag:s29], $0x3E80  }
0x1f: {  	[sflag:s29] =	ssyncset.done $0x0  }
0x20: {  	s19 =	rddreg [dreg:$0x3];
	[sflag:s29] =	ssyncadd.s32 $0xFFFFC180  }
0x21: {  	[tilespmem:s31], [sflag:$0x5] =	stream.linear.gather [hbm4b:s19+s3], $0x2800, $0x38;
	[tilespmem:$0x1F780] =	vst v63  }
0x22: {  	_ =	swait.ge [sflag:s29], $0x2800  }
0x23: {  	[sflag:s29] =	ssyncset.done $0x0  }
0x24: {  	[sflag:s29] =	ssyncadd.s32 $0xFFFFD800  }
0x25: {  	[tilespmem:s0], [sflag:$0x1] =	stream.indirect.gather [hbm4b:s4+s1], $0x80, s28, s1, $0xb8;
	[tilespmem:$0x1F780] =	vst v63  }
0x26: {  	_ = 	snop  }
0x27: {  	[spmem:s8] =	stream.linear.scatter [tilespmem:s31], [sflag:$0x3], $0x2800, $0x38;
	[tilespmem:$0x1F780] =	vst v63  }
0x28: {  	_ = 	snop  }
0x29: {  	[spmem:s9] =	stream.linear.scatter [tilespmem:s31], [sflag:$0x3], $0x2800, $0x38;
	[tilespmem:$0x1F780] =	vst v63  }
0x2a: {  	_ = 	snop  }
0x2b: {  	[spmem:s10] =	stream.linear.scatter [tilespmem:s31], [sflag:$0x3], $0x2800, $0x38;
	[tilespmem:$0x1F780] =	vst v63  }
0x2c: {  	_ = 	snop  }
0x2d: {  	[spmem:s11] =	stream.linear.scatter [tilespmem:s31], [sflag:$0x3], $0x2800, $0x38;
	[tilespmem:$0x1F780] =	vst v63  }
0x2e: {  	_ = 	snop  }
0x2f: {  	[spmem:s12] =	stream.linear.scatter [tilespmem:s31], [sflag:$0x3], $0x2800, $0x38;
	[tilespmem:$0x1F780] =	vst v63  }
0x30: {  	_ = 	snop  }
0x31: {  	[spmem:s13] =	stream.linear.scatter [tilespmem:s31], [sflag:$0x3], $0x2800, $0x38;
	[tilespmem:$0x1F780] =	vst v63  }
0x32: {  	_ = 	snop  }
0x33: {  	[spmem:s14] =	stream.linear.scatter [tilespmem:s31], [sflag:$0x3], $0x2800, $0x38;
	[tilespmem:$0x1F780] =	vst v63  }
0x34: {  	_ = 	snop  }
0x35: {  	[spmem:s15] =	stream.linear.scatter [tilespmem:s31], [sflag:$0x3], $0x2800, $0x38;
	[tilespmem:$0x1F780] =	vst v63  }
0x36: {  	_ =	swait.ge [sflag:s25], $0x2800  }
0x37: {  	[sflag:s25] =	ssyncset.done $0x0  }
0x38: {  	[sflag:s25] =	ssyncadd.s32 $0xFFFFD800  }
0x39: {  	_ =	swait.ge [sflag:s25], $0x2800  }
0x3a: {  	[sflag:s25] =	ssyncset.done $0x0  }
0x3b: {  	[sflag:s25] =	ssyncadd.s32 $0xFFFFD800  }
0x3c: {  	_ =	swait.ge [sflag:s25], $0x2800  }
0x3d: {  	[sflag:s25] =	ssyncset.done $0x0  }
0x3e: {  	[sflag:s25] =	ssyncadd.s32 $0xFFFFD800  }
0x3f: {  	_ =	swait.ge [sflag:s25], $0x2800  }
0x40: {  	[sflag:s25] =	ssyncset.done $0x0  }
0x41: {  	[sflag:s25] =	ssyncadd.s32 $0xFFFFD800  }
0x42: {  	_ =	swait.ge [sflag:s25], $0x2800  }
0x43: {  	[sflag:s25] =	ssyncset.done $0x0  }
0x44: {  	[sflag:s25] =	ssyncadd.s32 $0xFFFFD800  }
0x45: {  	_ =	swait.ge [sflag:s25], $0x2800  }
0x46: {  	[sflag:s25] =	ssyncset.done $0x0  }
0x47: {  	[sflag:s25] =	ssyncadd.s32 $0xFFFFD800  }
0x48: {  	_ =	swait.ge [sflag:s25], $0x2800  }
0x49: {  	[sflag:s25] =	ssyncset.done $0x0  }
0x4a: {  	[sflag:s25] =	ssyncadd.s32 $0xFFFFD800  }
0x4b: {  	_ =	swait.ge [sflag:s25], $0x2800  }
0x4c: {  	[sflag:s25] =	ssyncset.done $0x0  }
0x4d: {  	[sflag:s25] =	ssyncadd.s32 $0xFFFFD800  }
0x4e: {  	s16 =	simm.s32 $0x14050;
	[bflag:$0x0] =	sbarrier.arrive $0xFFFF  }
0x4f: {  	[tilespmem:s31], [sflag:$0x2] =	stream.indirect.gather [hbm4b:s4+s1], $0x80, s16, s1, $0xb8;
	[tilespmem:$0x1F780] =	vst v63  }
0x50: {  	_ =	swait.ge [sflag:s26], $0x2800  }
0x51: {  	[sflag:s26] =	ssyncset.done $0x0  }
0x52: {  	s17 =	simm.s32 $0x16780;
	[sflag:s26] =	ssyncadd.s32 $0xFFFFD800  }
0x53: {  	[spmem:s2] =	stream.indirect.scatter.add.f32 [tilespmem:s0], [sflag:$0x5], $0x80, s17, s1, $0xb8;
	[tilespmem:$0x1F780] =	vst v63  }
0x54: {  	_ =	swait.ge [sflag:s29], $0x2800  }
0x55: {  	[sflag:s29] =	ssyncset.done $0x0  }
0x56: {  	s18 =	simm.s32 $0x140A0;
	[sflag:s29] =	ssyncadd.s32 $0xFFFFD800  }
0x57: {  	[tilespmem:s0], [sflag:$0x1] =	stream.indirect.gather [hbm4b:s4+s1], $0x80, s18, s1, $0xb8;
	[tilespmem:$0x1F780] =	vst v63  }
0x58: {  	_ =	swait.ge [sflag:s30], $0x2800  }
0x59: {  	[sflag:s30] =	ssyncset.done $0x0  }
0x5a: {  	s19 =	simm.s32 $0x16800;
	[sflag:s30] =	ssyncadd.s32 $0xFFFFD800  }
0x5b: {  	[spmem:s2] =	stream.indirect.scatter.add.f32 [tilespmem:s31], [sflag:$0x5], $0x80, s19, s1, $0xb8;
	[tilespmem:$0x1F780] =	vst v63  }
0x5c: {  	s7 =	simm.s32 $0x14140;
	_ =	swait.ge [sflag:s29], $0x2800  }
0x5d: {  	s16 =	simm.s32 $0x400;
	s17 =	simm.s32 $0x800;
	[sflag:s29] =	ssyncset.done $0x0  }
.LBB2_2:
0x5e: {  	p0 =	sne.s32 s17, $0xF400;
	s18 =	sadd.s32 $0xFFFFFFB0, s7;
	[sflag:s29] =	ssyncadd.s32 $0xFFFFD800  }
0x5f: {  	[tilespmem:s31], [sflag:$0x2] =	stream.indirect.gather [hbm4b:s4+s1], $0x80, s18, s1, $0xb8;
	[tilespmem:$0x1F780] =	vst v63  }
0x60: {  	s18 =	smov.u32 s17;
	s17 =	sadd.s32 $0x400, s17;
	_ =	swait.ge [sflag:s26], $0x2800  }
0x61: {  	s19 =	sshra.s32 s16, $0x2;
	s16 =	smov.u32 s18;
	[sflag:s26] =	ssyncset.done $0x0  }
0x62: {  	s18 =	sadd.s32 $0x16780, s19;
	[sflag:s26] =	ssyncadd.s32 $0xFFFFD800  }
0x63: {  	[spmem:s2] =	stream.indirect.scatter.add.f32 [tilespmem:s0], [sflag:$0x5], $0x80, s18, s1, $0xb8;
	[tilespmem:$0x1F780] =	vst v63  }
0x64: {  	_ =	swait.ge [sflag:s29], $0x2800  }
0x65: {  	[sflag:s29] =	ssyncset.done $0x0  }
0x66: {  	[sflag:s29] =	ssyncadd.s32 $0xFFFFD800  }
0x67: {  	[tilespmem:s0], [sflag:$0x1] =	stream.indirect.gather [hbm4b:s4+s1], $0x80, s7, s1, $0xb8;
	[tilespmem:$0x1F780] =	vst v63  }
0x68: {  	_ =	swait.ge [sflag:s30], $0x2800  }
.Ltmp0:
0x69: {  	[sflag:s30] =	ssyncset.done $0x0;
	(pc) =	sbr.rel @p0 .LBB2_2-.Ltmp0, $4  }
0x6a: {  	s18 =	sadd.s32 $0x16800, s19;
	[sflag:s30] =	ssyncadd.s32 $0xFFFFD800  }
0x6b: {  	[spmem:s2] =	stream.indirect.scatter.add.f32 [tilespmem:s31], [sflag:$0x5], $0x80, s18, s1, $0xb8;
	[tilespmem:$0x1F780] =	vst v63  }
0x6c: {  	_ =	swait.ge [sflag:s29], $0x2800  }
0x6d: {  	s7 =	sadd.s32 $0xA0, s7;
	[sflag:s29] =	ssyncset.done $0x0  }
0x6e: {  	s17 =	sadd.s32 $0xFFFFFFB0, s7;
	[sflag:s29] =	ssyncadd.s32 $0xFFFFD800  }
0x6f: {  	[tilespmem:s31], [sflag:$0x2] =	stream.indirect.gather [hbm4b:s4+s1], $0x80, s17, s1, $0xb8;
	[tilespmem:$0x1F780] =	vst v63  }
0x70: {  	_ =	swait.ge [sflag:s26], $0x2800  }
0x71: {  	s16 =	sshra.s32 s16, $0x2;
	[sflag:s26] =	ssyncset.done $0x0  }
0x72: {  	s19 =	sadd.s32 $0x16780, s16;
	[sflag:s26] =	ssyncadd.s32 $0xFFFFD800  }
0x73: {  	[spmem:s2] =	stream.indirect.scatter.add.f32 [tilespmem:s0], [sflag:$0x5], $0x80, s19, s1, $0xb8;
	[tilespmem:$0x1F780] =	vst v63  }
0x74: {  	_ =	swait.ge [sflag:s29], $0x2800  }
0x75: {  	[sflag:s29] =	ssyncset.done $0x0  }
0x76: {  	[sflag:s29] =	ssyncadd.s32 $0xFFFFD800  }
0x77: {  	[tilespmem:s0], [sflag:$0x1] =	stream.indirect.gather [hbm4b:s4+s1], $0x80, s7, s1, $0xb8;
	[tilespmem:$0x1F780] =	vst v63  }
0x78: {  	_ =	swait.ge [sflag:s30], $0x2800  }
0x79: {  	[sflag:s30] =	ssyncset.done $0x0  }
0x7a: {  	s18 =	sadd.s32 $0x16800, s16;
	[sflag:s30] =	ssyncadd.s32 $0xFFFFD800  }
0x7b: {  	[spmem:s2] =	stream.indirect.scatter.add.f32 [tilespmem:s31], [sflag:$0x5], $0x80, s18, s1, $0xb8;
	[tilespmem:$0x1F780] =	vst v63  }
0x7c: {  	_ =	swait.ge [sflag:s29], $0x2800  }
0x7d: {  	[sflag:s29] =	ssyncset.done $0x0  }
0x7e: {  	[sflag:s29] =	ssyncadd.s32 $0xFFFFD800  }
0x7f: {  	_ =	swait.ge [sflag:s26], $0x2800  }
0x80: {  	[sflag:s26] =	ssyncset.done $0x0  }
0x81: {  	s19 =	simm.s32 $0x1A580;
	[sflag:s26] =	ssyncadd.s32 $0xFFFFD800  }
0x82: {  	[spmem:s2] =	stream.indirect.scatter.add.f32 [tilespmem:s0], [sflag:$0x5], $0x80, s19, s1, $0xb8;
	[tilespmem:$0x1F780] =	vst v63  }
0x83: {  	_ =	swait.ge [sflag:s29], $0x2800  }
0x84: {  	[sflag:s29] =	ssyncset.done $0x0  }
0x85: {  	[sflag:s29] =	ssyncadd.s32 $0xFFFFD800  }
0x86: {  	[bflag:$0x0] =	sbarrier.arrive $0xFFFF  }
0x87: {  	[tilespmem:s0], [sflag:$0x1] =	stream.linear.gather [spmem:s8], $0x2800, $0x38;
	[tilespmem:$0x1F780] =	vst v63  }
0x88: {  	_ =	swait.ge [sflag:s26], $0x2800  }
0x89: {  	[sflag:s26] =	ssyncset.done $0x0  }
0x8a: {  	s16 =	rddreg [dreg:$0x6];
	[sflag:s26] =	ssyncadd.s32 $0xFFFFD800  }
0x8b: {  	[hbm4b:s16+s3] =	stream.linear.scatter [tilespmem:s0], [sflag:$0x3], $0x2800, $0x38;
	[tilespmem:$0x1F780] =	vst v63  }
0x8c: {  	_ = 	snop  }
0x8d: {  	[tilespmem:s31], [sflag:$0x2] =	stream.linear.gather [spmem:s9], $0x2800, $0x38;
	[tilespmem:$0x1F780] =	vst v63  }
0x8e: {  	_ =	swait.ge [sflag:s30], $0x2800  }
0x8f: {  	[sflag:s30] =	ssyncset.done $0x0  }
0x90: {  	s17 =	rddreg [dreg:$0x7];
	[sflag:s30] =	ssyncadd.s32 $0xFFFFD800  }
0x91: {  	[hbm4b:s17+s3] =	stream.linear.scatter [tilespmem:s31], [sflag:$0x4], $0x2800, $0x38;
	[tilespmem:$0x1F780] =	vst v63  }
0x92: {  	_ =	swait.ge [sflag:s25], $0x2800  }
0x93: {  	[sflag:s25] =	ssyncset.done $0x0  }
0x94: {  	[sflag:s25] =	ssyncadd.s32 $0xFFFFD800  }
0x95: {  	[tilespmem:s0], [sflag:$0x1] =	stream.linear.gather [spmem:s10], $0x2800, $0x38;
	[tilespmem:$0x1F780] =	vst v63  }
0x96: {  	_ =	swait.ge [sflag:s26], $0x2800  }
0x97: {  	[sflag:s26] =	ssyncset.done $0x0  }
0x98: {  	s18 =	rddreg [dreg:$0x8];
	[sflag:s26] =	ssyncadd.s32 $0xFFFFD800  }
0x99: {  	[hbm4b:s18+s3] =	stream.linear.scatter [tilespmem:s0], [sflag:$0x3], $0x2800, $0x38;
	[tilespmem:$0x1F780] =	vst v63  }
0x9a: {  	_ =	swait.ge [sflag:s5], $0x2800  }
0x9b: {  	[sflag:s5] =	ssyncset.done $0x0  }
0x9c: {  	[sflag:s5] =	ssyncadd.s32 $0xFFFFD800  }
0x9d: {  	[tilespmem:s31], [sflag:$0x2] =	stream.linear.gather [spmem:s11], $0x2800, $0x38;
	[tilespmem:$0x1F780] =	vst v63  }
0x9e: {  	_ =	swait.ge [sflag:s30], $0x2800  }
0x9f: {  	[sflag:s30] =	ssyncset.done $0x0  }
0xa0: {  	s19 =	rddreg [dreg:$0x9];
	[sflag:s30] =	ssyncadd.s32 $0xFFFFD800  }
0xa1: {  	[hbm4b:s19+s3] =	stream.linear.scatter [tilespmem:s31], [sflag:$0x4], $0x2800, $0x38;
	[tilespmem:$0x1F780] =	vst v63  }
0xa2: {  	_ =	swait.ge [sflag:s25], $0x2800  }
0xa3: {  	[sflag:s25] =	ssyncset.done $0x0  }
0xa4: {  	[sflag:s25] =	ssyncadd.s32 $0xFFFFD800  }
0xa5: {  	[tilespmem:s0], [sflag:$0x1] =	stream.linear.gather [spmem:s12], $0x2800, $0x38;
	[tilespmem:$0x1F780] =	vst v63  }
0xa6: {  	_ =	swait.ge [sflag:s26], $0x2800  }
0xa7: {  	[sflag:s26] =	ssyncset.done $0x0  }
0xa8: {  	[sflag:s26] =	ssyncadd.s32 $0xFFFFD800  }
0xa9: {  	[hbm4b:s20+s3] =	stream.linear.scatter [tilespmem:s0], [sflag:$0x3], $0x2800, $0x38;
	[tilespmem:$0x1F780] =	vst v63  }
0xaa: {  	_ =	swait.ge [sflag:s5], $0x2800  }
0xab: {  	[sflag:s5] =	ssyncset.done $0x0  }
0xac: {  	[sflag:s5] =	ssyncadd.s32 $0xFFFFD800  }
0xad: {  	[tilespmem:s31], [sflag:$0x2] =	stream.linear.gather [spmem:s13], $0x2800, $0x38;
	[tilespmem:$0x1F780] =	vst v63  }
0xae: {  	_ =	swait.ge [sflag:s30], $0x2800  }
0xaf: {  	[sflag:s30] =	ssyncset.done $0x0  }
0xb0: {  	[sflag:s30] =	ssyncadd.s32 $0xFFFFD800  }
0xb1: {  	[hbm4b:s21+s3] =	stream.linear.scatter [tilespmem:s31], [sflag:$0x4], $0x2800, $0x38;
	[tilespmem:$0x1F780] =	vst v63  }
0xb2: {  	_ =	swait.ge [sflag:s25], $0x2800  }
0xb3: {  	[sflag:s25] =	ssyncset.done $0x0  }
0xb4: {  	[sflag:s25] =	ssyncadd.s32 $0xFFFFD800  }
0xb5: {  	[tilespmem:s0], [sflag:$0x1] =	stream.linear.gather [spmem:s14], $0x2800, $0x38;
	[tilespmem:$0x1F780] =	vst v63  }
0xb6: {  	_ =	swait.ge [sflag:s26], $0x2800  }
0xb7: {  	[sflag:s26] =	ssyncset.done $0x0  }
0xb8: {  	[sflag:s26] =	ssyncadd.s32 $0xFFFFD800  }
0xb9: {  	[hbm4b:s22+s3] =	stream.linear.scatter [tilespmem:s0], [sflag:$0x3], $0x2800, $0x38;
	[tilespmem:$0x1F780] =	vst v63  }
0xba: {  	_ =	swait.ge [sflag:s5], $0x2800  }
0xbb: {  	[sflag:s5] =	ssyncset.done $0x0  }
0xbc: {  	[sflag:s5] =	ssyncadd.s32 $0xFFFFD800  }
0xbd: {  	[tilespmem:s31], [sflag:$0x2] =	stream.linear.gather [spmem:s15], $0x2800, $0x38;
	[tilespmem:$0x1F780] =	vst v63  }
0xbe: {  	s6 =	sadd.s32 $0x1, s6;
	_ =	swait.ge [sflag:s30], $0x2800  }
0xbf: {  	p0 =	sne.s32 s6, s24;
	[sflag:s30] =	ssyncset.done $0x0  }
.Ltmp1:
0xc0: {  	[sflag:s30] =	ssyncadd.s32 $0xFFFFD800;
	(pc) =	sbr.rel @p0 .LBB2_1-.Ltmp1, $4  }
0xc1: {  	[hbm4b:s23+s3] =	stream.linear.scatter [tilespmem:s31], [sflag:$0x4], $0x2800, $0x38;
	[tilespmem:$0x1F780] =	vst v63  }
0xc2: {  	_ =	swait.ge [sflag:s5], $0x2800  }
0xc3: {  	[sflag:s5] =	ssyncset.done $0x0  }
0xc4: {  	[sflag:s5] =	ssyncadd.s32 $0xFFFFD800  }
0xc5: {  	_ =	sfence.sel $0x180000  }
0xc6: {  	[bflag:$0x0] =	sbarrier.arrive $0xFFFF  }
0xc7: {  	_ =	strace $0x9000004A  }
0xc8: {  	s0 =	stileid.u32;
	[bflag:$0x2] =	sbarrier.arrive $0xFFFF  }
0xc9: {  	p0 =	sne.s32 s0, $0x0;
	s0 =	rddreg [dreg:$0x2]  }
0xca: {  	s0 =	sadd.s32 @!p0 $0x100000, s0  }
0xcb: {  	[sflag:s0] =	ssyncadd.tile.s32 @!p0 $0x1;
	_ =	shalt  }
.Lfunc_end2:
_tile_overlayer_lowered:
.L_overlay_start_2:
0xcc: {  	(tag) =	ssettag $0x2  }
0xcd: {  	s0 =	rddreg [dreg:$0x0];
	s2 =	stileid.u32  }
0xce: {  	s1 =	rddreg [dreg:$0x1];
	p0 =	sne.s32 s2, $0x0  }
0xcf: {  	s3 =	rddreg [dreg:$0x2];
	[bflag:$0x3] =	sbarrier.arrive $0xFFFF;
	s2 =	simm.s32 @!p0 $0x1C05  }
0xd0: {  	[timem:s3], [sflag:s2] =	dma.local @!p0 [hbm:s0], s1  }
0xd1: {  	s0 =	simm.s32 @!p0 $0x5  }
0xd2: {  	_ =	swait.ge @!p0 [sflag:s0], s1  }
0xd3: {  	s1 =	ssub.s32 @!p0 $0x0, s1;
	[sflag:s0] =	ssyncset.done @!p0 $0x0  }
0xd4: {  	[sflag:s0] =	ssyncadd.s32 @!p0 s1  }
0xd5: {  	[bflag:$0x3] =	sbarrier.arrive $0xFFFF  }
0xd6: {  	_ =	shalt  }

// kernel: kernel.15.cloned.1.call-start
scs
__scs_entry_jumppad:
0x0: {  	(pc) =	sbr.rel $0x88, $3  }
0x1: {  	(tag) =	ssettag $0x0;
	lr =	simm.s32 $0x1  }
0x2: {  	[smem:$0x3F8C] =	sst lr;
	_ =	strace $0xD0000000  }
0x3: {  	_ = 	snop  }
0x4: {  	_ = 	snop  }
0x5: {  	_ = 	snop  }
0x6: {  	_ = 	snop  }
0x7: {  	_ = 	snop  }
__scs_overlays_trampoline_lowered:
0x8: {  	[smem:$0x3F9B] =	sst s0  }
0x9: {  	[smem:$0x3F9C] =	sst s1  }
0xa: {  	[smem:$0x3F9D] =	sst s2  }
0xb: {  	[smem:$0x3F9E] =	sst s3  }
0xc: {  	[smem:$0x3F9F] =	sst s4  }
0xd: {  	[smem:$0x3FA0] =	sst s5  }
0xe: {  	[smem:$0x3FA1] =	sst s6  }
0xf: {  	[smem:$0x3FA2] =	sst s7  }
0x10: {  	[smem:$0x3FA3] =	sst s8  }
0x11: {  	[smem:$0x3FA4] =	sst s9;
	s0 =	simm.s32 @!p0 $0x0  }
0x12: {  	s1 =	sld [smem:$0x3F8A];
	s0 =	simm.s32 @p0 $0x1  }
0x13: {  	[smem:$0x3FA5] =	sst s0;
	s0 =	simm.s32 @!p1 $0x0  }
0x14: {  	s2 =	sld [smem:$0x3F89];
	s0 =	simm.s32 @p1 $0x1  }
0x15: {  	[smem:$0x3FA6] =	sst s0;
	s0 =	simm.s32 @!p2 $0x0  }
0x16: {  	s3 =	sld [smem:$0x3FDB];
	s0 =	simm.s32 @p2 $0x1  }
0x17: {  	s4 =	simm.s32 $0x1BF5;
	[smem:$0x3FA8] =	sst s0  }
0x18: {  	s0 =	sld [smem:$0x3F8B];
	_ =	swait.ge [sflag:s4], $0x0  }
0x19: {  	s7 =	sld [smem:$0x3F8C]  }
0x1a: {  	s8 =	sadd.s32 $0xFFFFE003, lr  }
0x1b: {  	s9 =	sadd.s32 $0xFFFFFEF7, lr;
	s5 =	simm.s32 $0xFFFFFFFF;
	p2 =	slt.u32 s8, $0xFFFFF086  }
0x1c: {  	p1 =	slt.u32 s9, $0xF7A;
	s5 =	simm.s32 @!p2 $0x0  }
0x1d: {  	s5 =	simm.s32 @p1 $0x1;
	p0 =	seq.s32 s7, s2  }
0x1e: {  	s7 =	smul.u32 @!p0 $0xF7A, s2;
	p2 =	seq.s32 @!p0 s5, $0x0  }
0x1f: {  	s9 =	smul.u32 $0xF7A, s1;
	s8 =	simm.s32 @!p0 $0x1BF5;
	p2 =	por !p2, p0  }
0x20: {  	[sflag:s8] =	ssyncset.s32 @!p0 $0xFFFFF086;
	s6 =	sadd.s32 @!p0 s3, s7;
	s7 =	simm.s32 @!p0 $0x108  }
0x21: {  	s3 =	sadd.s32 s3, s9;
	s6 =	sadd.s32 @!p0 $0x88, s6;
	s7 =	simm.s32 @p2 $0x1082  }
0x22: {  	[simem:s7], [sflag:s8] =	dma.local @!p0 [hbm:s6], $0xF7A  }
0x23: {  	s9 =	sor.u32 $0xD0000000, s2;
	s6 =	simm.s32 $0x108;
	_ =	swait.ge @!p0 [sflag:s8], $0x0  }
0x24: {  	s3 =	sadd.s32 $0x88, s3;
	s6 =	simm.s32 @!p1 $0x1082;
	[sflag:s4] =	ssyncset.s32 $0xFFFFF086  }
0x25: {  	[simem:s6], [sflag:s4] =	dma.local [hbm:s3], $0xF7A  }
0x26: {  	[smem:$0x3F8C] =	sst s1;
	(tag) =	ssettag s2;
	_ =	strace s9  }
0x27: {  	s1 =	sld [smem:$0x3F9C]  }
0x28: {  	s2 =	sld [smem:$0x3F9D]  }
0x29: {  	s4 =	sld [smem:$0x3F9F]  }
0x2a: {  	p0 =	seq.s32 s5, $0x0;
	s5 =	sld [smem:$0x3FA0]  }
0x2b: {  	s6 =	sld [smem:$0x3FA1]  }
0x2c: {  	s7 =	sld [smem:$0x3FA2]  }
0x2d: {  	s3 =	simm.s32 $0x108;
	s8 =	sld [smem:$0x3FA3]  }
0x2e: {  	s3 =	simm.s32 @!p0 $0x1082;
	s9 =	sld [smem:$0x3FA4]  }
0x2f: {  	lr =	sadd.s32 s0, s3;
	s0 =	sld [smem:$0x3F9B]  }
0x30: {  	s3 =	sld [smem:$0x3F9E]  }
0x31: {  	[smem:$0x3FA7] =	sst s10  }
0x32: {  	s10 =	sld [smem:$0x3FA5];
	_ =	sdelay $0x3  }
0x33: {  	p0 =	seq.s32 s10, $0x1;
	s10 =	sld [smem:$0x3FA7];
	_ =	sdelay $0x3  }
0x34: {  	[smem:$0x3FA7] =	sst s10  }
0x35: {  	s10 =	sld [smem:$0x3FA6];
	_ =	sdelay $0x3  }
0x36: {  	p1 =	seq.s32 s10, $0x1;
	s10 =	sld [smem:$0x3FA7];
	_ =	sdelay $0x3  }
0x37: {  	[smem:$0x3FA7] =	sst s10  }
0x38: {  	s10 =	sld [smem:$0x3FA8]  }
0x39: {  	_ = 	snop;
	(pc) =	sbr.ind lr, $3  }
0x3a: {  	_ = 	snop  }
0x3b: {  	_ = 	snop  }
0x3c: {  	p2 =	seq.s32 s10, $0x1;
	s10 =	sld [smem:$0x3FA7]  }
0x3d: {  	_ =	shalt  }
0x3e: {  	_ =	shalt  }
0x3f: {  	_ =	shalt  }
0x40: {  	_ =	shalt  }
0x41: {  	_ =	shalt  }
0x42: {  	_ =	shalt  }
0x43: {  	_ =	shalt  }
0x44: {  	_ =	shalt  }
0x45: {  	_ =	shalt  }
0x46: {  	_ =	shalt  }
0x47: {  	_ =	shalt  }
0x48: {  	_ =	shalt  }
0x49: {  	_ =	shalt  }
0x4a: {  	_ =	shalt  }
0x4b: {  	_ =	shalt  }
0x4c: {  	_ =	shalt  }
0x4d: {  	_ =	shalt  }
0x4e: {  	_ =	shalt  }
0x4f: {  	_ =	shalt  }
0x50: {  	_ =	shalt  }
0x51: {  	_ =	shalt  }
0x52: {  	_ =	shalt  }
0x53: {  	_ =	shalt  }
0x54: {  	_ =	shalt  }
0x55: {  	_ =	shalt  }
0x56: {  	_ =	shalt  }
0x57: {  	_ =	shalt  }
0x58: {  	_ =	shalt  }
0x59: {  	_ =	shalt  }
0x5a: {  	_ =	shalt  }
0x5b: {  	_ =	shalt  }
0x5c: {  	_ =	shalt  }
0x5d: {  	_ =	shalt  }
0x5e: {  	_ =	shalt  }
0x5f: {  	_ =	shalt  }
0x60: {  	_ =	shalt  }
0x61: {  	_ =	shalt  }
0x62: {  	_ =	shalt  }
0x63: {  	_ =	shalt  }
0x64: {  	_ =	shalt  }
0x65: {  	_ =	shalt  }
0x66: {  	_ =	shalt  }
0x67: {  	_ =	shalt  }
0x68: {  	_ =	shalt  }
0x69: {  	_ =	shalt  }
0x6a: {  	_ =	shalt  }
0x6b: {  	_ =	shalt  }
0x6c: {  	_ =	shalt  }
0x6d: {  	_ =	shalt  }
0x6e: {  	_ =	shalt  }
0x6f: {  	_ =	shalt  }
0x70: {  	_ =	shalt  }
0x71: {  	_ =	shalt  }
0x72: {  	_ =	shalt  }
0x73: {  	_ =	shalt  }
0x74: {  	_ =	shalt  }
0x75: {  	_ =	shalt  }
0x76: {  	_ =	shalt  }
0x77: {  	_ =	shalt  }
0x78: {  	_ =	shalt  }
0x79: {  	_ =	shalt  }
0x7a: {  	_ =	shalt  }
0x7b: {  	_ =	shalt  }
0x7c: {  	_ =	shalt  }
0x7d: {  	_ =	shalt  }
0x7e: {  	_ =	shalt  }
0x7f: {  	_ =	shalt  }
0x80: {  	_ =	shalt  }
0x81: {  	_ =	shalt  }
0x82: {  	_ =	shalt  }
0x83: {  	_ =	shalt  }
0x84: {  	_ =	shalt  }
0x85: {  	_ =	shalt  }
0x86: {  	_ =	shalt  }
0x87: {  	_ =	shalt  }
.Lfunc_end0:
.L_simem_size_0:
called_computation.2_lowered:
.L_overlay_start_0:
0x88: {  	s2 =	sld [smem:$0x3FD9]  }
0x89: {  	s3 =	sld [smem:$0x3FFE];
	_ =	sdelay $0x1  }
0x8a: {  	s1 =	srdreg.scid  }
0x8b: {  	s0 =	sand.u32 $0x1, s1  }
0x8c: {  	s16 =	sshll.u32 s0, $0xA;
	s2 =	sadd.s32 s3, s2  }
0x8d: {  	s2 =	sadd.s32 s2, s16  }
0x8e: {  	[smem:$0x3FB3] =	sst s2  }
0x8f: {  	_ = 	snop  }
0x90: {  	(tm) =	ssettm $0x1  }
0x91: {  	s17 =	sld [smem:$0x3FFB];
	_ =	sdelay $0x3  }
0x92: {  	_ =	strace s17  }
0x93: {  	s2 =	sld [smem:$0x3FFC];
	_ =	sdelay $0x3  }
0x94: {  	_ =	strace s2  }
0x95: {  	s2 =	sld [smem:$0x3FFD];
	_ =	sdelay $0x3  }
0x96: {  	_ =	strace s2  }
0x97: {  	_ =	strace $0x8FFFFFFF  }
0x98: {  	s18 =	sld [smem:$0x3FDB];
	_ =	sdelay $0x1  }
0x99: {  	s19 =	simm.s32 $_scs_section_size  }
0x9a: {  	s4 =	simm.s32 $_size__tile_overlayer_lowered;
	s5 =	simm.s32 $_tile_overlayer_lowered  }
0x9b: {  	s22 =	simm.s32 $0x1BFF;
	s21 =	sshll.u32 s5, $0x1;
	s2 =	sadd.s32 s19, s18  }
0x9c: {  	s6 =	simm.s32 $0x0;
	s20 =	sshll.u32 s4, $0x1;
	s4 =	sadd.s32 s21, s2  }
0x9d: {  	[timem:s6], [sflag:s22] =	dma.local [hbm:s4], s20  }
0x9e: {  	_ =	swait.ge [sflag:s22], s20  }
0x9f: {  	s3 =	ssub.s32 $0x0, s20;
	[sflag:s22] =	ssyncset.done $0x0  }
0xa0: {  	[sflag:s22] =	ssyncadd.s32 s3;
	_ =	sdelay $0x1  }
0xa1: {  	s23 =	simm.s32 $0x1B8B  }
0xa2: {  	_ =	swait.ge [sflag:s23], $0x1  }
0xa3: {  	[sflag:s23] =	ssyncset.done $0x0  }
0xa4: {  	s25 =	simm.s32 $0x1B8E;
	s24 =	sld [smem:$0x3FFE];
	[sflag:s23] =	ssyncadd.s32 $0xFFFFFFFF  }
0xa5: {  	s26 =	simm.s32 $execute0_lowered;
	[smem:$0x3FD2] =	sst s25  }
0xa6: {  	s4 =	sshll.u32 s26, $0x1;
	_ =	strace $0x8000004C;
	[dreg:$0x1] =	wrdreg $0xFFFFFFFF  }
0xa7: {  	s28 =	simm.s32 $_size_execute0_lowered;
	s2 =	sadd.s32 s2, s4;
	[dreg:$0x0] =	wrdreg $0x0  }
0xa8: {  	s4 =	sshll.u32 s28, $0x1;
	[dreg:$0x2] =	wrdreg s2  }
0xa9: {  	[dreg:$0x3] =	wrdreg s4  }
0xaa: {  	[dreg:$0x4] =	wrdreg $0xC0  }
0xab: {  	_ =	task [dreg:s6], $0x5FFFF  }
0xac: {  	[dreg:$0x1] =	wrdreg $0xFFFFFFFF  }
0xad: {  	[dreg:$0x0] =	wrdreg $0x60  }
0xae: {  	[dreg:$0x2] =	wrdreg s24  }
0xaf: {  	[dreg:$0x3] =	wrdreg $0x0  }
0xb0: {  	[dreg:$0x4] =	wrdreg $0x9  }
0xb1: {  	_ =	task.clear_ibuf [dreg:s6], $0x5FFFF;
	_ =	strace $0x9000004C  }
0xb2: {  	s29 =	simm.s32 $0x9;
	_ =	strace $0x8000004E  }
0xb3: {  	_ =	swait.ge [sflag:s29], $0x1  }
0xb4: {  	[sflag:s29] =	ssyncadd.s32 $0xFFFFFFFF  }
0xb5: {  	_ =	strace $0x9000004E  }
0xb6: {  	_ =	sfence  }
0xb7: {  	s30 =	sld [smem:$0x0];
	_ =	sdelay $0x2  }
0xb8: {  	s31 =	sshll.u32 s1, $0xD;
	s1 =	sshrl.u32 s1, $0x2  }
0xb9: {  	s3 =	sand.u32 $0x4000, s31;
	s1 =	sadd.s32 s1, s30  }
0xba: {  	s0 =	sor.u32 s3, s0;
	s1 =	sshll.u32 s1, $0x11  }
0xbb: {  	s0 =	sor.u32 s1, s0  }
0xbc: {  	s0 =	sadd.s32 $0x8F2B, s0  }
0xbd: {  	[sflag:s0] =	ssyncadd.remote.s32 $0x1  }
0xbe: {  	_ =	sfence.sel $0xFFFF  }
0xbf: {  	[dreg:$0x0] =	wrdreg $0xFFFFFFFF;
	(pc) =	sbr.abs _section_cstart, $3  }
0xc0: {  	[dreg:$0x1] =	wrdreg $0xFFFFFFFF  }
0xc1: {  	_ =	task.clear_ibuf [dreg:s6], $0x2FFFF;
	_ =	strace $0x9FFFFFFF  }
0xc2: {  	(tm) =	ssettm $0x7FFFFFFF  }
0xc3: {  	_ =	shalt  }
tec
execute0_lowered:
.L_overlay_start_1:
0x0: {  	(tag) =	ssettag $0x1  }
0x1: {  	s0 =	rddreg [dreg:$0x0];
	s1 =	srdreg.scid  }
0x2: {  	s9 =	stileid.u32;
	s2 =	rddreg [dreg:$0x1]  }
0x3: {  	s28 =	simm.s32 $0x14000;
	s29 =	simm.s32 $0x5;
	s31 =	simm.s32 $0x1CF80  }
0x4: {  	s30 =	simm.s32 $0x2;
	s1 =	sand.u32 $0x1, s1;
	s17 =	smul.u32 $0x280, s9  }
0x5: {  	s3 =	sshll.u32 s9, $0x1;
	s5 =	sshrl.u32 s9, $0x2;
	s18 =	smul.u32 $0x50000, s9  }
0x6: {  	s19 =	sadd.s32 $0x46000, s0;
	s4 =	sor.u32 s1, s3;
	s5 =	smul.u32 $0x13C00, s5  }
0x7: {  	s3 =	simm.s32 $0x0;
	s8 =	smul.u32 $0x2800, s1;
	s1 =	ssub.s32 $0x2, s1  }
0x8: {  	s6 =	sshll.u32 s4, $0x7;
	[smem:$0x7FF] =	sst s3;
	s7 =	sshll.u32 s4, $0xB  }
0x9: {  	s4 =	sadd.s32 $0x1E000, s0;
	s20 =	sshrl.u32 s1, $0x1;
	s21 =	sshrl.u32 s18, $0x2  }
0xa: {  	s6 =	sand.u32 $0x380, s6;
	_ =	strace $0x8000004D;
	s7 =	sadd.s32 s7, s0  }
0xb: {  	[dreg:$0x3] =	wrdreg s19;
	s1 =	ssub.s32 s1, s20;
	s5 =	sor.u32 s5, s6  }
0xc: {  	s6 =	sadd.s32 s17, s8;
	s22 =	sadd.s32 $0x4200, s7;
	s8 =	sadd.s32 s21, s2  }
0xd: {  	s5 =	sshrl.u32 s5, $0x3;
	s6 =	sshll.u32 s6, $0x4;
	[dreg:$0x5] =	wrdreg s22  }
0xe: {  	s9 =	sadd.s32 $0x2800, s8;
	s10 =	sadd.s32 $0x5000, s8;
	s11 =	sadd.s32 $0x7800, s8  }
0xf: {  	s12 =	sadd.s32 $0xA000, s8;
	s13 =	sadd.s32 $0xC800, s8;
	s5 =	sadd.s32 s5, s0  }
0x10: {  	s14 =	sadd.s32 $0xF000, s8;
	s0 =	sadd.s32 s6, s0;
	s5 =	sadd.s32 $0x14200, s5  }
0x11: {  	s15 =	sadd.s32 $0x11800, s8;
	s23 =	sadd.s32 $0x46600, s0;
	[dreg:$0x4] =	wrdreg s5  }
0x12: {  	s6 =	simm.s32 $0x0;
	s24 =	sadd.s32 $0x46B00, s0;
	[dreg:$0x6] =	wrdreg s23  }
0x13: {  	s25 =	sadd.s32 $0x47000, s0;
	s26 =	sadd.s32 $0x47500, s0;
	[dreg:$0x7] =	wrdreg s24  }
0x14: {  	s20 =	sadd.s32 $0x47A00, s0;
	s21 =	sadd.s32 $0x47F00, s0;
	[dreg:$0x8] =	wrdreg s25  }
0x15: {  	s22 =	sadd.s32 $0x48400, s0;
	[dreg:$0x9] =	wrdreg s26;
	s23 =	sadd.s32 $0x48900, s0  }
0x16: {  	s24 =	smax.u32 s1, $0x1;
	s1 =	simm.s32 $0x50;
	s0 =	simm.s32 $0x1A780  }
0x17: {  	s25 =	simm.s32 $0x3;
	s26 =	simm.s32 $0x1;
	s5 =	simm.s32 $0x4  }
.LBB2_1:
0x18: {  	s7 =	rddreg [dreg:$0x4];
	s16 =	simm.s32 $0x80;
	s17 =	simm.s32 $0x400  }
0x19: {  	[tilespmem:s28], [sflag:$0x5] =	stream.strided.gather [hbm4b:s7+s16], $0x2780, s17, s16, $0x38;
	[tilespmem:$0x1F780] =	vst v63  }
0x1a: {  	_ =	swait.ge [sflag:s29], $0x2780  }
0x1b: {  	[sflag:s29] =	ssyncset.done $0x0  }
0x1c: {  	s18 =	simm.s32 $0x16780;
	s17 =	rddreg [dreg:$0x5];
	[sflag:s29] =	ssyncadd.s32 $0xFFFFD880  }
0x1d: {  	[tilespmem:s18], [sflag:$0x5] =	stream.linear.gather [hbm4b:s17+s3], $0x3E80, $0x38;
	[tilespmem:$0x1F780] =	vst v63  }
0x1e: {  	_ =	swait.ge [sflag:s29], $0x3E80  }
0x1f: {  	[sflag:s29] =	ssyncset.done $0x0  }
0x20: {  	s19 =	rddreg [dreg:$0x3];
	[sflag:s29] =	ssyncadd.s32 $0xFFFFC180  }
0x21: {  	[tilespmem:s31], [sflag:$0x5] =	stream.linear.gather [hbm4b:s19+s3], $0x2800, $0x38;
	[tilespmem:$0x1F780] =	vst v63  }
0x22: {  	_ =	swait.ge [sflag:s29], $0x2800  }
0x23: {  	[sflag:s29] =	ssyncset.done $0x0  }
0x24: {  	[sflag:s29] =	ssyncadd.s32 $0xFFFFD800  }
0x25: {  	[tilespmem:s0], [sflag:$0x1] =	stream.indirect.gather [hbm4b:s4+s1], $0x80, s28, s1, $0xb8;
	[tilespmem:$0x1F780] =	vst v63  }
0x26: {  	_ = 	snop  }
0x27: {  	[spmem:s8] =	stream.linear.scatter [tilespmem:s31], [sflag:$0x3], $0x2800, $0x38;
	[tilespmem:$0x1F780] =	vst v63  }
0x28: {  	_ = 	snop  }
0x29: {  	[spmem:s9] =	stream.linear.scatter [tilespmem:s31], [sflag:$0x3], $0x2800, $0x38;
	[tilespmem:$0x1F780] =	vst v63  }
0x2a: {  	_ = 	snop  }
0x2b: {  	[spmem:s10] =	stream.linear.scatter [tilespmem:s31], [sflag:$0x3], $0x2800, $0x38;
	[tilespmem:$0x1F780] =	vst v63  }
0x2c: {  	_ = 	snop  }
0x2d: {  	[spmem:s11] =	stream.linear.scatter [tilespmem:s31], [sflag:$0x3], $0x2800, $0x38;
	[tilespmem:$0x1F780] =	vst v63  }
0x2e: {  	_ = 	snop  }
0x2f: {  	[spmem:s12] =	stream.linear.scatter [tilespmem:s31], [sflag:$0x3], $0x2800, $0x38;
	[tilespmem:$0x1F780] =	vst v63  }
0x30: {  	_ = 	snop  }
0x31: {  	[spmem:s13] =	stream.linear.scatter [tilespmem:s31], [sflag:$0x3], $0x2800, $0x38;
	[tilespmem:$0x1F780] =	vst v63  }
0x32: {  	_ = 	snop  }
0x33: {  	[spmem:s14] =	stream.linear.scatter [tilespmem:s31], [sflag:$0x3], $0x2800, $0x38;
	[tilespmem:$0x1F780] =	vst v63  }
0x34: {  	_ = 	snop  }
0x35: {  	[spmem:s15] =	stream.linear.scatter [tilespmem:s31], [sflag:$0x3], $0x2800, $0x38;
	[tilespmem:$0x1F780] =	vst v63  }
0x36: {  	_ =	swait.ge [sflag:s25], $0x2800  }
0x37: {  	[sflag:s25] =	ssyncset.done $0x0  }
0x38: {  	[sflag:s25] =	ssyncadd.s32 $0xFFFFD800  }
0x39: {  	_ =	swait.ge [sflag:s25], $0x2800  }
0x3a: {  	[sflag:s25] =	ssyncset.done $0x0  }
0x3b: {  	[sflag:s25] =	ssyncadd.s32 $0xFFFFD800  }
0x3c: {  	_ =	swait.ge [sflag:s25], $0x2800  }
0x3d: {  	[sflag:s25] =	ssyncset.done $0x0  }
0x3e: {  	[sflag:s25] =	ssyncadd.s32 $0xFFFFD800  }
0x3f: {  	_ =	swait.ge [sflag:s25], $0x2800  }
0x40: {  	[sflag:s25] =	ssyncset.done $0x0  }
0x41: {  	[sflag:s25] =	ssyncadd.s32 $0xFFFFD800  }
0x42: {  	_ =	swait.ge [sflag:s25], $0x2800  }
0x43: {  	[sflag:s25] =	ssyncset.done $0x0  }
0x44: {  	[sflag:s25] =	ssyncadd.s32 $0xFFFFD800  }
0x45: {  	_ =	swait.ge [sflag:s25], $0x2800  }
0x46: {  	[sflag:s25] =	ssyncset.done $0x0  }
0x47: {  	[sflag:s25] =	ssyncadd.s32 $0xFFFFD800  }
0x48: {  	_ =	swait.ge [sflag:s25], $0x2800  }
0x49: {  	[sflag:s25] =	ssyncset.done $0x0  }
0x4a: {  	[sflag:s25] =	ssyncadd.s32 $0xFFFFD800  }
0x4b: {  	_ =	swait.ge [sflag:s25], $0x2800  }
0x4c: {  	[sflag:s25] =	ssyncset.done $0x0  }
0x4d: {  	[sflag:s25] =	ssyncadd.s32 $0xFFFFD800  }
0x4e: {  	s16 =	simm.s32 $0x14050;
	[bflag:$0x0] =	sbarrier.arrive $0xFFFF  }
0x4f: {  	[tilespmem:s31], [sflag:$0x2] =	stream.indirect.gather [hbm4b:s4+s1], $0x80, s16, s1, $0xb8;
	[tilespmem:$0x1F780] =	vst v63  }
0x50: {  	_ =	swait.ge [sflag:s26], $0x2800  }
0x51: {  	[sflag:s26] =	ssyncset.done $0x0  }
0x52: {  	s17 =	simm.s32 $0x16780;
	[sflag:s26] =	ssyncadd.s32 $0xFFFFD800  }
0x53: {  	[spmem:s2] =	stream.indirect.scatter.add.f32 [tilespmem:s0], [sflag:$0x5], $0x80, s17, s1, $0xb8;
	[tilespmem:$0x1F780] =	vst v63  }
0x54: {  	_ =	swait.ge [sflag:s29], $0x2800  }
0x55: {  	[sflag:s29] =	ssyncset.done $0x0  }
0x56: {  	s18 =	simm.s32 $0x140A0;
	[sflag:s29] =	ssyncadd.s32 $0xFFFFD800  }
0x57: {  	[tilespmem:s0], [sflag:$0x1] =	stream.indirect.gather [hbm4b:s4+s1], $0x80, s18, s1, $0xb8;
	[tilespmem:$0x1F780] =	vst v63  }
0x58: {  	_ =	swait.ge [sflag:s30], $0x2800  }
0x59: {  	[sflag:s30] =	ssyncset.done $0x0  }
0x5a: {  	s19 =	simm.s32 $0x16800;
	[sflag:s30] =	ssyncadd.s32 $0xFFFFD800  }
0x5b: {  	[spmem:s2] =	stream.indirect.scatter.add.f32 [tilespmem:s31], [sflag:$0x5], $0x80, s19, s1, $0xb8;
	[tilespmem:$0x1F780] =	vst v63  }
0x5c: {  	s7 =	simm.s32 $0x14140;
	_ =	swait.ge [sflag:s29], $0x2800  }
0x5d: {  	s16 =	simm.s32 $0x400;
	s17 =	simm.s32 $0x800;
	[sflag:s29] =	ssyncset.done $0x0  }
.LBB2_2:
0x5e: {  	p0 =	sne.s32 s17, $0xF400;
	s18 =	sadd.s32 $0xFFFFFFB0, s7;
	[sflag:s29] =	ssyncadd.s32 $0xFFFFD800  }
0x5f: {  	[tilespmem:s31], [sflag:$0x2] =	stream.indirect.gather [hbm4b:s4+s1], $0x80, s18, s1, $0xb8;
	[tilespmem:$0x1F780] =	vst v63  }
0x60: {  	s18 =	smov.u32 s17;
	s17 =	sadd.s32 $0x400, s17;
	_ =	swait.ge [sflag:s26], $0x2800  }
0x61: {  	s19 =	sshra.s32 s16, $0x2;
	s16 =	smov.u32 s18;
	[sflag:s26] =	ssyncset.done $0x0  }
0x62: {  	s18 =	sadd.s32 $0x16780, s19;
	[sflag:s26] =	ssyncadd.s32 $0xFFFFD800  }
0x63: {  	[spmem:s2] =	stream.indirect.scatter.add.f32 [tilespmem:s0], [sflag:$0x5], $0x80, s18, s1, $0xb8;
	[tilespmem:$0x1F780] =	vst v63  }
0x64: {  	_ =	swait.ge [sflag:s29], $0x2800  }
0x65: {  	[sflag:s29] =	ssyncset.done $0x0  }
0x66: {  	[sflag:s29] =	ssyncadd.s32 $0xFFFFD800  }
0x67: {  	[tilespmem:s0], [sflag:$0x1] =	stream.indirect.gather [hbm4b:s4+s1], $0x80, s7, s1, $0xb8;
	[tilespmem:$0x1F780] =	vst v63  }
0x68: {  	_ =	swait.ge [sflag:s30], $0x2800  }
.Ltmp0:
0x69: {  	[sflag:s30] =	ssyncset.done $0x0;
	(pc) =	sbr.rel @p0 .LBB2_2-.Ltmp0, $4  }
0x6a: {  	s18 =	sadd.s32 $0x16800, s19;
	[sflag:s30] =	ssyncadd.s32 $0xFFFFD800  }
0x6b: {  	[spmem:s2] =	stream.indirect.scatter.add.f32 [tilespmem:s31], [sflag:$0x5], $0x80, s18, s1, $0xb8;
	[tilespmem:$0x1F780] =	vst v63  }
0x6c: {  	_ =	swait.ge [sflag:s29], $0x2800  }
0x6d: {  	s7 =	sadd.s32 $0xA0, s7;
	[sflag:s29] =	ssyncset.done $0x0  }
0x6e: {  	s17 =	sadd.s32 $0xFFFFFFB0, s7;
	[sflag:s29] =	ssyncadd.s32 $0xFFFFD800  }
0x6f: {  	[tilespmem:s31], [sflag:$0x2] =	stream.indirect.gather [hbm4b:s4+s1], $0x80, s17, s1, $0xb8;
	[tilespmem:$0x1F780] =	vst v63  }
0x70: {  	_ =	swait.ge [sflag:s26], $0x2800  }
0x71: {  	s16 =	sshra.s32 s16, $0x2;
	[sflag:s26] =	ssyncset.done $0x0  }
0x72: {  	s19 =	sadd.s32 $0x16780, s16;
	[sflag:s26] =	ssyncadd.s32 $0xFFFFD800  }
0x73: {  	[spmem:s2] =	stream.indirect.scatter.add.f32 [tilespmem:s0], [sflag:$0x5], $0x80, s19, s1, $0xb8;
	[tilespmem:$0x1F780] =	vst v63  }
0x74: {  	_ =	swait.ge [sflag:s29], $0x2800  }
0x75: {  	[sflag:s29] =	ssyncset.done $0x0  }
0x76: {  	[sflag:s29] =	ssyncadd.s32 $0xFFFFD800  }
0x77: {  	[tilespmem:s0], [sflag:$0x1] =	stream.indirect.gather [hbm4b:s4+s1], $0x80, s7, s1, $0xb8;
	[tilespmem:$0x1F780] =	vst v63  }
0x78: {  	_ =	swait.ge [sflag:s30], $0x2800  }
0x79: {  	[sflag:s30] =	ssyncset.done $0x0  }
0x7a: {  	s18 =	sadd.s32 $0x16800, s16;
	[sflag:s30] =	ssyncadd.s32 $0xFFFFD800  }
0x7b: {  	[spmem:s2] =	stream.indirect.scatter.add.f32 [tilespmem:s31], [sflag:$0x5], $0x80, s18, s1, $0xb8;
	[tilespmem:$0x1F780] =	vst v63  }
0x7c: {  	_ =	swait.ge [sflag:s29], $0x2800  }
0x7d: {  	[sflag:s29] =	ssyncset.done $0x0  }
0x7e: {  	[sflag:s29] =	ssyncadd.s32 $0xFFFFD800  }
0x7f: {  	_ =	swait.ge [sflag:s26], $0x2800  }
0x80: {  	[sflag:s26] =	ssyncset.done $0x0  }
0x81: {  	s19 =	simm.s32 $0x1A580;
	[sflag:s26] =	ssyncadd.s32 $0xFFFFD800  }
0x82: {  	[spmem:s2] =	stream.indirect.scatter.add.f32 [tilespmem:s0], [sflag:$0x5], $0x80, s19, s1, $0xb8;
	[tilespmem:$0x1F780] =	vst v63  }
0x83: {  	_ =	swait.ge [sflag:s29], $0x2800  }
0x84: {  	[sflag:s29] =	ssyncset.done $0x0  }
0x85: {  	[sflag:s29] =	ssyncadd.s32 $0xFFFFD800  }
0x86: {  	[bflag:$0x0] =	sbarrier.arrive $0xFFFF  }
0x87: {  	[tilespmem:s0], [sflag:$0x1] =	stream.linear.gather [spmem:s8], $0x2800, $0x38;
	[tilespmem:$0x1F780] =	vst v63  }
0x88: {  	_ =	swait.ge [sflag:s26], $0x2800  }
0x89: {  	[sflag:s26] =	ssyncset.done $0x0  }
0x8a: {  	s16 =	rddreg [dreg:$0x6];
	[sflag:s26] =	ssyncadd.s32 $0xFFFFD800  }
0x8b: {  	[hbm4b:s16+s3] =	stream.linear.scatter [tilespmem:s0], [sflag:$0x3], $0x2800, $0x38;
	[tilespmem:$0x1F780] =	vst v63  }
0x8c: {  	_ = 	snop  }
0x8d: {  	[tilespmem:s31], [sflag:$0x2] =	stream.linear.gather [spmem:s9], $0x2800, $0x38;
	[tilespmem:$0x1F780] =	vst v63  }
0x8e: {  	_ =	swait.ge [sflag:s30], $0x2800  }
0x8f: {  	[sflag:s30] =	ssyncset.done $0x0  }
0x90: {  	s17 =	rddreg [dreg:$0x7];
	[sflag:s30] =	ssyncadd.s32 $0xFFFFD800  }
0x91: {  	[hbm4b:s17+s3] =	stream.linear.scatter [tilespmem:s31], [sflag:$0x4], $0x2800, $0x38;
	[tilespmem:$0x1F780] =	vst v63  }
0x92: {  	_ =	swait.ge [sflag:s25], $0x2800  }
0x93: {  	[sflag:s25] =	ssyncset.done $0x0  }
0x94: {  	[sflag:s25] =	ssyncadd.s32 $0xFFFFD800  }
0x95: {  	[tilespmem:s0], [sflag:$0x1] =	stream.linear.gather [spmem:s10], $0x2800, $0x38;
	[tilespmem:$0x1F780] =	vst v63  }
0x96: {  	_ =	swait.ge [sflag:s26], $0x2800  }
0x97: {  	[sflag:s26] =	ssyncset.done $0x0  }
0x98: {  	s18 =	rddreg [dreg:$0x8];
	[sflag:s26] =	ssyncadd.s32 $0xFFFFD800  }
0x99: {  	[hbm4b:s18+s3] =	stream.linear.scatter [tilespmem:s0], [sflag:$0x3], $0x2800, $0x38;
	[tilespmem:$0x1F780] =	vst v63  }
0x9a: {  	_ =	swait.ge [sflag:s5], $0x2800  }
0x9b: {  	[sflag:s5] =	ssyncset.done $0x0  }
0x9c: {  	[sflag:s5] =	ssyncadd.s32 $0xFFFFD800  }
0x9d: {  	[tilespmem:s31], [sflag:$0x2] =	stream.linear.gather [spmem:s11], $0x2800, $0x38;
	[tilespmem:$0x1F780] =	vst v63  }
0x9e: {  	_ =	swait.ge [sflag:s30], $0x2800  }
0x9f: {  	[sflag:s30] =	ssyncset.done $0x0  }
0xa0: {  	s19 =	rddreg [dreg:$0x9];
	[sflag:s30] =	ssyncadd.s32 $0xFFFFD800  }
0xa1: {  	[hbm4b:s19+s3] =	stream.linear.scatter [tilespmem:s31], [sflag:$0x4], $0x2800, $0x38;
	[tilespmem:$0x1F780] =	vst v63  }
0xa2: {  	_ =	swait.ge [sflag:s25], $0x2800  }
0xa3: {  	[sflag:s25] =	ssyncset.done $0x0  }
0xa4: {  	[sflag:s25] =	ssyncadd.s32 $0xFFFFD800  }
0xa5: {  	[tilespmem:s0], [sflag:$0x1] =	stream.linear.gather [spmem:s12], $0x2800, $0x38;
	[tilespmem:$0x1F780] =	vst v63  }
0xa6: {  	_ =	swait.ge [sflag:s26], $0x2800  }
0xa7: {  	[sflag:s26] =	ssyncset.done $0x0  }
0xa8: {  	[sflag:s26] =	ssyncadd.s32 $0xFFFFD800  }
0xa9: {  	[hbm4b:s20+s3] =	stream.linear.scatter [tilespmem:s0], [sflag:$0x3], $0x2800, $0x38;
	[tilespmem:$0x1F780] =	vst v63  }
0xaa: {  	_ =	swait.ge [sflag:s5], $0x2800  }
0xab: {  	[sflag:s5] =	ssyncset.done $0x0  }
0xac: {  	[sflag:s5] =	ssyncadd.s32 $0xFFFFD800  }
0xad: {  	[tilespmem:s31], [sflag:$0x2] =	stream.linear.gather [spmem:s13], $0x2800, $0x38;
	[tilespmem:$0x1F780] =	vst v63  }
0xae: {  	_ =	swait.ge [sflag:s30], $0x2800  }
0xaf: {  	[sflag:s30] =	ssyncset.done $0x0  }
0xb0: {  	[sflag:s30] =	ssyncadd.s32 $0xFFFFD800  }
0xb1: {  	[hbm4b:s21+s3] =	stream.linear.scatter [tilespmem:s31], [sflag:$0x4], $0x2800, $0x38;
	[tilespmem:$0x1F780] =	vst v63  }
0xb2: {  	_ =	swait.ge [sflag:s25], $0x2800  }
0xb3: {  	[sflag:s25] =	ssyncset.done $0x0  }
0xb4: {  	[sflag:s25] =	ssyncadd.s32 $0xFFFFD800  }
0xb5: {  	[tilespmem:s0], [sflag:$0x1] =	stream.linear.gather [spmem:s14], $0x2800, $0x38;
	[tilespmem:$0x1F780] =	vst v63  }
0xb6: {  	_ =	swait.ge [sflag:s26], $0x2800  }
0xb7: {  	[sflag:s26] =	ssyncset.done $0x0  }
0xb8: {  	[sflag:s26] =	ssyncadd.s32 $0xFFFFD800  }
0xb9: {  	[hbm4b:s22+s3] =	stream.linear.scatter [tilespmem:s0], [sflag:$0x3], $0x2800, $0x38;
	[tilespmem:$0x1F780] =	vst v63  }
0xba: {  	_ =	swait.ge [sflag:s5], $0x2800  }
0xbb: {  	[sflag:s5] =	ssyncset.done $0x0  }
0xbc: {  	[sflag:s5] =	ssyncadd.s32 $0xFFFFD800  }
0xbd: {  	[tilespmem:s31], [sflag:$0x2] =	stream.linear.gather [spmem:s15], $0x2800, $0x38;
	[tilespmem:$0x1F780] =	vst v63  }
0xbe: {  	s6 =	sadd.s32 $0x1, s6;
	_ =	swait.ge [sflag:s30], $0x2800  }
0xbf: {  	p0 =	sne.s32 s6, s24;
	[sflag:s30] =	ssyncset.done $0x0  }
.Ltmp1:
0xc0: {  	[sflag:s30] =	ssyncadd.s32 $0xFFFFD800;
	(pc) =	sbr.rel @p0 .LBB2_1-.Ltmp1, $4  }
0xc1: {  	[hbm4b:s23+s3] =	stream.linear.scatter [tilespmem:s31], [sflag:$0x4], $0x2800, $0x38;
	[tilespmem:$0x1F780] =	vst v63  }
0xc2: {  	_ =	swait.ge [sflag:s5], $0x2800  }
0xc3: {  	[sflag:s5] =	ssyncset.done $0x0  }
0xc4: {  	[sflag:s5] =	ssyncadd.s32 $0xFFFFD800  }
0xc5: {  	_ =	sfence.sel $0x180000  }
0xc6: {  	[bflag:$0x0] =	sbarrier.arrive $0xFFFF  }
0xc7: {  	_ =	strace $0x9000004D  }
0xc8: {  	s0 =	stileid.u32;
	[bflag:$0x2] =	sbarrier.arrive $0xFFFF  }
0xc9: {  	p0 =	sne.s32 s0, $0x0;
	s0 =	rddreg [dreg:$0x2]  }
0xca: {  	s0 =	sadd.s32 @!p0 $0x100000, s0  }
0xcb: {  	[sflag:s0] =	ssyncadd.tile.s32 @!p0 $0x1;
	_ =	shalt  }
.Lfunc_end2:
_tile_overlayer_lowered:
.L_overlay_start_2:
0xcc: {  	(tag) =	ssettag $0x2  }
0xcd: {  	s0 =	rddreg [dreg:$0x0];
	s2 =	stileid.u32  }
0xce: {  	s1 =	rddreg [dreg:$0x1];
	p0 =	sne.s32 s2, $0x0  }
0xcf: {  	s3 =	rddreg [dreg:$0x2];
	[bflag:$0x3] =	sbarrier.arrive $0xFFFF;
	s2 =	simm.s32 @!p0 $0x1C05  }
0xd0: {  	[timem:s3], [sflag:s2] =	dma.local @!p0 [hbm:s0], s1  }
0xd1: {  	s0 =	simm.s32 @!p0 $0x5  }
0xd2: {  	_ =	swait.ge @!p0 [sflag:s0], s1  }
0xd3: {  	s1 =	ssub.s32 @!p0 $0x0, s1;
	[sflag:s0] =	ssyncset.done @!p0 $0x0  }
0xd4: {  	[sflag:s0] =	ssyncadd.s32 @!p0 s1  }
0xd5: {  	[bflag:$0x3] =	sbarrier.arrive $0xFFFF  }
0xd6: {  	_ =	shalt  }

// kernel: kernel.9.cloned.1.call-start
scs
__scs_entry_jumppad:
0x0: {  	(pc) =	sbr.rel $0x88, $3  }
0x1: {  	(tag) =	ssettag $0x0;
	lr =	simm.s32 $0x1  }
0x2: {  	[smem:$0x3F8C] =	sst lr;
	_ =	strace $0xD0000000  }
0x3: {  	_ = 	snop  }
0x4: {  	_ = 	snop  }
0x5: {  	_ = 	snop  }
0x6: {  	_ = 	snop  }
0x7: {  	_ = 	snop  }
__scs_overlays_trampoline_lowered:
0x8: {  	[smem:$0x3F9B] =	sst s0  }
0x9: {  	[smem:$0x3F9C] =	sst s1  }
0xa: {  	[smem:$0x3F9D] =	sst s2  }
0xb: {  	[smem:$0x3F9E] =	sst s3  }
0xc: {  	[smem:$0x3F9F] =	sst s4  }
0xd: {  	[smem:$0x3FA0] =	sst s5  }
0xe: {  	[smem:$0x3FA1] =	sst s6  }
0xf: {  	[smem:$0x3FA2] =	sst s7  }
0x10: {  	[smem:$0x3FA3] =	sst s8  }
0x11: {  	[smem:$0x3FA4] =	sst s9;
	s0 =	simm.s32 @!p0 $0x0  }
0x12: {  	s1 =	sld [smem:$0x3F8A];
	s0 =	simm.s32 @p0 $0x1  }
0x13: {  	[smem:$0x3FA5] =	sst s0;
	s0 =	simm.s32 @!p1 $0x0  }
0x14: {  	s2 =	sld [smem:$0x3F89];
	s0 =	simm.s32 @p1 $0x1  }
0x15: {  	[smem:$0x3FA6] =	sst s0;
	s0 =	simm.s32 @!p2 $0x0  }
0x16: {  	s3 =	sld [smem:$0x3FDB];
	s0 =	simm.s32 @p2 $0x1  }
0x17: {  	s4 =	simm.s32 $0x1BF5;
	[smem:$0x3FA8] =	sst s0  }
0x18: {  	s0 =	sld [smem:$0x3F8B];
	_ =	swait.ge [sflag:s4], $0x0  }
0x19: {  	s7 =	sld [smem:$0x3F8C]  }
0x1a: {  	s8 =	sadd.s32 $0xFFFFE003, lr  }
0x1b: {  	s9 =	sadd.s32 $0xFFFFFEF7, lr;
	s5 =	simm.s32 $0xFFFFFFFF;
	p2 =	slt.u32 s8, $0xFFFFF086  }
0x1c: {  	p1 =	slt.u32 s9, $0xF7A;
	s5 =	simm.s32 @!p2 $0x0  }
0x1d: {  	s5 =	simm.s32 @p1 $0x1;
	p0 =	seq.s32 s7, s2  }
0x1e: {  	s7 =	smul.u32 @!p0 $0xF7A, s2;
	p2 =	seq.s32 @!p0 s5, $0x0  }
0x1f: {  	s9 =	smul.u32 $0xF7A, s1;
	s8 =	simm.s32 @!p0 $0x1BF5;
	p2 =	por !p2, p0  }
0x20: {  	[sflag:s8] =	ssyncset.s32 @!p0 $0xFFFFF086;
	s6 =	sadd.s32 @!p0 s3, s7;
	s7 =	simm.s32 @!p0 $0x108  }
0x21: {  	s3 =	sadd.s32 s3, s9;
	s6 =	sadd.s32 @!p0 $0x88, s6;
	s7 =	simm.s32 @p2 $0x1082  }
0x22: {  	[simem:s7], [sflag:s8] =	dma.local @!p0 [hbm:s6], $0xF7A  }
0x23: {  	s9 =	sor.u32 $0xD0000000, s2;
	s6 =	simm.s32 $0x108;
	_ =	swait.ge @!p0 [sflag:s8], $0x0  }
0x24: {  	s3 =	sadd.s32 $0x88, s3;
	s6 =	simm.s32 @!p1 $0x1082;
	[sflag:s4] =	ssyncset.s32 $0xFFFFF086  }
0x25: {  	[simem:s6], [sflag:s4] =	dma.local [hbm:s3], $0xF7A  }
0x26: {  	[smem:$0x3F8C] =	sst s1;
	(tag) =	ssettag s2;
	_ =	strace s9  }
0x27: {  	s1 =	sld [smem:$0x3F9C]  }
0x28: {  	s2 =	sld [smem:$0x3F9D]  }
0x29: {  	s4 =	sld [smem:$0x3F9F]  }
0x2a: {  	p0 =	seq.s32 s5, $0x0;
	s5 =	sld [smem:$0x3FA0]  }
0x2b: {  	s6 =	sld [smem:$0x3FA1]  }
0x2c: {  	s7 =	sld [smem:$0x3FA2]  }
0x2d: {  	s3 =	simm.s32 $0x108;
	s8 =	sld [smem:$0x3FA3]  }
0x2e: {  	s3 =	simm.s32 @!p0 $0x1082;
	s9 =	sld [smem:$0x3FA4]  }
0x2f: {  	lr =	sadd.s32 s0, s3;
	s0 =	sld [smem:$0x3F9B]  }
0x30: {  	s3 =	sld [smem:$0x3F9E]  }
0x31: {  	[smem:$0x3FA7] =	sst s10  }
0x32: {  	s10 =	sld [smem:$0x3FA5];
	_ =	sdelay $0x3  }
0x33: {  	p0 =	seq.s32 s10, $0x1;
	s10 =	sld [smem:$0x3FA7];
	_ =	sdelay $0x3  }
0x34: {  	[smem:$0x3FA7] =	sst s10  }
0x35: {  	s10 =	sld [smem:$0x3FA6];
	_ =	sdelay $0x3  }
0x36: {  	p1 =	seq.s32 s10, $0x1;
	s10 =	sld [smem:$0x3FA7];
	_ =	sdelay $0x3  }
0x37: {  	[smem:$0x3FA7] =	sst s10  }
0x38: {  	s10 =	sld [smem:$0x3FA8]  }
0x39: {  	_ = 	snop;
	(pc) =	sbr.ind lr, $3  }
0x3a: {  	_ = 	snop  }
0x3b: {  	_ = 	snop  }
0x3c: {  	p2 =	seq.s32 s10, $0x1;
	s10 =	sld [smem:$0x3FA7]  }
0x3d: {  	_ =	shalt  }
0x3e: {  	_ =	shalt  }
0x3f: {  	_ =	shalt  }
0x40: {  	_ =	shalt  }
0x41: {  	_ =	shalt  }
0x42: {  	_ =	shalt  }
0x43: {  	_ =	shalt  }
0x44: {  	_ =	shalt  }
0x45: {  	_ =	shalt  }
0x46: {  	_ =	shalt  }
0x47: {  	_ =	shalt  }
0x48: {  	_ =	shalt  }
0x49: {  	_ =	shalt  }
0x4a: {  	_ =	shalt  }
0x4b: {  	_ =	shalt  }
0x4c: {  	_ =	shalt  }
0x4d: {  	_ =	shalt  }
0x4e: {  	_ =	shalt  }
0x4f: {  	_ =	shalt  }
0x50: {  	_ =	shalt  }
0x51: {  	_ =	shalt  }
0x52: {  	_ =	shalt  }
0x53: {  	_ =	shalt  }
0x54: {  	_ =	shalt  }
0x55: {  	_ =	shalt  }
0x56: {  	_ =	shalt  }
0x57: {  	_ =	shalt  }
0x58: {  	_ =	shalt  }
0x59: {  	_ =	shalt  }
0x5a: {  	_ =	shalt  }
0x5b: {  	_ =	shalt  }
0x5c: {  	_ =	shalt  }
0x5d: {  	_ =	shalt  }
0x5e: {  	_ =	shalt  }
0x5f: {  	_ =	shalt  }
0x60: {  	_ =	shalt  }
0x61: {  	_ =	shalt  }
0x62: {  	_ =	shalt  }
0x63: {  	_ =	shalt  }
0x64: {  	_ =	shalt  }
0x65: {  	_ =	shalt  }
0x66: {  	_ =	shalt  }
0x67: {  	_ =	shalt  }
0x68: {  	_ =	shalt  }
0x69: {  	_ =	shalt  }
0x6a: {  	_ =	shalt  }
0x6b: {  	_ =	shalt  }
0x6c: {  	_ =	shalt  }
0x6d: {  	_ =	shalt  }
0x6e: {  	_ =	shalt  }
0x6f: {  	_ =	shalt  }
0x70: {  	_ =	shalt  }
0x71: {  	_ =	shalt  }
0x72: {  	_ =	shalt  }
0x73: {  	_ =	shalt  }
0x74: {  	_ =	shalt  }
0x75: {  	_ =	shalt  }
0x76: {  	_ =	shalt  }
0x77: {  	_ =	shalt  }
0x78: {  	_ =	shalt  }
0x79: {  	_ =	shalt  }
0x7a: {  	_ =	shalt  }
0x7b: {  	_ =	shalt  }
0x7c: {  	_ =	shalt  }
0x7d: {  	_ =	shalt  }
0x7e: {  	_ =	shalt  }
0x7f: {  	_ =	shalt  }
0x80: {  	_ =	shalt  }
0x81: {  	_ =	shalt  }
0x82: {  	_ =	shalt  }
0x83: {  	_ =	shalt  }
0x84: {  	_ =	shalt  }
0x85: {  	_ =	shalt  }
0x86: {  	_ =	shalt  }
0x87: {  	_ =	shalt  }
.Lfunc_end0:
.L_simem_size_0:
called_computation_lowered:
.L_overlay_start_0:
0x88: {  	s2 =	sld [smem:$0x3FD9]  }
0x89: {  	s3 =	sld [smem:$0x3FFE];
	_ =	sdelay $0x1  }
0x8a: {  	s1 =	srdreg.scid  }
0x8b: {  	s0 =	sand.u32 $0x1, s1  }
0x8c: {  	s16 =	sshll.u32 s0, $0xA;
	s2 =	sadd.s32 s3, s2  }
0x8d: {  	s2 =	sadd.s32 s2, s16  }
0x8e: {  	[smem:$0x3FB3] =	sst s2  }
0x8f: {  	_ = 	snop  }
0x90: {  	(tm) =	ssettm $0x1  }
0x91: {  	s17 =	sld [smem:$0x3FFB];
	_ =	sdelay $0x3  }
0x92: {  	_ =	strace s17  }
0x93: {  	s2 =	sld [smem:$0x3FFC];
	_ =	sdelay $0x3  }
0x94: {  	_ =	strace s2  }
0x95: {  	s2 =	sld [smem:$0x3FFD];
	_ =	sdelay $0x3  }
0x96: {  	_ =	strace s2  }
0x97: {  	_ =	strace $0x8FFFFFFF  }
0x98: {  	s18 =	sld [smem:$0x3FDB];
	_ =	sdelay $0x1  }
0x99: {  	s19 =	simm.s32 $_scs_section_size  }
0x9a: {  	s4 =	simm.s32 $_size__tile_overlayer_lowered;
	s5 =	simm.s32 $_tile_overlayer_lowered  }
0x9b: {  	s22 =	simm.s32 $0x1BFF;
	s21 =	sshll.u32 s5, $0x1;
	s2 =	sadd.s32 s19, s18  }
0x9c: {  	s6 =	simm.s32 $0x0;
	s20 =	sshll.u32 s4, $0x1;
	s4 =	sadd.s32 s21, s2  }
0x9d: {  	[timem:s6], [sflag:s22] =	dma.local [hbm:s4], s20  }
0x9e: {  	_ =	swait.ge [sflag:s22], s20  }
0x9f: {  	s3 =	ssub.s32 $0x0, s20;
	[sflag:s22] =	ssyncset.done $0x0  }
0xa0: {  	[sflag:s22] =	ssyncadd.s32 s3;
	_ =	sdelay $0x1  }
0xa1: {  	s23 =	simm.s32 $0x1B8B  }
0xa2: {  	_ =	swait.ge [sflag:s23], $0x1  }
0xa3: {  	[sflag:s23] =	ssyncset.done $0x0  }
0xa4: {  	s25 =	simm.s32 $0x1B8E;
	s24 =	sld [smem:$0x3FFE];
	[sflag:s23] =	ssyncadd.s32 $0xFFFFFFFF  }
0xa5: {  	s26 =	simm.s32 $execute0_lowered;
	[smem:$0x3FD2] =	sst s25  }
0xa6: {  	s4 =	sshll.u32 s26, $0x1;
	_ =	strace $0x80000046;
	[dreg:$0x1] =	wrdreg $0xFFFFFFFF  }
0xa7: {  	s28 =	simm.s32 $_size_execute0_lowered;
	s2 =	sadd.s32 s2, s4;
	[dreg:$0x0] =	wrdreg $0x0  }
0xa8: {  	s4 =	sshll.u32 s28, $0x1;
	[dreg:$0x2] =	wrdreg s2  }
0xa9: {  	[dreg:$0x3] =	wrdreg s4  }
0xaa: {  	[dreg:$0x4] =	wrdreg $0xC0  }
0xab: {  	_ =	task [dreg:s6], $0x5FFFF  }
0xac: {  	[dreg:$0x1] =	wrdreg $0xFFFFFFFF  }
0xad: {  	[dreg:$0x0] =	wrdreg $0x60  }
0xae: {  	[dreg:$0x2] =	wrdreg s24  }
0xaf: {  	[dreg:$0x3] =	wrdreg $0x0  }
0xb0: {  	[dreg:$0x4] =	wrdreg $0x9  }
0xb1: {  	_ =	task.clear_ibuf [dreg:s6], $0x5FFFF;
	_ =	strace $0x90000046  }
0xb2: {  	s29 =	simm.s32 $0x9;
	_ =	strace $0x80000048  }
0xb3: {  	_ =	swait.ge [sflag:s29], $0x1  }
0xb4: {  	[sflag:s29] =	ssyncadd.s32 $0xFFFFFFFF  }
0xb5: {  	_ =	strace $0x90000048  }
0xb6: {  	_ =	sfence  }
0xb7: {  	s30 =	sld [smem:$0x0];
	_ =	sdelay $0x2  }
0xb8: {  	s31 =	sshll.u32 s1, $0xD;
	s1 =	sshrl.u32 s1, $0x2  }
0xb9: {  	s3 =	sand.u32 $0x4000, s31;
	s1 =	sadd.s32 s1, s30  }
0xba: {  	s0 =	sor.u32 s3, s0;
	s1 =	sshll.u32 s1, $0x11  }
0xbb: {  	s0 =	sor.u32 s1, s0  }
0xbc: {  	s0 =	sadd.s32 $0x8F2B, s0  }
0xbd: {  	[sflag:s0] =	ssyncadd.remote.s32 $0x1  }
0xbe: {  	_ =	sfence.sel $0xFFFF  }
0xbf: {  	[dreg:$0x0] =	wrdreg $0xFFFFFFFF;
	(pc) =	sbr.abs _section_cstart, $3  }
0xc0: {  	[dreg:$0x1] =	wrdreg $0xFFFFFFFF  }
0xc1: {  	_ =	task.clear_ibuf [dreg:s6], $0x2FFFF;
	_ =	strace $0x9FFFFFFF  }
0xc2: {  	(tm) =	ssettm $0x7FFFFFFF  }
0xc3: {  	_ =	shalt  }
tec
execute0_lowered:
.L_overlay_start_1:
0x0: {  	(tag) =	ssettag $0x1  }
0x1: {  	s0 =	rddreg [dreg:$0x0];
	s1 =	srdreg.scid  }
0x2: {  	s9 =	stileid.u32;
	s2 =	rddreg [dreg:$0x1]  }
0x3: {  	s28 =	simm.s32 $0x14000;
	s29 =	simm.s32 $0x5;
	s31 =	simm.s32 $0x1CF80  }
0x4: {  	s30 =	simm.s32 $0x2;
	s1 =	sand.u32 $0x1, s1;
	s17 =	smul.u32 $0x280, s9  }
0x5: {  	s3 =	sshll.u32 s9, $0x1;
	s5 =	sshrl.u32 s9, $0x2;
	s18 =	smul.u32 $0x50000, s9  }
0x6: {  	s19 =	sadd.s32 $0x46000, s0;
	s4 =	sor.u32 s1, s3;
	s5 =	smul.u32 $0x13C00, s5  }
0x7: {  	s3 =	simm.s32 $0x0;
	s8 =	smul.u32 $0x2800, s1;
	s1 =	ssub.s32 $0x2, s1  }
0x8: {  	s6 =	sshll.u32 s4, $0x7;
	[smem:$0x7FF] =	sst s3;
	s7 =	sshll.u32 s4, $0xB  }
0x9: {  	s4 =	sadd.s32 $0x1E000, s0;
	s20 =	sshrl.u32 s1, $0x1;
	s21 =	sshrl.u32 s18, $0x2  }
0xa: {  	s6 =	sand.u32 $0x380, s6;
	_ =	strace $0x80000047;
	s7 =	sadd.s32 s7, s0  }
0xb: {  	[dreg:$0x3] =	wrdreg s19;
	s1 =	ssub.s32 s1, s20;
	s5 =	sor.u32 s5, s6  }
0xc: {  	s6 =	sadd.s32 s17, s8;
	s22 =	sadd.s32 $0x4200, s7;
	s8 =	sadd.s32 s21, s2  }
0xd: {  	s5 =	sshrl.u32 s5, $0x3;
	s6 =	sshll.u32 s6, $0x4;
	[dreg:$0x5] =	wrdreg s22  }
0xe: {  	s9 =	sadd.s32 $0x2800, s8;
	s10 =	sadd.s32 $0x5000, s8;
	s11 =	sadd.s32 $0x7800, s8  }
0xf: {  	s12 =	sadd.s32 $0xA000, s8;
	s13 =	sadd.s32 $0xC800, s8;
	s5 =	sadd.s32 s5, s0  }
0x10: {  	s14 =	sadd.s32 $0xF000, s8;
	s0 =	sadd.s32 s6, s0;
	s5 =	sadd.s32 $0x14200, s5  }
0x11: {  	s15 =	sadd.s32 $0x11800, s8;
	s23 =	sadd.s32 $0x46600, s0;
	[dreg:$0x4] =	wrdreg s5  }
0x12: {  	s6 =	simm.s32 $0x0;
	s24 =	sadd.s32 $0x46B00, s0;
	[dreg:$0x6] =	wrdreg s23  }
0x13: {  	s25 =	sadd.s32 $0x47000, s0;
	s26 =	sadd.s32 $0x47500, s0;
	[dreg:$0x7] =	wrdreg s24  }
0x14: {  	s20 =	sadd.s32 $0x47A00, s0;
	s21 =	sadd.s32 $0x47F00, s0;
	[dreg:$0x8] =	wrdreg s25  }
0x15: {  	s22 =	sadd.s32 $0x48400, s0;
	[dreg:$0x9] =	wrdreg s26;
	s23 =	sadd.s32 $0x48900, s0  }
0x16: {  	s24 =	smax.u32 s1, $0x1;
	s1 =	simm.s32 $0x50;
	s0 =	simm.s32 $0x1A780  }
0x17: {  	s25 =	simm.s32 $0x3;
	s26 =	simm.s32 $0x1;
	s5 =	simm.s32 $0x4  }
.LBB2_1:
0x18: {  	s7 =	rddreg [dreg:$0x4];
	s16 =	simm.s32 $0x80;
	s17 =	simm.s32 $0x400  }
0x19: {  	[tilespmem:s28], [sflag:$0x5] =	stream.strided.gather [hbm4b:s7+s16], $0x2780, s17, s16, $0x38;
	[tilespmem:$0x1F780] =	vst v63  }
0x1a: {  	_ =	swait.ge [sflag:s29], $0x2780  }
0x1b: {  	[sflag:s29] =	ssyncset.done $0x0  }
0x1c: {  	s18 =	simm.s32 $0x16780;
	s17 =	rddreg [dreg:$0x5];
	[sflag:s29] =	ssyncadd.s32 $0xFFFFD880  }
0x1d: {  	[tilespmem:s18], [sflag:$0x5] =	stream.linear.gather [hbm4b:s17+s3], $0x3E80, $0x38;
	[tilespmem:$0x1F780] =	vst v63  }
0x1e: {  	_ =	swait.ge [sflag:s29], $0x3E80  }
0x1f: {  	[sflag:s29] =	ssyncset.done $0x0  }
0x20: {  	s19 =	rddreg [dreg:$0x3];
	[sflag:s29] =	ssyncadd.s32 $0xFFFFC180  }
0x21: {  	[tilespmem:s31], [sflag:$0x5] =	stream.linear.gather [hbm4b:s19+s3], $0x2800, $0x38;
	[tilespmem:$0x1F780] =	vst v63  }
0x22: {  	_ =	swait.ge [sflag:s29], $0x2800  }
0x23: {  	[sflag:s29] =	ssyncset.done $0x0  }
0x24: {  	[sflag:s29] =	ssyncadd.s32 $0xFFFFD800  }
0x25: {  	[tilespmem:s0], [sflag:$0x1] =	stream.indirect.gather [hbm4b:s4+s1], $0x80, s28, s1, $0xb8;
	[tilespmem:$0x1F780] =	vst v63  }
0x26: {  	_ = 	snop  }
0x27: {  	[spmem:s8] =	stream.linear.scatter [tilespmem:s31], [sflag:$0x3], $0x2800, $0x38;
	[tilespmem:$0x1F780] =	vst v63  }
0x28: {  	_ = 	snop  }
0x29: {  	[spmem:s9] =	stream.linear.scatter [tilespmem:s31], [sflag:$0x3], $0x2800, $0x38;
	[tilespmem:$0x1F780] =	vst v63  }
0x2a: {  	_ = 	snop  }
0x2b: {  	[spmem:s10] =	stream.linear.scatter [tilespmem:s31], [sflag:$0x3], $0x2800, $0x38;
	[tilespmem:$0x1F780] =	vst v63  }
0x2c: {  	_ = 	snop  }
0x2d: {  	[spmem:s11] =	stream.linear.scatter [tilespmem:s31], [sflag:$0x3], $0x2800, $0x38;
	[tilespmem:$0x1F780] =	vst v63  }
0x2e: {  	_ = 	snop  }
0x2f: {  	[spmem:s12] =	stream.linear.scatter [tilespmem:s31], [sflag:$0x3], $0x2800, $0x38;
	[tilespmem:$0x1F780] =	vst v63  }
0x30: {  	_ = 	snop  }
0x31: {  	[spmem:s13] =	stream.linear.scatter [tilespmem:s31], [sflag:$0x3], $0x2800, $0x38;
	[tilespmem:$0x1F780] =	vst v63  }
0x32: {  	_ = 	snop  }
0x33: {  	[spmem:s14] =	stream.linear.scatter [tilespmem:s31], [sflag:$0x3], $0x2800, $0x38;
	[tilespmem:$0x1F780] =	vst v63  }
0x34: {  	_ = 	snop  }
0x35: {  	[spmem:s15] =	stream.linear.scatter [tilespmem:s31], [sflag:$0x3], $0x2800, $0x38;
	[tilespmem:$0x1F780] =	vst v63  }
0x36: {  	_ =	swait.ge [sflag:s25], $0x2800  }
0x37: {  	[sflag:s25] =	ssyncset.done $0x0  }
0x38: {  	[sflag:s25] =	ssyncadd.s32 $0xFFFFD800  }
0x39: {  	_ =	swait.ge [sflag:s25], $0x2800  }
0x3a: {  	[sflag:s25] =	ssyncset.done $0x0  }
0x3b: {  	[sflag:s25] =	ssyncadd.s32 $0xFFFFD800  }
0x3c: {  	_ =	swait.ge [sflag:s25], $0x2800  }
0x3d: {  	[sflag:s25] =	ssyncset.done $0x0  }
0x3e: {  	[sflag:s25] =	ssyncadd.s32 $0xFFFFD800  }
0x3f: {  	_ =	swait.ge [sflag:s25], $0x2800  }
0x40: {  	[sflag:s25] =	ssyncset.done $0x0  }
0x41: {  	[sflag:s25] =	ssyncadd.s32 $0xFFFFD800  }
0x42: {  	_ =	swait.ge [sflag:s25], $0x2800  }
0x43: {  	[sflag:s25] =	ssyncset.done $0x0  }
0x44: {  	[sflag:s25] =	ssyncadd.s32 $0xFFFFD800  }
0x45: {  	_ =	swait.ge [sflag:s25], $0x2800  }
0x46: {  	[sflag:s25] =	ssyncset.done $0x0  }
0x47: {  	[sflag:s25] =	ssyncadd.s32 $0xFFFFD800  }
0x48: {  	_ =	swait.ge [sflag:s25], $0x2800  }
0x49: {  	[sflag:s25] =	ssyncset.done $0x0  }
0x4a: {  	[sflag:s25] =	ssyncadd.s32 $0xFFFFD800  }
0x4b: {  	_ =	swait.ge [sflag:s25], $0x2800  }
0x4c: {  	[sflag:s25] =	ssyncset.done $0x0  }
0x4d: {  	[sflag:s25] =	ssyncadd.s32 $0xFFFFD800  }
0x4e: {  	s16 =	simm.s32 $0x14050;
	[bflag:$0x0] =	sbarrier.arrive $0xFFFF  }
0x4f: {  	[tilespmem:s31], [sflag:$0x2] =	stream.indirect.gather [hbm4b:s4+s1], $0x80, s16, s1, $0xb8;
	[tilespmem:$0x1F780] =	vst v63  }
0x50: {  	_ =	swait.ge [sflag:s26], $0x2800  }
0x51: {  	[sflag:s26] =	ssyncset.done $0x0  }
0x52: {  	s17 =	simm.s32 $0x16780;
	[sflag:s26] =	ssyncadd.s32 $0xFFFFD800  }
0x53: {  	[spmem:s2] =	stream.indirect.scatter.add.f32 [tilespmem:s0], [sflag:$0x5], $0x80, s17, s1, $0xb8;
	[tilespmem:$0x1F780] =	vst v63  }
0x54: {  	_ =	swait.ge [sflag:s29], $0x2800  }
0x55: {  	[sflag:s29] =	ssyncset.done $0x0  }
0x56: {  	s18 =	simm.s32 $0x140A0;
	[sflag:s29] =	ssyncadd.s32 $0xFFFFD800  }
0x57: {  	[tilespmem:s0], [sflag:$0x1] =	stream.indirect.gather [hbm4b:s4+s1], $0x80, s18, s1, $0xb8;
	[tilespmem:$0x1F780] =	vst v63  }
0x58: {  	_ =	swait.ge [sflag:s30], $0x2800  }
0x59: {  	[sflag:s30] =	ssyncset.done $0x0  }
0x5a: {  	s19 =	simm.s32 $0x16800;
	[sflag:s30] =	ssyncadd.s32 $0xFFFFD800  }
0x5b: {  	[spmem:s2] =	stream.indirect.scatter.add.f32 [tilespmem:s31], [sflag:$0x5], $0x80, s19, s1, $0xb8;
	[tilespmem:$0x1F780] =	vst v63  }
0x5c: {  	s7 =	simm.s32 $0x14140;
	_ =	swait.ge [sflag:s29], $0x2800  }
0x5d: {  	s16 =	simm.s32 $0x400;
	s17 =	simm.s32 $0x800;
	[sflag:s29] =	ssyncset.done $0x0  }
.LBB2_2:
0x5e: {  	p0 =	sne.s32 s17, $0xF400;
	s18 =	sadd.s32 $0xFFFFFFB0, s7;
	[sflag:s29] =	ssyncadd.s32 $0xFFFFD800  }
0x5f: {  	[tilespmem:s31], [sflag:$0x2] =	stream.indirect.gather [hbm4b:s4+s1], $0x80, s18, s1, $0xb8;
	[tilespmem:$0x1F780] =	vst v63  }
0x60: {  	s18 =	smov.u32 s17;
	s17 =	sadd.s32 $0x400, s17;
	_ =	swait.ge [sflag:s26], $0x2800  }
0x61: {  	s19 =	sshra.s32 s16, $0x2;
	s16 =	smov.u32 s18;
	[sflag:s26] =	ssyncset.done $0x0  }
0x62: {  	s18 =	sadd.s32 $0x16780, s19;
	[sflag:s26] =	ssyncadd.s32 $0xFFFFD800  }
0x63: {  	[spmem:s2] =	stream.indirect.scatter.add.f32 [tilespmem:s0], [sflag:$0x5], $0x80, s18, s1, $0xb8;
	[tilespmem:$0x1F780] =	vst v63  }
0x64: {  	_ =	swait.ge [sflag:s29], $0x2800  }
0x65: {  	[sflag:s29] =	ssyncset.done $0x0  }
0x66: {  	[sflag:s29] =	ssyncadd.s32 $0xFFFFD800  }
0x67: {  	[tilespmem:s0], [sflag:$0x1] =	stream.indirect.gather [hbm4b:s4+s1], $0x80, s7, s1, $0xb8;
	[tilespmem:$0x1F780] =	vst v63  }
0x68: {  	_ =	swait.ge [sflag:s30], $0x2800  }
.Ltmp0:
0x69: {  	[sflag:s30] =	ssyncset.done $0x0;
	(pc) =	sbr.rel @p0 .LBB2_2-.Ltmp0, $4  }
0x6a: {  	s18 =	sadd.s32 $0x16800, s19;
	[sflag:s30] =	ssyncadd.s32 $0xFFFFD800  }
0x6b: {  	[spmem:s2] =	stream.indirect.scatter.add.f32 [tilespmem:s31], [sflag:$0x5], $0x80, s18, s1, $0xb8;
	[tilespmem:$0x1F780] =	vst v63  }
0x6c: {  	_ =	swait.ge [sflag:s29], $0x2800  }
0x6d: {  	s7 =	sadd.s32 $0xA0, s7;
	[sflag:s29] =	ssyncset.done $0x0  }
0x6e: {  	s17 =	sadd.s32 $0xFFFFFFB0, s7;
	[sflag:s29] =	ssyncadd.s32 $0xFFFFD800  }
0x6f: {  	[tilespmem:s31], [sflag:$0x2] =	stream.indirect.gather [hbm4b:s4+s1], $0x80, s17, s1, $0xb8;
	[tilespmem:$0x1F780] =	vst v63  }
0x70: {  	_ =	swait.ge [sflag:s26], $0x2800  }
0x71: {  	s16 =	sshra.s32 s16, $0x2;
	[sflag:s26] =	ssyncset.done $0x0  }
0x72: {  	s19 =	sadd.s32 $0x16780, s16;
	[sflag:s26] =	ssyncadd.s32 $0xFFFFD800  }
0x73: {  	[spmem:s2] =	stream.indirect.scatter.add.f32 [tilespmem:s0], [sflag:$0x5], $0x80, s19, s1, $0xb8;
	[tilespmem:$0x1F780] =	vst v63  }
0x74: {  	_ =	swait.ge [sflag:s29], $0x2800  }
0x75: {  	[sflag:s29] =	ssyncset.done $0x0  }
0x76: {  	[sflag:s29] =	ssyncadd.s32 $0xFFFFD800  }
0x77: {  	[tilespmem:s0], [sflag:$0x1] =	stream.indirect.gather [hbm4b:s4+s1], $0x80, s7, s1, $0xb8;
	[tilespmem:$0x1F780] =	vst v63  }
0x78: {  	_ =	swait.ge [sflag:s30], $0x2800  }
0x79: {  	[sflag:s30] =	ssyncset.done $0x0  }
0x7a: {  	s18 =	sadd.s32 $0x16800, s16;
	[sflag:s30] =	ssyncadd.s32 $0xFFFFD800  }
0x7b: {  	[spmem:s2] =	stream.indirect.scatter.add.f32 [tilespmem:s31], [sflag:$0x5], $0x80, s18, s1, $0xb8;
	[tilespmem:$0x1F780] =	vst v63  }
0x7c: {  	_ =	swait.ge [sflag:s29], $0x2800  }
0x7d: {  	[sflag:s29] =	ssyncset.done $0x0  }
0x7e: {  	[sflag:s29] =	ssyncadd.s32 $0xFFFFD800  }
0x7f: {  	_ =	swait.ge [sflag:s26], $0x2800  }
0x80: {  	[sflag:s26] =	ssyncset.done $0x0  }
0x81: {  	s19 =	simm.s32 $0x1A580;
	[sflag:s26] =	ssyncadd.s32 $0xFFFFD800  }
0x82: {  	[spmem:s2] =	stream.indirect.scatter.add.f32 [tilespmem:s0], [sflag:$0x5], $0x80, s19, s1, $0xb8;
	[tilespmem:$0x1F780] =	vst v63  }
0x83: {  	_ =	swait.ge [sflag:s29], $0x2800  }
0x84: {  	[sflag:s29] =	ssyncset.done $0x0  }
0x85: {  	[sflag:s29] =	ssyncadd.s32 $0xFFFFD800  }
0x86: {  	[bflag:$0x0] =	sbarrier.arrive $0xFFFF  }
0x87: {  	[tilespmem:s0], [sflag:$0x1] =	stream.linear.gather [spmem:s8], $0x2800, $0x38;
	[tilespmem:$0x1F780] =	vst v63  }
0x88: {  	_ =	swait.ge [sflag:s26], $0x2800  }
0x89: {  	[sflag:s26] =	ssyncset.done $0x0  }
0x8a: {  	s16 =	rddreg [dreg:$0x6];
	[sflag:s26] =	ssyncadd.s32 $0xFFFFD800  }
0x8b: {  	[hbm4b:s16+s3] =	stream.linear.scatter [tilespmem:s0], [sflag:$0x3], $0x2800, $0x38;
	[tilespmem:$0x1F780] =	vst v63  }
0x8c: {  	_ = 	snop  }
0x8d: {  	[tilespmem:s31], [sflag:$0x2] =	stream.linear.gather [spmem:s9], $0x2800, $0x38;
	[tilespmem:$0x1F780] =	vst v63  }
0x8e: {  	_ =	swait.ge [sflag:s30], $0x2800  }
0x8f: {  	[sflag:s30] =	ssyncset.done $0x0  }
0x90: {  	s17 =	rddreg [dreg:$0x7];
	[sflag:s30] =	ssyncadd.s32 $0xFFFFD800  }
0x91: {  	[hbm4b:s17+s3] =	stream.linear.scatter [tilespmem:s31], [sflag:$0x4], $0x2800, $0x38;
	[tilespmem:$0x1F780] =	vst v63  }
0x92: {  	_ =	swait.ge [sflag:s25], $0x2800  }
0x93: {  	[sflag:s25] =	ssyncset.done $0x0  }
0x94: {  	[sflag:s25] =	ssyncadd.s32 $0xFFFFD800  }
0x95: {  	[tilespmem:s0], [sflag:$0x1] =	stream.linear.gather [spmem:s10], $0x2800, $0x38;
	[tilespmem:$0x1F780] =	vst v63  }
0x96: {  	_ =	swait.ge [sflag:s26], $0x2800  }
0x97: {  	[sflag:s26] =	ssyncset.done $0x0  }
0x98: {  	s18 =	rddreg [dreg:$0x8];
	[sflag:s26] =	ssyncadd.s32 $0xFFFFD800  }
0x99: {  	[hbm4b:s18+s3] =	stream.linear.scatter [tilespmem:s0], [sflag:$0x3], $0x2800, $0x38;
	[tilespmem:$0x1F780] =	vst v63  }
0x9a: {  	_ =	swait.ge [sflag:s5], $0x2800  }
0x9b: {  	[sflag:s5] =	ssyncset.done $0x0  }
0x9c: {  	[sflag:s5] =	ssyncadd.s32 $0xFFFFD800  }
0x9d: {  	[tilespmem:s31], [sflag:$0x2] =	stream.linear.gather [spmem:s11], $0x2800, $0x38;
	[tilespmem:$0x1F780] =	vst v63  }
0x9e: {  	_ =	swait.ge [sflag:s30], $0x2800  }
0x9f: {  	[sflag:s30] =	ssyncset.done $0x0  }
0xa0: {  	s19 =	rddreg [dreg:$0x9];
	[sflag:s30] =	ssyncadd.s32 $0xFFFFD800  }
0xa1: {  	[hbm4b:s19+s3] =	stream.linear.scatter [tilespmem:s31], [sflag:$0x4], $0x2800, $0x38;
	[tilespmem:$0x1F780] =	vst v63  }
0xa2: {  	_ =	swait.ge [sflag:s25], $0x2800  }
0xa3: {  	[sflag:s25] =	ssyncset.done $0x0  }
0xa4: {  	[sflag:s25] =	ssyncadd.s32 $0xFFFFD800  }
0xa5: {  	[tilespmem:s0], [sflag:$0x1] =	stream.linear.gather [spmem:s12], $0x2800, $0x38;
	[tilespmem:$0x1F780] =	vst v63  }
0xa6: {  	_ =	swait.ge [sflag:s26], $0x2800  }
0xa7: {  	[sflag:s26] =	ssyncset.done $0x0  }
0xa8: {  	[sflag:s26] =	ssyncadd.s32 $0xFFFFD800  }
0xa9: {  	[hbm4b:s20+s3] =	stream.linear.scatter [tilespmem:s0], [sflag:$0x3], $0x2800, $0x38;
	[tilespmem:$0x1F780] =	vst v63  }
0xaa: {  	_ =	swait.ge [sflag:s5], $0x2800  }
0xab: {  	[sflag:s5] =	ssyncset.done $0x0  }
0xac: {  	[sflag:s5] =	ssyncadd.s32 $0xFFFFD800  }
0xad: {  	[tilespmem:s31], [sflag:$0x2] =	stream.linear.gather [spmem:s13], $0x2800, $0x38;
	[tilespmem:$0x1F780] =	vst v63  }
0xae: {  	_ =	swait.ge [sflag:s30], $0x2800  }
0xaf: {  	[sflag:s30] =	ssyncset.done $0x0  }
0xb0: {  	[sflag:s30] =	ssyncadd.s32 $0xFFFFD800  }
0xb1: {  	[hbm4b:s21+s3] =	stream.linear.scatter [tilespmem:s31], [sflag:$0x4], $0x2800, $0x38;
	[tilespmem:$0x1F780] =	vst v63  }
0xb2: {  	_ =	swait.ge [sflag:s25], $0x2800  }
0xb3: {  	[sflag:s25] =	ssyncset.done $0x0  }
0xb4: {  	[sflag:s25] =	ssyncadd.s32 $0xFFFFD800  }
0xb5: {  	[tilespmem:s0], [sflag:$0x1] =	stream.linear.gather [spmem:s14], $0x2800, $0x38;
	[tilespmem:$0x1F780] =	vst v63  }
0xb6: {  	_ =	swait.ge [sflag:s26], $0x2800  }
0xb7: {  	[sflag:s26] =	ssyncset.done $0x0  }
0xb8: {  	[sflag:s26] =	ssyncadd.s32 $0xFFFFD800  }
0xb9: {  	[hbm4b:s22+s3] =	stream.linear.scatter [tilespmem:s0], [sflag:$0x3], $0x2800, $0x38;
	[tilespmem:$0x1F780] =	vst v63  }
0xba: {  	_ =	swait.ge [sflag:s5], $0x2800  }
0xbb: {  	[sflag:s5] =	ssyncset.done $0x0  }
0xbc: {  	[sflag:s5] =	ssyncadd.s32 $0xFFFFD800  }
0xbd: {  	[tilespmem:s31], [sflag:$0x2] =	stream.linear.gather [spmem:s15], $0x2800, $0x38;
	[tilespmem:$0x1F780] =	vst v63  }
0xbe: {  	s6 =	sadd.s32 $0x1, s6;
	_ =	swait.ge [sflag:s30], $0x2800  }
0xbf: {  	p0 =	sne.s32 s6, s24;
	[sflag:s30] =	ssyncset.done $0x0  }
.Ltmp1:
0xc0: {  	[sflag:s30] =	ssyncadd.s32 $0xFFFFD800;
	(pc) =	sbr.rel @p0 .LBB2_1-.Ltmp1, $4  }
0xc1: {  	[hbm4b:s23+s3] =	stream.linear.scatter [tilespmem:s31], [sflag:$0x4], $0x2800, $0x38;
	[tilespmem:$0x1F780] =	vst v63  }
0xc2: {  	_ =	swait.ge [sflag:s5], $0x2800  }
0xc3: {  	[sflag:s5] =	ssyncset.done $0x0  }
0xc4: {  	[sflag:s5] =	ssyncadd.s32 $0xFFFFD800  }
0xc5: {  	_ =	sfence.sel $0x180000  }
0xc6: {  	[bflag:$0x0] =	sbarrier.arrive $0xFFFF  }
0xc7: {  	_ =	strace $0x90000047  }
0xc8: {  	s0 =	stileid.u32;
	[bflag:$0x2] =	sbarrier.arrive $0xFFFF  }
0xc9: {  	p0 =	sne.s32 s0, $0x0;
	s0 =	rddreg [dreg:$0x2]  }
0xca: {  	s0 =	sadd.s32 @!p0 $0x100000, s0  }
0xcb: {  	[sflag:s0] =	ssyncadd.tile.s32 @!p0 $0x1;
	_ =	shalt  }
.Lfunc_end2:
_tile_overlayer_lowered:
.L_overlay_start_2:
0xcc: {  	(tag) =	ssettag $0x2  }
0xcd: {  	s0 =	rddreg [dreg:$0x0];
	s2 =	stileid.u32  }
0xce: {  	s1 =	rddreg [dreg:$0x1];
	p0 =	sne.s32 s2, $0x0  }
0xcf: {  	s3 =	rddreg [dreg:$0x2];
	[bflag:$0x3] =	sbarrier.arrive $0xFFFF;
	s2 =	simm.s32 @!p0 $0x1C05  }
0xd0: {  	[timem:s3], [sflag:s2] =	dma.local @!p0 [hbm:s0], s1  }
0xd1: {  	s0 =	simm.s32 @!p0 $0x5  }
0xd2: {  	_ =	swait.ge @!p0 [sflag:s0], s1  }
0xd3: {  	s1 =	ssub.s32 @!p0 $0x0, s1;
	[sflag:s0] =	ssyncset.done @!p0 $0x0  }
0xd4: {  	[sflag:s0] =	ssyncadd.s32 @!p0 s1  }
0xd5: {  	[bflag:$0x3] =	sbarrier.arrive $0xFFFF  }
0xd6: {  	_ =	shalt  }

</sc_bundles>
